<compile_context>
chip_gen: v7x
topology: tpu7x:2x2x1
jax: 0.10.2.dev20260603
libtpu: 0.0.44.dev20260713+nightly
codegen_flags: <defaults>
</compile_context>

<pallas_src>
import functools

import jax
import jax.numpy as jnp
from jax import lax
from jax.experimental import pallas as pl
from jax.experimental.pallas import tpu as pltpu
from jax.experimental.pallas import tpu_sc as plsc

N = 10000
E = 320000
D = 128
C = 64

NC = 2
NS = 16
EPW = E // (NC * NS)
CHUNK = 100
NCHUNK = EPW // CHUNK
IB = 5
NBLK = NCHUNK // IB
N_PAD = 10240
ROWS_PER_SUB = N_PAD // NS
ZR = 64


def _sc_scatter_partials(h, idx6):
  mesh = plsc.VectorSubcoreMesh(core_axis_name="c", subcore_axis_name="s",
                                num_cores=NC, num_subcores=NS)

  @functools.partial(
      pl.kernel,
      out_type=jax.ShapeDtypeStruct((NC, N_PAD, D), jnp.float32),
      mesh=mesh,
      scratch_types=[
          pltpu.VMEM((2, 2, IB, CHUNK), jnp.int32),
          pltpu.VMEM((3, CHUNK, D), jnp.float32),
          pltpu.VMEM_SHARED((N_PAD, D), jnp.float32),
          pltpu.SemaphoreType.DMA,
          pltpu.SemaphoreType.DMA,
          pltpu.SemaphoreType.DMA,
          pltpu.SemaphoreType.DMA,
          pltpu.SemaphoreType.DMA,
          pltpu.SemaphoreType.DMA,
          pltpu.SemaphoreType.DMA,
          pltpu.SemaphoreType.DMA,
      ],
  )
  def k(h_hbm, idx_hbm, out_hbm,
        idx_v, rows_v, acc_sh, gs0, gs1, gs2, ss0, ss1, ss2, is0, is1):
    c = lax.axis_index("c")
    s = lax.axis_index("s")
    row0 = s * ROWS_PER_SUB

    @pl.loop(0, ZR)
    def _(r):
      @pl.loop(0, D, step=16)
      def _(c0):
        rows_v[0, r, pl.ds(c0, 16)] = jnp.zeros((16,), jnp.float32)

    @pl.loop(0, ROWS_PER_SUB, step=2 * ZR)
    def _(r):
      pltpu.async_copy(rows_v.at[0, pl.ds(0, ZR)],
                       acc_sh.at[pl.ds(row0 + r, ZR)], ss2)
      pltpu.async_copy(rows_v.at[0, pl.ds(0, ZR)],
                       acc_sh.at[pl.ds(row0 + r + ZR, ZR)], ss2)

    @pl.loop(0, ROWS_PER_SUB, step=ZR)
    def _(r):
      pltpu.make_async_copy(h_hbm.at[pl.ds(0, ZR)],
                            acc_sh.at[pl.ds(row0, ZR)], ss2).wait()

    plsc.subcore_barrier()

    gsems = (gs0, gs1, gs2)
    ssems = (ss0, ss1, ss2)

    @pl.loop(0, NBLK, step=2)
    def _(blk):
      dA = pltpu.async_copy(idx_hbm.at[c, s, blk], idx_v.at[0], is0)
      dB = pltpu.async_copy(idx_hbm.at[c, s, blk + 1], idx_v.at[1], is1)
      dA.wait()

      def gref(jj):
        p, j = divmod(jj, IB)
        return idx_v.at[p, 0, j]

      def sref(jj):
        p, j = divmod(jj, IB)
        return idx_v.at[p, 1, j]

      TB = 2 * IB
      gd = {}
      sd = {}
      waited = set()
      for j in range(2):
        gd[j] = pltpu.async_copy(h_hbm.at[gref(j)], rows_v.at[j], gsems[j])
      for j in range(TB):
        b = j % 3
        gd[j].wait()
        sd[j] = pltpu.async_copy(rows_v.at[b], acc_sh.at[sref(j)],
                                 ssems[b], add=True)
        nj = j + 1
        if nj < TB:
          if nj - 3 >= 0:
            sd[nj - 3].wait()
            waited.add(nj - 3)
          if nj == IB:
            dB.wait()
          gd[nj] = pltpu.async_copy(h_hbm.at[gref(nj)],
                                    rows_v.at[nj % 3], gsems[nj % 3])
      for j in range(TB):
        if j not in waited:
          sd[j].wait()

    plsc.subcore_barrier()
    pltpu.sync_copy(acc_sh.at[pl.ds(row0, ROWS_PER_SUB)],
                    out_hbm.at[c].at[pl.ds(row0, ROWS_PER_SUB)])

  return k(h, idx6)


_R = 2000


def _l2n(h):
  n = jnp.sqrt(jnp.sum(h * h, axis=1, keepdims=True))
  return h / jnp.maximum(n, 1e-12)


def _pre_body(x_ref, w_ref, b_ref, o_ref):
  h = jnp.dot(x_ref[...], w_ref[...], preferred_element_type=jnp.float32)
  h = jnp.maximum(h + b_ref[...], 0.0)
  o_ref[...] = _l2n(h)


def _tc_pre(x, W, b):
  return pl.pallas_call(
      _pre_body,
      grid=(N // _R,),
      in_specs=[
          pl.BlockSpec((_R, D), lambda i: (i, 0)),
          pl.BlockSpec((D, D), lambda i: (0, 0)),
          pl.BlockSpec((1, D), lambda i: (0, 0)),
      ],
      out_specs=pl.BlockSpec((_R, D), lambda i: (i, 0)),
      out_shape=jax.ShapeDtypeStruct((N, D), jnp.float32),
  )(x, W, b.reshape(1, D))


def _combine_body(p_ref, h_ref, wl_ref, wr_ref, b_ref, o_ref):
  agg = p_ref[0] + p_ref[1]
  z = (jnp.dot(agg, wl_ref[...], preferred_element_type=jnp.float32)
       + jnp.dot(h_ref[...], wr_ref[...], preferred_element_type=jnp.float32)
       + b_ref[...])
  o_ref[...] = jnp.maximum(_l2n(z), 0.0)


def _tc_combine(p, h, Wl, Wr, b):
  return pl.pallas_call(
      _combine_body,
      grid=(N // _R,),
      in_specs=[
          pl.BlockSpec((NC, _R, D), lambda i: (0, i, 0)),
          pl.BlockSpec((_R, D), lambda i: (i, 0)),
          pl.BlockSpec((D, D), lambda i: (0, 0)),
          pl.BlockSpec((D, D), lambda i: (0, 0)),
          pl.BlockSpec((1, D), lambda i: (0, 0)),
      ],
      out_specs=pl.BlockSpec((_R, D), lambda i: (i, 0)),
      out_shape=jax.ShapeDtypeStruct((N, D), jnp.float32),
  )(p, h, Wl, Wr, b.reshape(1, D))


def _final_body(p_ref, h_ref, wl_ref, wr_ref, b_ref, wp_ref, bp_ref, o_ref):
  agg = p_ref[0] + p_ref[1]
  z = (jnp.dot(agg, wl_ref[...], preferred_element_type=jnp.float32)
       + jnp.dot(h_ref[...], wr_ref[...], preferred_element_type=jnp.float32)
       + b_ref[...])
  h2 = jnp.maximum(_l2n(z), 0.0)
  logits = (jnp.dot(h2, wp_ref[...], preferred_element_type=jnp.float32)
            + bp_ref[...])
  m = jnp.max(logits, axis=1, keepdims=True)
  lse = m + jnp.log(jnp.sum(jnp.exp(logits - m), axis=1, keepdims=True))
  o_ref[...] = logits - lse


def _tc_final(p, h1, Wl, Wr, b, Wp, bp):
  return pl.pallas_call(
      _final_body,
      grid=(N // _R,),
      in_specs=[
          pl.BlockSpec((NC, _R, D), lambda i: (0, i, 0)),
          pl.BlockSpec((_R, D), lambda i: (i, 0)),
          pl.BlockSpec((D, D), lambda i: (0, 0)),
          pl.BlockSpec((D, D), lambda i: (0, 0)),
          pl.BlockSpec((1, D), lambda i: (0, 0)),
          pl.BlockSpec((D, C), lambda i: (0, 0)),
          pl.BlockSpec((1, C), lambda i: (0, 0)),
      ],
      out_specs=pl.BlockSpec((_R, C), lambda i: (i, 0)),
      out_shape=jax.ShapeDtypeStruct((N, C), jnp.float32),
  )(p, h1, Wl, Wr, b.reshape(1, D), Wp, bp.reshape(1, C))


def kernel(x, edge_index, W_pre, b_pre, Wl1, Wr1, b1, Wl2, Wr2, b2,
           W_post, b_post):
  idx6 = jnp.transpose(
      edge_index.astype(jnp.int32).reshape(2, NC, NS, NBLK, IB, CHUNK),
      (1, 2, 3, 0, 4, 5))

  h = _tc_pre(x, W_pre, b_pre)
  p1 = _sc_scatter_partials(h, idx6)
  h1 = _tc_combine(p1, h, Wl1, Wr1, b1)
  p2 = _sc_scatter_partials(h1, idx6)
  return _tc_final(p2, h1, Wl2, Wr2, b2, W_post, b_post)

# --- scband reference (transcript-rebuilt; emitter-appended) ---
"""Pipeline reference for scband-graph-sageclassifier-31653908972164 (READ-ONLY COPY).

The authoritative reference and input builder live on the scoring server;
editing this copy changes nothing except your own understanding.
"""

import jax, jax.numpy as jnp
import numpy as np

N = 10000
E = 320000
D = 128
C = 64

def _l2norm(v):
    n = jnp.linalg.norm(v, axis=-1, keepdims=True)
    return v / jnp.maximum(n, 1e-12)

def setup_inputs(seed: int = 0) -> dict:
    key = jax.random.key(seed)
    ks = jax.random.split(key, 13)
    s = 1.0 / np.sqrt(D)
    x = jax.random.normal(ks[0], (N, D), dtype=jnp.float32)
    edge_index = jax.random.randint(ks[1], (2, E), 0, N)
    W_pre = jax.random.normal(ks[2], (D, D), dtype=jnp.float32) * s
    b_pre = jnp.zeros((D,), dtype=jnp.float32)
    Wl1 = jax.random.normal(ks[3], (D, D), dtype=jnp.float32) * s
    Wr1 = jax.random.normal(ks[4], (D, D), dtype=jnp.float32) * s
    b1 = jnp.zeros((D,), dtype=jnp.float32)
    Wl2 = jax.random.normal(ks[5], (D, D), dtype=jnp.float32) * s
    Wr2 = jax.random.normal(ks[6], (D, D), dtype=jnp.float32) * s
    b2 = jnp.zeros((D,), dtype=jnp.float32)
    W_post = jax.random.normal(ks[7], (D, C), dtype=jnp.float32) * s
    b_post = jnp.zeros((C,), dtype=jnp.float32)
    return {"x": x, "edge_index": edge_index, "W_pre": W_pre, "b_pre": b_pre,
            "Wl1": Wl1, "Wr1": Wr1, "b1": b1, "Wl2": Wl2, "Wr2": Wr2, "b2": b2,
            "W_post": W_post, "b_post": b_post}

def reference(x, edge_index, W_pre, b_pre, Wl1, Wr1, b1, Wl2, Wr2, b2, W_post, b_post):
    src = edge_index[0]
    dst = edge_index[1]
    # pre-MLP (1 layer) + activation (dropout=0, no batch norm)
    h = x @ W_pre + b_pre
    h = jax.nn.relu(h)
    # normalize=True
    h = _l2norm(h)
    # SAGEConv layer 1: aggr='add', root_weight=True, normalize=True
    agg1 = jnp.zeros_like(h).at[dst].add(h[src])
    h1 = agg1 @ Wl1 + h @ Wr1 + b1
    h1 = _l2norm(h1)
    h1 = jax.nn.relu(h1)
    # SAGEConv layer 2 (last mp layer, no inter-layer act after it)
    agg2 = jnp.zeros_like(h1).at[dst].add(h1[src])
    h2 = agg2 @ Wl2 + h1 @ Wr2 + b2
    h2 = _l2norm(h2)
    # post: activation then post-MLP (1 layer)
    h2 = jax.nn.relu(h2)
    out = h2 @ W_post + b_post
    return jax.nn.log_softmax(out, axis=-1)

if __name__ == "__main__":
    import jax
    _d = setup_inputs()
    print(jax.jit(kernel)(*tuple(_d.values())))

</pallas_src>

<mosaic_0001>
#map = affine_map<(d0, d1) -> (0, 0)>
#map1 = affine_map<(d0, d1) -> (0, 0, 0, 0, 0, 0)>
#map2 = affine_map<(d0, d1) -> (0, 0, 0)>
module attributes {stable_mosaic.version = 14 : i64} {
  func.func @k(%arg0: i32, %arg1: i32, %arg2: memref<10000x128xf32, #tpu.memory_space<hbm>>, %arg3: memref<2x16x20x2x5x100xi32, #tpu.memory_space<hbm>>, %arg4: memref<2x10240x128xf32, #tpu.memory_space<hbm>>, %arg5: memref<2x2x5x100xi32, #tpu.memory_space<vmem>>, %arg6: memref<3x100x128xf32, #tpu.memory_space<vmem>>, %arg7: memref<10240x128xf32, #tpu.memory_space<vmem_shared>>, %arg8: memref<!tpu.dma_semaphore, #tpu.memory_space<semaphore_mem>>, %arg9: memref<!tpu.dma_semaphore, #tpu.memory_space<semaphore_mem>>, %arg10: memref<!tpu.dma_semaphore, #tpu.memory_space<semaphore_mem>>, %arg11: memref<!tpu.dma_semaphore, #tpu.memory_space<semaphore_mem>>, %arg12: memref<!tpu.dma_semaphore, #tpu.memory_space<semaphore_mem>>, %arg13: memref<!tpu.dma_semaphore, #tpu.memory_space<semaphore_mem>>, %arg14: memref<!tpu.dma_semaphore, #tpu.memory_space<semaphore_mem>>, %arg15: memref<!tpu.dma_semaphore, #tpu.memory_space<semaphore_mem>>) attributes {dimension_semantics = [#tpu.dimension_semantics<core_parallel>, #tpu.dimension_semantics<subcore_parallel>], iteration_bounds = array<i64: 2, 16>, scalar_prefetch = 0 : i64, scratch_operands = 11 : i64, tpu.core_type = #tpu.core_type<sc_vector_subcore>, window_params = [{transform_indices = #map}, {transform_indices = #map1}, {transform_indices = #map2}]} {
    %mul3A = arith.constant 640 : i32
    %mul3A_0 = arith.muli %arg1, %mul3A : i32
    %scan3A = arith.constant 0 : i32
    %scan3A_1 = arith.constant 64 : i32
    %scan3A_2 = arith.addi %scan3A, %scan3A_1 : i32
    %scan3A_3 = arith.constant 1 : i32
    scf.for %scan3A_21 = %scan3A to %scan3A_2 step %scan3A_3  : i32 {
      %mul3A_22 = arith.constant 1 : i32
      %mul3A_23 = arith.muli %scan3A_21, %mul3A_22 : i32
      %add3A = arith.constant 0 : i32
      %add3A_24 = arith.addi %add3A, %mul3A_23 : i32
      %scan3A_25 = arith.constant 0 : i32
      %scan3A_26 = arith.constant 8 : i32
      %scan3A_27 = arith.addi %scan3A_25, %scan3A_26 : i32
      %scan3A_28 = arith.constant 1 : i32
      scf.for %scan3A_30 = %scan3A_25 to %scan3A_27 step %scan3A_28  : i32 {
        %mul3A_31 = arith.constant 16 : i32
        %mul3A_32 = arith.muli %scan3A_30, %mul3A_31 : i32
        %add3A_33 = arith.constant 0 : i32
        %add3A_34 = arith.addi %add3A_33, %mul3A_32 : i32
        %broadcast_in_dim3A = arith.constant 0.000000e+00 : f32
        %broadcast_in_dim3A_35 = vector.broadcast %broadcast_in_dim3A : f32 to vector<16xf32>
        %swap3A = arith.constant 0 : i32
        %swap3A_36 = arith.index_cast %swap3A : i32 to index
        %swap3A_37 = arith.index_cast %add3A_24 : i32 to index
        %swap3A_38 = arith.index_cast %add3A_34 : i32 to index
        %swap3A_39 = tpu.vector_load %arg6[%swap3A_36, %swap3A_37, %swap3A_38] {strides = array<i32>} : memref<3x100x128xf32, #tpu.memory_space<vmem>>, vector<1x1x16xf32>,
        %swap3A_40 = vector.shape_cast %swap3A_39 : vector<1x1x16xf32> to vector<16xf32>
        %swap3A_41 = vector.shape_cast %broadcast_in_dim3A_35 : vector<16xf32> to vector<1x1x16xf32>
        tpu.vector_store %arg6[%swap3A_36, %swap3A_37, %swap3A_38], %swap3A_41 {strides = array<i32>} : memref<3x100x128xf32, #tpu.memory_space<vmem>>, vector<1x1x16xf32>,
      }
      %scan3A_29 = arith.constant 8 : i32
    }
    %scan3A_4 = arith.constant 64 : i32
    %scan3A_5 = arith.constant 0 : i32
    %scan3A_6 = arith.constant 5 : i32
    %scan3A_7 = arith.addi %scan3A_5, %scan3A_6 : i32
    %scan3A_8 = arith.constant 1 : i32
    scf.for %scan3A_21 = %scan3A_5 to %scan3A_7 step %scan3A_8  : i32 {
      %mul3A_22 = arith.constant 128 : i32
      %mul3A_23 = arith.muli %scan3A_21, %mul3A_22 : i32
      %add3A = arith.constant 0 : i32
      %add3A_24 = arith.addi %add3A, %mul3A_23 : i32
      %add3A_25 = arith.addi %mul3A_0, %add3A_24 : i32
      %dma_start3A = arith.constant 0 : i32
      %dma_start3A_26 = arith.constant 0 : i32
      %dma_start3A_27 = arith.constant 0 : i32
      %dma_start3A_28 = tpu.memref_slice %arg6[%dma_start3A, %dma_start3A_26, %dma_start3A_27] : memref<3x100x128xf32, #tpu.memory_space<vmem>> -> memref<1x64x128xf32, #tpu.memory_space<vmem>>
      %dma_start3A_29 = tpu.memref_squeeze %dma_start3A_28 : memref<1x64x128xf32, #tpu.memory_space<vmem>> -> memref<64x128xf32, #tpu.memory_space<vmem>>
      %dma_start3A_30 = arith.constant 0 : i32
      %dma_start3A_31 = tpu.memref_slice %arg7[%add3A_25, %dma_start3A_30] : memref<10240x128xf32, #tpu.memory_space<vmem_shared>> -> memref<64x128xf32, #tpu.memory_space<vmem_shared>>
      %dma_start3A_32 = arith.constant 0 : i32
      %dma_start3A_33 = tpu.memref_slice %arg7[%add3A_25, %dma_start3A_32] : memref<10240x128xf32, #tpu.memory_space<vmem_shared>> -> memref<64x128xf32, #tpu.memory_space<vmem_shared>>
      %dma_start3A_34 = arith.constant 0 : i32
      %dma_start3A_35 = arith.constant 0 : i32
      %dma_start3A_36 = tpu.memref_slice %arg6[%dma_start3A, %dma_start3A_34, %dma_start3A_35] : memref<3x100x128xf32, #tpu.memory_space<vmem>> -> memref<1x64x128xf32, #tpu.memory_space<vmem>>
      %dma_start3A_37 = tpu.memref_squeeze %dma_start3A_36 : memref<1x64x128xf32, #tpu.memory_space<vmem>> -> memref<64x128xf32, #tpu.memory_space<vmem>>
      tpu.enqueue_dma source(%dma_start3A_37 : memref<64x128xf32, #tpu.memory_space<vmem>>) target(%dma_start3A_33 : memref<64x128xf32, #tpu.memory_space<vmem_shared>>) target_semaphore(%arg13 : memref<!tpu.dma_semaphore, #tpu.memory_space<semaphore_mem>>)
      %add3A_38 = arith.addi %mul3A_0, %add3A_24 : i32
      %add3A_39 = arith.constant 64 : i32
      %add3A_40 = arith.addi %add3A_38, %add3A_39 : i32
      %dma_start3A_41 = arith.constant 0 : i32
      %dma_start3A_42 = arith.constant 0 : i32
      %dma_start3A_43 = arith.constant 0 : i32
      %dma_start3A_44 = tpu.memref_slice %arg6[%dma_start3A_41, %dma_start3A_42, %dma_start3A_43] : memref<3x100x128xf32, #tpu.memory_space<vmem>> -> memref<1x64x128xf32, #tpu.memory_space<vmem>>
      %dma_start3A_45 = tpu.memref_squeeze %dma_start3A_44 : memref<1x64x128xf32, #tpu.memory_space<vmem>> -> memref<64x128xf32, #tpu.memory_space<vmem>>
      %dma_start3A_46 = arith.constant 0 : i32
      %dma_start3A_47 = tpu.memref_slice %arg7[%add3A_40, %dma_start3A_46] : memref<10240x128xf32, #tpu.memory_space<vmem_shared>> -> memref<64x128xf32, #tpu.memory_space<vmem_shared>>
      %dma_start3A_48 = arith.constant 0 : i32
      %dma_start3A_49 = tpu.memref_slice %arg7[%add3A_40, %dma_start3A_48] : memref<10240x128xf32, #tpu.memory_space<vmem_shared>> -> memref<64x128xf32, #tpu.memory_space<vmem_shared>>
      %dma_start3A_50 = arith.constant 0 : i32
      %dma_start3A_51 = arith.constant 0 : i32
      %dma_start3A_52 = tpu.memref_slice %arg6[%dma_start3A_41, %dma_start3A_50, %dma_start3A_51] : memref<3x100x128xf32, #tpu.memory_space<vmem>> -> memref<1x64x128xf32, #tpu.memory_space<vmem>>
      %dma_start3A_53 = tpu.memref_squeeze %dma_start3A_52 : memref<1x64x128xf32, #tpu.memory_space<vmem>> -> memref<64x128xf32, #tpu.memory_space<vmem>>
      tpu.enqueue_dma source(%dma_start3A_53 : memref<64x128xf32, #tpu.memory_space<vmem>>) target(%dma_start3A_49 : memref<64x128xf32, #tpu.memory_space<vmem_shared>>) target_semaphore(%arg13 : memref<!tpu.dma_semaphore, #tpu.memory_space<semaphore_mem>>)
    }
    %scan3A_9 = arith.constant 5 : i32
    %scan3A_10 = arith.constant 0 : i32
    %scan3A_11 = arith.constant 10 : i32
    %scan3A_12 = arith.addi %scan3A_10, %scan3A_11 : i32
    %scan3A_13 = arith.constant 1 : i32
    scf.for %scan3A_21 = %scan3A_10 to %scan3A_12 step %scan3A_13  : i32 {
      %mul3A_22 = arith.constant 64 : i32
      %mul3A_23 = arith.muli %scan3A_21, %mul3A_22 : i32
      %add3A = arith.constant 0 : i32
      %add3A_24 = arith.addi %add3A, %mul3A_23 : i32
      %dma_wait3A = arith.constant 0 : i32
      %dma_wait3A_25 = tpu.memref_slice %arg7[%mul3A_0, %dma_wait3A] : memref<10240x128xf32, #tpu.memory_space<vmem_shared>> -> memref<64x128xf32, #tpu.memory_space<vmem_shared>>
      %dma_wait3A_26 = arith.constant 0 : i32
      %dma_wait3A_27 = arith.constant 0 : i32
      %dma_wait3A_28 = tpu.memref_slice %arg2[%dma_wait3A_26, %dma_wait3A_27] : memref<10000x128xf32, #tpu.memory_space<hbm>> -> memref<64x128xf32, #tpu.memory_space<hbm>>
      tpu.wait_dma2 semaphore(%arg13 : memref<!tpu.dma_semaphore, #tpu.memory_space<semaphore_mem>>) src(%dma_wait3A_28 : memref<64x128xf32, #tpu.memory_space<hbm>>) dst(%dma_wait3A_25 : memref<64x128xf32, #tpu.memory_space<vmem_shared>>)
    }
    %scan3A_14 = arith.constant 10 : i32
    %barrier3A = arith.constant 0 : index
    tpu.barrier barrier_id(%barrier3A)
    %scan3A_15 = arith.constant 0 : i32
    %scan3A_16 = arith.constant 10 : i32
    %scan3A_17 = arith.addi %scan3A_15, %scan3A_16 : i32
    %scan3A_18 = arith.constant 1 : i32
    scf.for %scan3A_21 = %scan3A_15 to %scan3A_17 step %scan3A_18  : i32 {
      %mul3A_22 = arith.constant 2 : i32
      %mul3A_23 = arith.muli %scan3A_21, %mul3A_22 : i32
      %add3A = arith.constant 0 : i32
      %add3A_24 = arith.addi %add3A, %mul3A_23 : i32
      %dma_start3A = arith.constant 0 : i32
      %dma_start3A_25 = arith.constant 0 : i32
      %dma_start3A_26 = arith.constant 0 : i32
      %dma_start3A_27 = arith.constant 0 : i32
      %dma_start3A_28 = tpu.memref_slice %arg5[%dma_start3A, %dma_start3A_25, %dma_start3A_26, %dma_start3A_27] : memref<2x2x5x100xi32, #tpu.memory_space<vmem>> -> memref<1x2x5x100xi32, #tpu.memory_space<vmem>>
      %dma_start3A_29 = tpu.memref_squeeze %dma_start3A_28 : memref<1x2x5x100xi32, #tpu.memory_space<vmem>> -> memref<2x5x100xi32, #tpu.memory_space<vmem>>
      %dma_start3A_30 = arith.constant 0 : i32
      %dma_start3A_31 = arith.constant 0 : i32
      %dma_start3A_32 = arith.constant 0 : i32
      %dma_start3A_33 = tpu.memref_slice %arg3[%arg0, %arg1, %add3A_24, %dma_start3A_30, %dma_start3A_31, %dma_start3A_32] : memref<2x16x20x2x5x100xi32, #tpu.memory_space<hbm>> -> memref<1x1x1x2x5x100xi32, #tpu.memory_space<hbm>>
      %dma_start3A_34 = tpu.memref_squeeze %dma_start3A_33 : memref<1x1x1x2x5x100xi32, #tpu.memory_space<hbm>> -> memref<2x5x100xi32, #tpu.memory_space<hbm>>
      %dma_start3A_35 = arith.constant 0 : i32
      %dma_start3A_36 = arith.constant 0 : i32
      %dma_start3A_37 = arith.constant 0 : i32
      %dma_start3A_38 = tpu.memref_slice %arg5[%dma_start3A, %dma_start3A_35, %dma_start3A_36, %dma_start3A_37] : memref<2x2x5x100xi32, #tpu.memory_space<vmem>> -> memref<1x2x5x100xi32, #tpu.memory_space<vmem>>
      %dma_start3A_39 = tpu.memref_squeeze %dma_start3A_38 : memref<1x2x5x100xi32, #tpu.memory_space<vmem>> -> memref<2x5x100xi32, #tpu.memory_space<vmem>>
      %dma_start3A_40 = arith.constant 0 : i32
      %dma_start3A_41 = arith.constant 0 : i32
      %dma_start3A_42 = arith.constant 0 : i32
      %dma_start3A_43 = tpu.memref_slice %arg3[%arg0, %arg1, %add3A_24, %dma_start3A_40, %dma_start3A_41, %dma_start3A_42] : memref<2x16x20x2x5x100xi32, #tpu.memory_space<hbm>> -> memref<1x1x1x2x5x100xi32, #tpu.memory_space<hbm>>
      %dma_start3A_44 = tpu.memref_squeeze %dma_start3A_43 : memref<1x1x1x2x5x100xi32, #tpu.memory_space<hbm>> -> memref<2x5x100xi32, #tpu.memory_space<hbm>>
      tpu.enqueue_dma source(%dma_start3A_44 : memref<2x5x100xi32, #tpu.memory_space<hbm>>) target(%dma_start3A_39 : memref<2x5x100xi32, #tpu.memory_space<vmem>>) target_semaphore(%arg14 : memref<!tpu.dma_semaphore, #tpu.memory_space<semaphore_mem>>)
      %add3A_45 = arith.constant 1 : i32
      %add3A_46 = arith.addi %add3A_24, %add3A_45 : i32
      %dma_start3A_47 = arith.constant 1 : i32
      %dma_start3A_48 = arith.constant 0 : i32
      %dma_start3A_49 = arith.constant 0 : i32
      %dma_start3A_50 = arith.constant 0 : i32
      %dma_start3A_51 = tpu.memref_slice %arg5[%dma_start3A_47, %dma_start3A_48, %dma_start3A_49, %dma_start3A_50] : memref<2x2x5x100xi32, #tpu.memory_space<vmem>> -> memref<1x2x5x100xi32, #tpu.memory_space<vmem>>
      %dma_start3A_52 = tpu.memref_squeeze %dma_start3A_51 : memref<1x2x5x100xi32, #tpu.memory_space<vmem>> -> memref<2x5x100xi32, #tpu.memory_space<vmem>>
      %dma_start3A_53 = arith.constant 0 : i32
      %dma_start3A_54 = arith.constant 0 : i32
      %dma_start3A_55 = arith.constant 0 : i32
      %dma_start3A_56 = tpu.memref_slice %arg3[%arg0, %arg1, %add3A_46, %dma_start3A_53, %dma_start3A_54, %dma_start3A_55] : memref<2x16x20x2x5x100xi32, #tpu.memory_space<hbm>> -> memref<1x1x1x2x5x100xi32, #tpu.memory_space<hbm>>
      %dma_start3A_57 = tpu.memref_squeeze %dma_start3A_56 : memref<1x1x1x2x5x100xi32, #tpu.memory_space<hbm>> -> memref<2x5x100xi32, #tpu.memory_space<hbm>>
      %dma_start3A_58 = arith.constant 0 : i32
      %dma_start3A_59 = arith.constant 0 : i32
      %dma_start3A_60 = arith.constant 0 : i32
      %dma_start3A_61 = tpu.memref_slice %arg5[%dma_start3A_47, %dma_start3A_58, %dma_start3A_59, %dma_start3A_60] : memref<2x2x5x100xi32, #tpu.memory_space<vmem>> -> memref<1x2x5x100xi32, #tpu.memory_space<vmem>>
      %dma_start3A_62 = tpu.memref_squeeze %dma_start3A_61 : memref<1x2x5x100xi32, #tpu.memory_space<vmem>> -> memref<2x5x100xi32, #tpu.memory_space<vmem>>
      %dma_start3A_63 = arith.constant 0 : i32
      %dma_start3A_64 = arith.constant 0 : i32
      %dma_start3A_65 = arith.constant 0 : i32
      %dma_start3A_66 = tpu.memref_slice %arg3[%arg0, %arg1, %add3A_46, %dma_start3A_63, %dma_start3A_64, %dma_start3A_65] : memref<2x16x20x2x5x100xi32, #tpu.memory_space<hbm>> -> memref<1x1x1x2x5x100xi32, #tpu.memory_space<hbm>>
      %dma_start3A_67 = tpu.memref_squeeze %dma_start3A_66 : memref<1x1x1x2x5x100xi32, #tpu.memory_space<hbm>> -> memref<2x5x100xi32, #tpu.memory_space<hbm>>
      tpu.enqueue_dma source(%dma_start3A_67 : memref<2x5x100xi32, #tpu.memory_space<hbm>>) target(%dma_start3A_62 : memref<2x5x100xi32, #tpu.memory_space<vmem>>) target_semaphore(%arg15 : memref<!tpu.dma_semaphore, #tpu.memory_space<semaphore_mem>>)
      %dma_wait3A = arith.constant 0 : i32
      %dma_wait3A_68 = arith.constant 0 : i32
      %dma_wait3A_69 = arith.constant 0 : i32
      %dma_wait3A_70 = arith.constant 0 : i32
      %dma_wait3A_71 = tpu.memref_slice %arg5[%dma_wait3A, %dma_wait3A_68, %dma_wait3A_69, %dma_wait3A_70] : memref<2x2x5x100xi32, #tpu.memory_space<vmem>> -> memref<1x2x5x100xi32, #tpu.memory_space<vmem>>
      %dma_wait3A_72 = tpu.memref_squeeze %dma_wait3A_71 : memref<1x2x5x100xi32, #tpu.memory_space<vmem>> -> memref<2x5x100xi32, #tpu.memory_space<vmem>>
      %dma_wait3A_73 = arith.constant 0 : i32
      %dma_wait3A_74 = arith.constant 0 : i32
      %dma_wait3A_75 = arith.constant 0 : i32
      %dma_wait3A_76 = tpu.memref_slice %arg3[%arg0, %arg1, %add3A_24, %dma_wait3A_73, %dma_wait3A_74, %dma_wait3A_75] : memref<2x16x20x2x5x100xi32, #tpu.memory_space<hbm>> -> memref<1x1x1x2x5x100xi32, #tpu.memory_space<hbm>>
      %dma_wait3A_77 = tpu.memref_squeeze %dma_wait3A_76 : memref<1x1x1x2x5x100xi32, #tpu.memory_space<hbm>> -> memref<2x5x100xi32, #tpu.memory_space<hbm>>
      %dma_wait3A_78 = arith.constant 0 : i32
      %dma_wait3A_79 = arith.constant 0 : i32
      %dma_wait3A_80 = arith.constant 0 : i32
      %dma_wait3A_81 = tpu.memref_slice %arg5[%dma_wait3A, %dma_wait3A_78, %dma_wait3A_79, %dma_wait3A_80] : memref<2x2x5x100xi32, #tpu.memory_space<vmem>> -> memref<1x2x5x100xi32, #tpu.memory_space<vmem>>
      %dma_wait3A_82 = tpu.memref_squeeze %dma_wait3A_81 : memref<1x2x5x100xi32, #tpu.memory_space<vmem>> -> memref<2x5x100xi32, #tpu.memory_space<vmem>>
      %dma_wait3A_83 = arith.constant 0 : i32
      %dma_wait3A_84 = arith.constant 0 : i32
      %dma_wait3A_85 = arith.constant 0 : i32
      %dma_wait3A_86 = tpu.memref_slice %arg3[%arg0, %arg1, %add3A_24, %dma_wait3A_83, %dma_wait3A_84, %dma_wait3A_85] : memref<2x16x20x2x5x100xi32, #tpu.memory_space<hbm>> -> memref<1x1x1x2x5x100xi32, #tpu.memory_space<hbm>>
      %dma_wait3A_87 = tpu.memref_squeeze %dma_wait3A_86 : memref<1x1x1x2x5x100xi32, #tpu.memory_space<hbm>> -> memref<2x5x100xi32, #tpu.memory_space<hbm>>
      tpu.wait_dma2 semaphore(%arg14 : memref<!tpu.dma_semaphore, #tpu.memory_space<semaphore_mem>>) src(%dma_wait3A_87 : memref<2x5x100xi32, #tpu.memory_space<hbm>>) dst(%dma_wait3A_82 : memref<2x5x100xi32, #tpu.memory_space<vmem>>)
      %dma_start3A_88 = arith.constant 0 : i32
      %dma_start3A_89 = arith.constant 0 : i32
      %dma_start3A_90 = arith.constant 0 : i32
      %dma_start3A_91 = arith.constant 0 : i32
      %dma_start3A_92 = arith.constant 0 : i32
      %dma_start3A_93 = arith.constant 0 : i32
      %dma_start3A_94 = tpu.memref_slice %arg6[%dma_start3A_91, %dma_start3A_92, %dma_start3A_93] : memref<3x100x128xf32, #tpu.memory_space<vmem>> -> memref<1x100x128xf32, #tpu.memory_space<vmem>>
      %dma_start3A_95 = tpu.memref_squeeze %dma_start3A_94 : memref<1x100x128xf32, #tpu.memory_space<vmem>> -> memref<100x128xf32, #tpu.memory_space<vmem>>
      %dma_start3A_96 = arith.constant 0 : i32
      %dma_start3A_97 = tpu.memref_slice %arg5[%dma_start3A_88, %dma_start3A_89, %dma_start3A_90, %dma_start3A_96] : memref<2x2x5x100xi32, #tpu.memory_space<vmem>> -> memref<1x1x1x100xi32, #tpu.memory_space<vmem>>
      %dma_start3A_98 = tpu.memref_squeeze %dma_start3A_97 : memref<1x1x1x100xi32, #tpu.memory_space<vmem>> -> memref<100xi32, #tpu.memory_space<vmem>>
      %dma_start3A_99 = arith.constant 0 : i32
      %dma_start3A_100 = arith.constant 0 : i32
      %dma_start3A_101 = tpu.memref_slice %arg2[%dma_start3A_99, %dma_start3A_100] : memref<10000x128xf32, #tpu.memory_space<hbm>> -> memref<10000x128xf32, #tpu.memory_space<hbm>>
      tpu.enqueue_indirect_dma source(%dma_start3A_101 : memref<10000x128xf32, #tpu.memory_space<hbm>>) target(%dma_start3A_95 : memref<100x128xf32, #tpu.memory_space<vmem>>) offsets(%dma_start3A_98 : memref<100xi32, #tpu.memory_space<vmem>>) semaphore(%arg8 : memref<!tpu.dma_semaphore, #tpu.memory_space<semaphore_mem>>)
      %dma_start3A_102 = arith.constant 0 : i32
      %dma_start3A_103 = arith.constant 0 : i32
      %dma_start3A_104 = arith.constant 1 : i32
      %dma_start3A_105 = arith.constant 1 : i32
      %dma_start3A_106 = arith.constant 0 : i32
      %dma_start3A_107 = arith.constant 0 : i32
      %dma_start3A_108 = tpu.memref_slice %arg6[%dma_start3A_105, %dma_start3A_106, %dma_start3A_107] : memref<3x100x128xf32, #tpu.memory_space<vmem>> -> memref<1x100x128xf32, #tpu.memory_space<vmem>>
      %dma_start3A_109 = tpu.memref_squeeze %dma_start3A_108 : memref<1x100x128xf32, #tpu.memory_space<vmem>> -> memref<100x128xf32, #tpu.memory_space<vmem>>
      %dma_start3A_110 = arith.constant 0 : i32
      %dma_start3A_111 = tpu.memref_slice %arg5[%dma_start3A_102, %dma_start3A_103, %dma_start3A_104, %dma_start3A_110] : memref<2x2x5x100xi32, #tpu.memory_space<vmem>> -> memref<1x1x1x100xi32, #tpu.memory_space<vmem>>
      %dma_start3A_112 = tpu.memref_squeeze %dma_start3A_111 : memref<1x1x1x100xi32, #tpu.memory_space<vmem>> -> memref<100xi32, #tpu.memory_space<vmem>>
      %dma_start3A_113 = arith.constant 0 : i32
      %dma_start3A_114 = arith.constant 0 : i32
      %dma_start3A_115 = tpu.memref_slice %arg2[%dma_start3A_113, %dma_start3A_114] : memref<10000x128xf32, #tpu.memory_space<hbm>> -> memref<10000x128xf32, #tpu.memory_space<hbm>>
      tpu.enqueue_indirect_dma source(%dma_start3A_115 : memref<10000x128xf32, #tpu.memory_space<hbm>>) target(%dma_start3A_109 : memref<100x128xf32, #tpu.memory_space<vmem>>) offsets(%dma_start3A_112 : memref<100xi32, #tpu.memory_space<vmem>>) semaphore(%arg9 : memref<!tpu.dma_semaphore, #tpu.memory_space<semaphore_mem>>)
      %dma_wait3A_116 = arith.constant 0 : i32
      %dma_wait3A_117 = arith.constant 0 : i32
      %dma_wait3A_118 = arith.constant 0 : i32
      %dma_wait3A_119 = arith.constant 0 : i32
      %dma_wait3A_120 = arith.constant 0 : i32
      %dma_wait3A_121 = arith.constant 0 : i32
      %dma_wait3A_122 = tpu.memref_slice %arg6[%dma_wait3A_119, %dma_wait3A_120, %dma_wait3A_121] : memref<3x100x128xf32, #tpu.memory_space<vmem>> -> memref<1x100x128xf32, #tpu.memory_space<vmem>>
      %dma_wait3A_123 = tpu.memref_squeeze %dma_wait3A_122 : memref<1x100x128xf32, #tpu.memory_space<vmem>> -> memref<100x128xf32, #tpu.memory_space<vmem>>
      %dma_wait3A_124 = arith.constant 0 : i32
      %dma_wait3A_125 = tpu.memref_slice %arg5[%dma_wait3A_116, %dma_wait3A_117, %dma_wait3A_118, %dma_wait3A_124] : memref<2x2x5x100xi32, #tpu.memory_space<vmem>> -> memref<1x1x1x100xi32, #tpu.memory_space<vmem>>
      %dma_wait3A_126 = tpu.memref_squeeze %dma_wait3A_125 : memref<1x1x1x100xi32, #tpu.memory_space<vmem>> -> memref<100xi32, #tpu.memory_space<vmem>>
      %dma_wait3A_127 = arith.constant 0 : i32
      %dma_wait3A_128 = arith.constant 0 : i32
      %dma_wait3A_129 = tpu.memref_slice %arg2[%dma_wait3A_127, %dma_wait3A_128] : memref<10000x128xf32, #tpu.memory_space<hbm>> -> memref<10000x128xf32, #tpu.memory_space<hbm>>
      tpu.wait_indirect_dma semaphore(%arg8 : memref<!tpu.dma_semaphore, #tpu.memory_space<semaphore_mem>>) src(%dma_wait3A_129 : memref<10000x128xf32, #tpu.memory_space<hbm>>) dst(%dma_wait3A_123 : memref<100x128xf32, #tpu.memory_space<vmem>>)
      %dma_start3A_130 = arith.constant 0 : i32
      %dma_start3A_131 = arith.constant 0 : i32
      %dma_start3A_132 = arith.constant 1 : i32
      %dma_start3A_133 = arith.constant 0 : i32
      %dma_start3A_134 = arith.constant 0 : i32
      %dma_start3A_135 = arith.constant 0 : i32
      %dma_start3A_136 = tpu.memref_slice %arg6[%dma_start3A_130, %dma_start3A_134, %dma_start3A_135] : memref<3x100x128xf32, #tpu.memory_space<vmem>> -> memref<1x100x128xf32, #tpu.memory_space<vmem>>
      %dma_start3A_137 = tpu.memref_squeeze %dma_start3A_136 : memref<1x100x128xf32, #tpu.memory_space<vmem>> -> memref<100x128xf32, #tpu.memory_space<vmem>>
      %dma_start3A_138 = arith.constant 0 : i32
      %dma_start3A_139 = tpu.memref_slice %arg5[%dma_start3A_131, %dma_start3A_132, %dma_start3A_133, %dma_start3A_138] : memref<2x2x5x100xi32, #tpu.memory_space<vmem>> -> memref<1x1x1x100xi32, #tpu.memory_space<vmem>>
      %dma_start3A_140 = tpu.memref_squeeze %dma_start3A_139 : memref<1x1x1x100xi32, #tpu.memory_space<vmem>> -> memref<100xi32, #tpu.memory_space<vmem>>
      %dma_start3A_141 = arith.constant 0 : i32
      %dma_start3A_142 = arith.constant 0 : i32
      %dma_start3A_143 = tpu.memref_slice %arg7[%dma_start3A_141, %dma_start3A_142] : memref<10240x128xf32, #tpu.memory_space<vmem_shared>> -> memref<10240x128xf32, #tpu.memory_space<vmem_shared>>
      tpu.enqueue_indirect_dma source(%dma_start3A_137 : memref<100x128xf32, #tpu.memory_space<vmem>>) target(%dma_start3A_143 : memref<10240x128xf32, #tpu.memory_space<vmem_shared>>) offsets(%dma_start3A_140 : memref<100xi32, #tpu.memory_space<vmem>>) semaphore(%arg11 : memref<!tpu.dma_semaphore, #tpu.memory_space<semaphore_mem>>) {add = true}
      %dma_start3A_144 = arith.constant 0 : i32
      %dma_start3A_145 = arith.constant 0 : i32
      %dma_start3A_146 = arith.constant 1 : i32
      %dma_start3A_147 = arith.constant 1 : i32
      %dma_start3A_148 = arith.constant 0 : i32
      %dma_start3A_149 = arith.constant 0 : i32
      %dma_start3A_150 = tpu.memref_slice %arg6[%dma_start3A_147, %dma_start3A_148, %dma_start3A_149] : memref<3x100x128xf32, #tpu.memory_space<vmem>> -> memref<1x100x128xf32, #tpu.memory_space<vmem>>
      %dma_start3A_151 = tpu.memref_squeeze %dma_start3A_150 : memref<1x100x128xf32, #tpu.memory_space<vmem>> -> memref<100x128xf32, #tpu.memory_space<vmem>>
      %dma_start3A_152 = arith.constant 0 : i32
      %dma_start3A_153 = tpu.memref_slice %arg5[%dma_start3A_144, %dma_start3A_145, %dma_start3A_146, %dma_start3A_152] : memref<2x2x5x100xi32, #tpu.memory_space<vmem>> -> memref<1x1x1x100xi32, #tpu.memory_space<vmem>>
      %dma_start3A_154 = tpu.memref_squeeze %dma_start3A_153 : memref<1x1x1x100xi32, #tpu.memory_space<vmem>> -> memref<100xi32, #tpu.memory_space<vmem>>
      %dma_start3A_155 = arith.constant 0 : i32
      %dma_start3A_156 = arith.constant 0 : i32
      %dma_start3A_157 = tpu.memref_slice %arg2[%dma_start3A_155, %dma_start3A_156] : memref<10000x128xf32, #tpu.memory_space<hbm>> -> memref<10000x128xf32, #tpu.memory_space<hbm>>
      tpu.enqueue_indirect_dma source(%dma_start3A_157 : memref<10000x128xf32, #tpu.memory_space<hbm>>) target(%dma_start3A_151 : memref<100x128xf32, #tpu.memory_space<vmem>>) offsets(%dma_start3A_154 : memref<100xi32, #tpu.memory_space<vmem>>) semaphore(%arg9 : memref<!tpu.dma_semaphore, #tpu.memory_space<semaphore_mem>>)
      %dma_wait3A_158 = arith.constant 0 : i32
      %dma_wait3A_159 = arith.constant 0 : i32
      %dma_wait3A_160 = arith.constant 1 : i32
      %dma_wait3A_161 = arith.constant 1 : i32
      %dma_wait3A_162 = arith.constant 0 : i32
      %dma_wait3A_163 = arith.constant 0 : i32
      %dma_wait3A_164 = tpu.memref_slice %arg6[%dma_wait3A_161, %dma_wait3A_162, %dma_wait3A_163] : memref<3x100x128xf32, #tpu.memory_space<vmem>> -> memref<1x100x128xf32, #tpu.memory_space<vmem>>
      %dma_wait3A_165 = tpu.memref_squeeze %dma_wait3A_164 : memref<1x100x128xf32, #tpu.memory_space<vmem>> -> memref<100x128xf32, #tpu.memory_space<vmem>>
      %dma_wait3A_166 = arith.constant 0 : i32
      %dma_wait3A_167 = tpu.memref_slice %arg5[%dma_wait3A_158, %dma_wait3A_159, %dma_wait3A_160, %dma_wait3A_166] : memref<2x2x5x100xi32, #tpu.memory_space<vmem>> -> memref<1x1x1x100xi32, #tpu.memory_space<vmem>>
      %dma_wait3A_168 = tpu.memref_squeeze %dma_wait3A_167 : memref<1x1x1x100xi32, #tpu.memory_space<vmem>> -> memref<100xi32, #tpu.memory_space<vmem>>
      %dma_wait3A_169 = arith.constant 0 : i32
      %dma_wait3A_170 = arith.constant 0 : i32
      %dma_wait3A_171 = tpu.memref_slice %arg2[%dma_wait3A_169, %dma_wait3A_170] : memref<10000x128xf32, #tpu.memory_space<hbm>> -> memref<10000x128xf32, #tpu.memory_space<hbm>>
      tpu.wait_indirect_dma semaphore(%arg9 : memref<!tpu.dma_semaphore, #tpu.memory_space<semaphore_mem>>) src(%dma_wait3A_171 : memref<10000x128xf32, #tpu.memory_space<hbm>>) dst(%dma_wait3A_165 : memref<100x128xf32, #tpu.memory_space<vmem>>)
      %dma_start3A_172 = arith.constant 1 : i32
      %dma_start3A_173 = arith.constant 0 : i32
      %dma_start3A_174 = arith.constant 1 : i32
      %dma_start3A_175 = arith.constant 1 : i32
      %dma_start3A_176 = arith.constant 0 : i32
      %dma_start3A_177 = arith.constant 0 : i32
      %dma_start3A_178 = tpu.memref_slice %arg6[%dma_start3A_172, %dma_start3A_176, %dma_start3A_177] : memref<3x100x128xf32, #tpu.memory_space<vmem>> -> memref<1x100x128xf32, #tpu.memory_space<vmem>>
      %dma_start3A_179 = tpu.memref_squeeze %dma_start3A_178 : memref<1x100x128xf32, #tpu.memory_space<vmem>> -> memref<100x128xf32, #tpu.memory_space<vmem>>
      %dma_start3A_180 = arith.constant 0 : i32
      %dma_start3A_181 = tpu.memref_slice %arg5[%dma_start3A_173, %dma_start3A_174, %dma_start3A_175, %dma_start3A_180] : memref<2x2x5x100xi32, #tpu.memory_space<vmem>> -> memref<1x1x1x100xi32, #tpu.memory_space<vmem>>
      %dma_start3A_182 = tpu.memref_squeeze %dma_start3A_181 : memref<1x1x1x100xi32, #tpu.memory_space<vmem>> -> memref<100xi32, #tpu.memory_space<vmem>>
      %dma_start3A_183 = arith.constant 0 : i32
      %dma_start3A_184 = arith.constant 0 : i32
      %dma_start3A_185 = tpu.memref_slice %arg7[%dma_start3A_183, %dma_start3A_184] : memref<10240x128xf32, #tpu.memory_space<vmem_shared>> -> memref<10240x128xf32, #tpu.memory_space<vmem_shared>>
      tpu.enqueue_indirect_dma source(%dma_start3A_179 : memref<100x128xf32, #tpu.memory_space<vmem>>) target(%dma_start3A_185 : memref<10240x128xf32, #tpu.memory_space<vmem_shared>>) offsets(%dma_start3A_182 : memref<100xi32, #tpu.memory_space<vmem>>) semaphore(%arg12 : memref<!tpu.dma_semaphore, #tpu.memory_space<semaphore_mem>>) {add = true}
      %dma_start3A_186 = arith.constant 0 : i32
      %dma_start3A_187 = arith.constant 0 : i32
      %dma_start3A_188 = arith.constant 2 : i32
      %dma_start3A_189 = arith.constant 2 : i32
      %dma_start3A_190 = arith.constant 0 : i32
      %dma_start3A_191 = arith.constant 0 : i32
      %dma_start3A_192 = tpu.memref_slice %arg6[%dma_start3A_189, %dma_start3A_190, %dma_start3A_191] : memref<3x100x128xf32, #tpu.memory_space<vmem>> -> memref<1x100x128xf32, #tpu.memory_space<vmem>>
      %dma_start3A_193 = tpu.memref_squeeze %dma_start3A_192 : memref<1x100x128xf32, #tpu.memory_space<vmem>> -> memref<100x128xf32, #tpu.memory_space<vmem>>
      %dma_start3A_194 = arith.constant 0 : i32
      %dma_start3A_195 = tpu.memref_slice %arg5[%dma_start3A_186, %dma_start3A_187, %dma_start3A_188, %dma_start3A_194] : memref<2x2x5x100xi32, #tpu.memory_space<vmem>> -> memref<1x1x1x100xi32, #tpu.memory_space<vmem>>
      %dma_start3A_196 = tpu.memref_squeeze %dma_start3A_195 : memref<1x1x1x100xi32, #tpu.memory_space<vmem>> -> memref<100xi32, #tpu.memory_space<vmem>>
      %dma_start3A_197 = arith.constant 0 : i32
      %dma_start3A_198 = arith.constant 0 : i32
      %dma_start3A_199 = tpu.memref_slice %arg2[%dma_start3A_197, %dma_start3A_198] : memref<10000x128xf32, #tpu.memory_space<hbm>> -> memref<10000x128xf32, #tpu.memory_space<hbm>>
      tpu.enqueue_indirect_dma source(%dma_start3A_199 : memref<10000x128xf32, #tpu.memory_space<hbm>>) target(%dma_start3A_193 : memref<100x128xf32, #tpu.memory_space<vmem>>) offsets(%dma_start3A_196 : memref<100xi32, #tpu.memory_space<vmem>>) semaphore(%arg10 : memref<!tpu.dma_semaphore, #tpu.memory_space<semaphore_mem>>)
      %dma_wait3A_200 = arith.constant 0 : i32
      %dma_wait3A_201 = arith.constant 0 : i32
      %dma_wait3A_202 = arith.constant 2 : i32
      %dma_wait3A_203 = arith.constant 2 : i32
      %dma_wait3A_204 = arith.constant 0 : i32
      %dma_wait3A_205 = arith.constant 0 : i32
      %dma_wait3A_206 = tpu.memref_slice %arg6[%dma_wait3A_203, %dma_wait3A_204, %dma_wait3A_205] : memref<3x100x128xf32, #tpu.memory_space<vmem>> -> memref<1x100x128xf32, #tpu.memory_space<vmem>>
      %dma_wait3A_207 = tpu.memref_squeeze %dma_wait3A_206 : memref<1x100x128xf32, #tpu.memory_space<vmem>> -> memref<100x128xf32, #tpu.memory_space<vmem>>
      %dma_wait3A_208 = arith.constant 0 : i32
      %dma_wait3A_209 = tpu.memref_slice %arg5[%dma_wait3A_200, %dma_wait3A_201, %dma_wait3A_202, %dma_wait3A_208] : memref<2x2x5x100xi32, #tpu.memory_space<vmem>> -> memref<1x1x1x100xi32, #tpu.memory_space<vmem>>
      %dma_wait3A_210 = tpu.memref_squeeze %dma_wait3A_209 : memref<1x1x1x100xi32, #tpu.memory_space<vmem>> -> memref<100xi32, #tpu.memory_space<vmem>>
      %dma_wait3A_211 = arith.constant 0 : i32
      %dma_wait3A_212 = arith.constant 0 : i32
      %dma_wait3A_213 = tpu.memref_slice %arg2[%dma_wait3A_211, %dma_wait3A_212] : memref<10000x128xf32, #tpu.memory_space<hbm>> -> memref<10000x128xf32, #tpu.memory_space<hbm>>
      tpu.wait_indirect_dma semaphore(%arg10 : memref<!tpu.dma_semaphore, #tpu.memory_space<semaphore_mem>>) src(%dma_wait3A_213 : memref<10000x128xf32, #tpu.memory_space<hbm>>) dst(%dma_wait3A_207 : memref<100x128xf32, #tpu.memory_space<vmem>>)
      %dma_start3A_214 = arith.constant 2 : i32
      %dma_start3A_215 = arith.constant 0 : i32
      %dma_start3A_216 = arith.constant 1 : i32
      %dma_start3A_217 = arith.constant 2 : i32
      %dma_start3A_218 = arith.constant 0 : i32
      %dma_start3A_219 = arith.constant 0 : i32
      %dma_start3A_220 = tpu.memref_slice %arg6[%dma_start3A_214, %dma_start3A_218, %dma_start3A_219] : memref<3x100x128xf32, #tpu.memory_space<vmem>> -> memref<1x100x128xf32, #tpu.memory_space<vmem>>
      %dma_start3A_221 = tpu.memref_squeeze %dma_start3A_220 : memref<1x100x128xf32, #tpu.memory_space<vmem>> -> memref<100x128xf32, #tpu.memory_space<vmem>>
      %dma_start3A_222 = arith.constant 0 : i32
      %dma_start3A_223 = tpu.memref_slice %arg5[%dma_start3A_215, %dma_start3A_216, %dma_start3A_217, %dma_start3A_222] : memref<2x2x5x100xi32, #tpu.memory_space<vmem>> -> memref<1x1x1x100xi32, #tpu.memory_space<vmem>>
      %dma_start3A_224 = tpu.memref_squeeze %dma_start3A_223 : memref<1x1x1x100xi32, #tpu.memory_space<vmem>> -> memref<100xi32, #tpu.memory_space<vmem>>
      %dma_start3A_225 = arith.constant 0 : i32
      %dma_start3A_226 = arith.constant 0 : i32
      %dma_start3A_227 = tpu.memref_slice %arg7[%dma_start3A_225, %dma_start3A_226] : memref<10240x128xf32, #tpu.memory_space<vmem_shared>> -> memref<10240x128xf32, #tpu.memory_space<vmem_shared>>
      tpu.enqueue_indirect_dma source(%dma_start3A_221 : memref<100x128xf32, #tpu.memory_space<vmem>>) target(%dma_start3A_227 : memref<10240x128xf32, #tpu.memory_space<vmem_shared>>) offsets(%dma_start3A_224 : memref<100xi32, #tpu.memory_space<vmem>>) semaphore(%arg13 : memref<!tpu.dma_semaphore, #tpu.memory_space<semaphore_mem>>) {add = true}
      %dma_wait3A_228 = arith.constant 0 : i32
      %dma_wait3A_229 = arith.constant 0 : i32
      %dma_wait3A_230 = arith.constant 1 : i32
      %dma_wait3A_231 = arith.constant 0 : i32
      %dma_wait3A_232 = arith.constant 0 : i32
      %dma_wait3A_233 = arith.constant 0 : i32
      %dma_wait3A_234 = tpu.memref_slice %arg6[%dma_wait3A_228, %dma_wait3A_232, %dma_wait3A_233] : memref<3x100x128xf32, #tpu.memory_space<vmem>> -> memref<1x100x128xf32, #tpu.memory_space<vmem>>
      %dma_wait3A_235 = tpu.memref_squeeze %dma_wait3A_234 : memref<1x100x128xf32, #tpu.memory_space<vmem>> -> memref<100x128xf32, #tpu.memory_space<vmem>>
      %dma_wait3A_236 = arith.constant 0 : i32
      %dma_wait3A_237 = tpu.memref_slice %arg5[%dma_wait3A_229, %dma_wait3A_230, %dma_wait3A_231, %dma_wait3A_236] : memref<2x2x5x100xi32, #tpu.memory_space<vmem>> -> memref<1x1x1x100xi32, #tpu.memory_space<vmem>>
      %dma_wait3A_238 = tpu.memref_squeeze %dma_wait3A_237 : memref<1x1x1x100xi32, #tpu.memory_space<vmem>> -> memref<100xi32, #tpu.memory_space<vmem>>
      %dma_wait3A_239 = arith.constant 0 : i32
      %dma_wait3A_240 = arith.constant 0 : i32
      %dma_wait3A_241 = tpu.memref_slice %arg7[%dma_wait3A_239, %dma_wait3A_240] : memref<10240x128xf32, #tpu.memory_space<vmem_shared>> -> memref<10240x128xf32, #tpu.memory_space<vmem_shared>>
      tpu.wait_indirect_dma semaphore(%arg11 : memref<!tpu.dma_semaphore, #tpu.memory_space<semaphore_mem>>) src(%dma_wait3A_235 : memref<100x128xf32, #tpu.memory_space<vmem>>) dst(%dma_wait3A_241 : memref<10240x128xf32, #tpu.memory_space<vmem_shared>>)
      %dma_start3A_242 = arith.constant 0 : i32
      %dma_start3A_243 = arith.constant 0 : i32
      %dma_start3A_244 = arith.constant 3 : i32
      %dma_start3A_245 = arith.constant 0 : i32
      %dma_start3A_246 = arith.constant 0 : i32
      %dma_start3A_247 = arith.constant 0 : i32
      %dma_start3A_248 = tpu.memref_slice %arg6[%dma_start3A_245, %dma_start3A_246, %dma_start3A_247] : memref<3x100x128xf32, #tpu.memory_space<vmem>> -> memref<1x100x128xf32, #tpu.memory_space<vmem>>
      %dma_start3A_249 = tpu.memref_squeeze %dma_start3A_248 : memref<1x100x128xf32, #tpu.memory_space<vmem>> -> memref<100x128xf32, #tpu.memory_space<vmem>>
      %dma_start3A_250 = arith.constant 0 : i32
      %dma_start3A_251 = tpu.memref_slice %arg5[%dma_start3A_242, %dma_start3A_243, %dma_start3A_244, %dma_start3A_250] : memref<2x2x5x100xi32, #tpu.memory_space<vmem>> -> memref<1x1x1x100xi32, #tpu.memory_space<vmem>>
      %dma_start3A_252 = tpu.memref_squeeze %dma_start3A_251 : memref<1x1x1x100xi32, #tpu.memory_space<vmem>> -> memref<100xi32, #tpu.memory_space<vmem>>
      %dma_start3A_253 = arith.constant 0 : i32
      %dma_start3A_254 = arith.constant 0 : i32
      %dma_start3A_255 = tpu.memref_slice %arg2[%dma_start3A_253, %dma_start3A_254] : memref<10000x128xf32, #tpu.memory_space<hbm>> -> memref<10000x128xf32, #tpu.memory_space<hbm>>
      tpu.enqueue_indirect_dma source(%dma_start3A_255 : memref<10000x128xf32, #tpu.memory_space<hbm>>) target(%dma_start3A_249 : memref<100x128xf32, #tpu.memory_space<vmem>>) offsets(%dma_start3A_252 : memref<100xi32, #tpu.memory_space<vmem>>) semaphore(%arg8 : memref<!tpu.dma_semaphore, #tpu.memory_space<semaphore_mem>>)
      %dma_wait3A_256 = arith.constant 0 : i32
      %dma_wait3A_257 = arith.constant 0 : i32
      %dma_wait3A_258 = arith.constant 3 : i32
      %dma_wait3A_259 = arith.constant 0 : i32
      %dma_wait3A_260 = arith.constant 0 : i32
      %dma_wait3A_261 = arith.constant 0 : i32
      %dma_wait3A_262 = tpu.memref_slice %arg6[%dma_wait3A_259, %dma_wait3A_260, %dma_wait3A_261] : memref<3x100x128xf32, #tpu.memory_space<vmem>> -> memref<1x100x128xf32, #tpu.memory_space<vmem>>
      %dma_wait3A_263 = tpu.memref_squeeze %dma_wait3A_262 : memref<1x100x128xf32, #tpu.memory_space<vmem>> -> memref<100x128xf32, #tpu.memory_space<vmem>>
      %dma_wait3A_264 = arith.constant 0 : i32
      %dma_wait3A_265 = tpu.memref_slice %arg5[%dma_wait3A_256, %dma_wait3A_257, %dma_wait3A_258, %dma_wait3A_264] : memref<2x2x5x100xi32, #tpu.memory_space<vmem>> -> memref<1x1x1x100xi32, #tpu.memory_space<vmem>>
      %dma_wait3A_266 = tpu.memref_squeeze %dma_wait3A_265 : memref<1x1x1x100xi32, #tpu.memory_space<vmem>> -> memref<100xi32, #tpu.memory_space<vmem>>
      %dma_wait3A_267 = arith.constant 0 : i32
      %dma_wait3A_268 = arith.constant 0 : i32
      %dma_wait3A_269 = tpu.memref_slice %arg2[%dma_wait3A_267, %dma_wait3A_268] : memref<10000x128xf32, #tpu.memory_space<hbm>> -> memref<10000x128xf32, #tpu.memory_space<hbm>>
      tpu.wait_indirect_dma semaphore(%arg8 : memref<!tpu.dma_semaphore, #tpu.memory_space<semaphore_mem>>) src(%dma_wait3A_269 : memref<10000x128xf32, #tpu.memory_space<hbm>>) dst(%dma_wait3A_263 : memref<100x128xf32, #tpu.memory_space<vmem>>)
      %dma_start3A_270 = arith.constant 0 : i32
      %dma_start3A_271 = arith.constant 0 : i32
      %dma_start3A_272 = arith.constant 1 : i32
      %dma_start3A_273 = arith.constant 3 : i32
      %dma_start3A_274 = arith.constant 0 : i32
      %dma_start3A_275 = arith.constant 0 : i32
      %dma_start3A_276 = tpu.memref_slice %arg6[%dma_start3A_270, %dma_start3A_274, %dma_start3A_275] : memref<3x100x128xf32, #tpu.memory_space<vmem>> -> memref<1x100x128xf32, #tpu.memory_space<vmem>>
      %dma_start3A_277 = tpu.memref_squeeze %dma_start3A_276 : memref<1x100x128xf32, #tpu.memory_space<vmem>> -> memref<100x128xf32, #tpu.memory_space<vmem>>
      %dma_start3A_278 = arith.constant 0 : i32
      %dma_start3A_279 = tpu.memref_slice %arg5[%dma_start3A_271, %dma_start3A_272, %dma_start3A_273, %dma_start3A_278] : memref<2x2x5x100xi32, #tpu.memory_space<vmem>> -> memref<1x1x1x100xi32, #tpu.memory_space<vmem>>
      %dma_start3A_280 = tpu.memref_squeeze %dma_start3A_279 : memref<1x1x1x100xi32, #tpu.memory_space<vmem>> -> memref<100xi32, #tpu.memory_space<vmem>>
      %dma_start3A_281 = arith.constant 0 : i32
      %dma_start3A_282 = arith.constant 0 : i32
      %dma_start3A_283 = tpu.memref_slice %arg7[%dma_start3A_281, %dma_start3A_282] : memref<10240x128xf32, #tpu.memory_space<vmem_shared>> -> memref<10240x128xf32, #tpu.memory_space<vmem_shared>>
      tpu.enqueue_indirect_dma source(%dma_start3A_277 : memref<100x128xf32, #tpu.memory_space<vmem>>) target(%dma_start3A_283 : memref<10240x128xf32, #tpu.memory_space<vmem_shared>>) offsets(%dma_start3A_280 : memref<100xi32, #tpu.memory_space<vmem>>) semaphore(%arg11 : memref<!tpu.dma_semaphore, #tpu.memory_space<semaphore_mem>>) {add = true}
      %dma_wait3A_284 = arith.constant 1 : i32
      %dma_wait3A_285 = arith.constant 0 : i32
      %dma_wait3A_286 = arith.constant 1 : i32
      %dma_wait3A_287 = arith.constant 1 : i32
      %dma_wait3A_288 = arith.constant 0 : i32
      %dma_wait3A_289 = arith.constant 0 : i32
      %dma_wait3A_290 = tpu.memref_slice %arg6[%dma_wait3A_284, %dma_wait3A_288, %dma_wait3A_289] : memref<3x100x128xf32, #tpu.memory_space<vmem>> -> memref<1x100x128xf32, #tpu.memory_space<vmem>>
      %dma_wait3A_291 = tpu.memref_squeeze %dma_wait3A_290 : memref<1x100x128xf32, #tpu.memory_space<vmem>> -> memref<100x128xf32, #tpu.memory_space<vmem>>
      %dma_wait3A_292 = arith.constant 0 : i32
      %dma_wait3A_293 = tpu.memref_slice %arg5[%dma_wait3A_285, %dma_wait3A_286, %dma_wait3A_287, %dma_wait3A_292] : memref<2x2x5x100xi32, #tpu.memory_space<vmem>> -> memref<1x1x1x100xi32, #tpu.memory_space<vmem>>
      %dma_wait3A_294 = tpu.memref_squeeze %dma_wait3A_293 : memref<1x1x1x100xi32, #tpu.memory_space<vmem>> -> memref<100xi32, #tpu.memory_space<vmem>>
      %dma_wait3A_295 = arith.constant 0 : i32
      %dma_wait3A_296 = arith.constant 0 : i32
      %dma_wait3A_297 = tpu.memref_slice %arg7[%dma_wait3A_295, %dma_wait3A_296] : memref<10240x128xf32, #tpu.memory_space<vmem_shared>> -> memref<10240x128xf32, #tpu.memory_space<vmem_shared>>
      tpu.wait_indirect_dma semaphore(%arg12 : memref<!tpu.dma_semaphore, #tpu.memory_space<semaphore_mem>>) src(%dma_wait3A_291 : memref<100x128xf32, #tpu.memory_space<vmem>>) dst(%dma_wait3A_297 : memref<10240x128xf32, #tpu.memory_space<vmem_shared>>)
      %dma_start3A_298 = arith.constant 0 : i32
      %dma_start3A_299 = arith.constant 0 : i32
      %dma_start3A_300 = arith.constant 4 : i32
      %dma_start3A_301 = arith.constant 1 : i32
      %dma_start3A_302 = arith.constant 0 : i32
      %dma_start3A_303 = arith.constant 0 : i32
      %dma_start3A_304 = tpu.memref_slice %arg6[%dma_start3A_301, %dma_start3A_302, %dma_start3A_303] : memref<3x100x128xf32, #tpu.memory_space<vmem>> -> memref<1x100x128xf32, #tpu.memory_space<vmem>>
      %dma_start3A_305 = tpu.memref_squeeze %dma_start3A_304 : memref<1x100x128xf32, #tpu.memory_space<vmem>> -> memref<100x128xf32, #tpu.memory_space<vmem>>
      %dma_start3A_306 = arith.constant 0 : i32
      %dma_start3A_307 = tpu.memref_slice %arg5[%dma_start3A_298, %dma_start3A_299, %dma_start3A_300, %dma_start3A_306] : memref<2x2x5x100xi32, #tpu.memory_space<vmem>> -> memref<1x1x1x100xi32, #tpu.memory_space<vmem>>
      %dma_start3A_308 = tpu.memref_squeeze %dma_start3A_307 : memref<1x1x1x100xi32, #tpu.memory_space<vmem>> -> memref<100xi32, #tpu.memory_space<vmem>>
      %dma_start3A_309 = arith.constant 0 : i32
      %dma_start3A_310 = arith.constant 0 : i32
      %dma_start3A_311 = tpu.memref_slice %arg2[%dma_start3A_309, %dma_start3A_310] : memref<10000x128xf32, #tpu.memory_space<hbm>> -> memref<10000x128xf32, #tpu.memory_space<hbm>>
      tpu.enqueue_indirect_dma source(%dma_start3A_311 : memref<10000x128xf32, #tpu.memory_space<hbm>>) target(%dma_start3A_305 : memref<100x128xf32, #tpu.memory_space<vmem>>) offsets(%dma_start3A_308 : memref<100xi32, #tpu.memory_space<vmem>>) semaphore(%arg9 : memref<!tpu.dma_semaphore, #tpu.memory_space<semaphore_mem>>)
      %dma_wait3A_312 = arith.constant 0 : i32
      %dma_wait3A_313 = arith.constant 0 : i32
      %dma_wait3A_314 = arith.constant 4 : i32
      %dma_wait3A_315 = arith.constant 1 : i32
      %dma_wait3A_316 = arith.constant 0 : i32
      %dma_wait3A_317 = arith.constant 0 : i32
      %dma_wait3A_318 = tpu.memref_slice %arg6[%dma_wait3A_315, %dma_wait3A_316, %dma_wait3A_317] : memref<3x100x128xf32, #tpu.memory_space<vmem>> -> memref<1x100x128xf32, #tpu.memory_space<vmem>>
      %dma_wait3A_319 = tpu.memref_squeeze %dma_wait3A_318 : memref<1x100x128xf32, #tpu.memory_space<vmem>> -> memref<100x128xf32, #tpu.memory_space<vmem>>
      %dma_wait3A_320 = arith.constant 0 : i32
      %dma_wait3A_321 = tpu.memref_slice %arg5[%dma_wait3A_312, %dma_wait3A_313, %dma_wait3A_314, %dma_wait3A_320] : memref<2x2x5x100xi32, #tpu.memory_space<vmem>> -> memref<1x1x1x100xi32, #tpu.memory_space<vmem>>
      %dma_wait3A_322 = tpu.memref_squeeze %dma_wait3A_321 : memref<1x1x1x100xi32, #tpu.memory_space<vmem>> -> memref<100xi32, #tpu.memory_space<vmem>>
      %dma_wait3A_323 = arith.constant 0 : i32
      %dma_wait3A_324 = arith.constant 0 : i32
      %dma_wait3A_325 = tpu.memref_slice %arg2[%dma_wait3A_323, %dma_wait3A_324] : memref<10000x128xf32, #tpu.memory_space<hbm>> -> memref<10000x128xf32, #tpu.memory_space<hbm>>
      tpu.wait_indirect_dma semaphore(%arg9 : memref<!tpu.dma_semaphore, #tpu.memory_space<semaphore_mem>>) src(%dma_wait3A_325 : memref<10000x128xf32, #tpu.memory_space<hbm>>) dst(%dma_wait3A_319 : memref<100x128xf32, #tpu.memory_space<vmem>>)
      %dma_start3A_326 = arith.constant 1 : i32
      %dma_start3A_327 = arith.constant 0 : i32
      %dma_start3A_328 = arith.constant 1 : i32
      %dma_start3A_329 = arith.constant 4 : i32
      %dma_start3A_330 = arith.constant 0 : i32
      %dma_start3A_331 = arith.constant 0 : i32
      %dma_start3A_332 = tpu.memref_slice %arg6[%dma_start3A_326, %dma_start3A_330, %dma_start3A_331] : memref<3x100x128xf32, #tpu.memory_space<vmem>> -> memref<1x100x128xf32, #tpu.memory_space<vmem>>
      %dma_start3A_333 = tpu.memref_squeeze %dma_start3A_332 : memref<1x100x128xf32, #tpu.memory_space<vmem>> -> memref<100x128xf32, #tpu.memory_space<vmem>>
      %dma_start3A_334 = arith.constant 0 : i32
      %dma_start3A_335 = tpu.memref_slice %arg5[%dma_start3A_327, %dma_start3A_328, %dma_start3A_329, %dma_start3A_334] : memref<2x2x5x100xi32, #tpu.memory_space<vmem>> -> memref<1x1x1x100xi32, #tpu.memory_space<vmem>>
      %dma_start3A_336 = tpu.memref_squeeze %dma_start3A_335 : memref<1x1x1x100xi32, #tpu.memory_space<vmem>> -> memref<100xi32, #tpu.memory_space<vmem>>
      %dma_start3A_337 = arith.constant 0 : i32
      %dma_start3A_338 = arith.constant 0 : i32
      %dma_start3A_339 = tpu.memref_slice %arg7[%dma_start3A_337, %dma_start3A_338] : memref<10240x128xf32, #tpu.memory_space<vmem_shared>> -> memref<10240x128xf32, #tpu.memory_space<vmem_shared>>
      tpu.enqueue_indirect_dma source(%dma_start3A_333 : memref<100x128xf32, #tpu.memory_space<vmem>>) target(%dma_start3A_339 : memref<10240x128xf32, #tpu.memory_space<vmem_shared>>) offsets(%dma_start3A_336 : memref<100xi32, #tpu.memory_space<vmem>>) semaphore(%arg12 : memref<!tpu.dma_semaphore, #tpu.memory_space<semaphore_mem>>) {add = true}
      %dma_wait3A_340 = arith.constant 2 : i32
      %dma_wait3A_341 = arith.constant 0 : i32
      %dma_wait3A_342 = arith.constant 1 : i32
      %dma_wait3A_343 = arith.constant 2 : i32
      %dma_wait3A_344 = arith.constant 0 : i32
      %dma_wait3A_345 = arith.constant 0 : i32
      %dma_wait3A_346 = tpu.memref_slice %arg6[%dma_wait3A_340, %dma_wait3A_344, %dma_wait3A_345] : memref<3x100x128xf32, #tpu.memory_space<vmem>> -> memref<1x100x128xf32, #tpu.memory_space<vmem>>
      %dma_wait3A_347 = tpu.memref_squeeze %dma_wait3A_346 : memref<1x100x128xf32, #tpu.memory_space<vmem>> -> memref<100x128xf32, #tpu.memory_space<vmem>>
      %dma_wait3A_348 = arith.constant 0 : i32
      %dma_wait3A_349 = tpu.memref_slice %arg5[%dma_wait3A_341, %dma_wait3A_342, %dma_wait3A_343, %dma_wait3A_348] : memref<2x2x5x100xi32, #tpu.memory_space<vmem>> -> memref<1x1x1x100xi32, #tpu.memory_space<vmem>>
      %dma_wait3A_350 = tpu.memref_squeeze %dma_wait3A_349 : memref<1x1x1x100xi32, #tpu.memory_space<vmem>> -> memref<100xi32, #tpu.memory_space<vmem>>
      %dma_wait3A_351 = arith.constant 0 : i32
      %dma_wait3A_352 = arith.constant 0 : i32
      %dma_wait3A_353 = tpu.memref_slice %arg7[%dma_wait3A_351, %dma_wait3A_352] : memref<10240x128xf32, #tpu.memory_space<vmem_shared>> -> memref<10240x128xf32, #tpu.memory_space<vmem_shared>>
      tpu.wait_indirect_dma semaphore(%arg13 : memref<!tpu.dma_semaphore, #tpu.memory_space<semaphore_mem>>) src(%dma_wait3A_347 : memref<100x128xf32, #tpu.memory_space<vmem>>) dst(%dma_wait3A_353 : memref<10240x128xf32, #tpu.memory_space<vmem_shared>>)
      %dma_wait3A_354 = arith.constant 1 : i32
      %dma_wait3A_355 = arith.constant 0 : i32
      %dma_wait3A_356 = arith.constant 0 : i32
      %dma_wait3A_357 = arith.constant 0 : i32
      %dma_wait3A_358 = tpu.memref_slice %arg5[%dma_wait3A_354, %dma_wait3A_355, %dma_wait3A_356, %dma_wait3A_357] : memref<2x2x5x100xi32, #tpu.memory_space<vmem>> -> memref<1x2x5x100xi32, #tpu.memory_space<vmem>>
      %dma_wait3A_359 = tpu.memref_squeeze %dma_wait3A_358 : memref<1x2x5x100xi32, #tpu.memory_space<vmem>> -> memref<2x5x100xi32, #tpu.memory_space<vmem>>
      %dma_wait3A_360 = arith.constant 0 : i32
      %dma_wait3A_361 = arith.constant 0 : i32
      %dma_wait3A_362 = arith.constant 0 : i32
      %dma_wait3A_363 = tpu.memref_slice %arg3[%arg0, %arg1, %add3A_46, %dma_wait3A_360, %dma_wait3A_361, %dma_wait3A_362] : memref<2x16x20x2x5x100xi32, #tpu.memory_space<hbm>> -> memref<1x1x1x2x5x100xi32, #tpu.memory_space<hbm>>
      %dma_wait3A_364 = tpu.memref_squeeze %dma_wait3A_363 : memref<1x1x1x2x5x100xi32, #tpu.memory_space<hbm>> -> memref<2x5x100xi32, #tpu.memory_space<hbm>>
      %dma_wait3A_365 = arith.constant 0 : i32
      %dma_wait3A_366 = arith.constant 0 : i32
      %dma_wait3A_367 = arith.constant 0 : i32
      %dma_wait3A_368 = tpu.memref_slice %arg5[%dma_wait3A_354, %dma_wait3A_365, %dma_wait3A_366, %dma_wait3A_367] : memref<2x2x5x100xi32, #tpu.memory_space<vmem>> -> memref<1x2x5x100xi32, #tpu.memory_space<vmem>>
      %dma_wait3A_369 = tpu.memref_squeeze %dma_wait3A_368 : memref<1x2x5x100xi32, #tpu.memory_space<vmem>> -> memref<2x5x100xi32, #tpu.memory_space<vmem>>
      %dma_wait3A_370 = arith.constant 0 : i32
      %dma_wait3A_371 = arith.constant 0 : i32
      %dma_wait3A_372 = arith.constant 0 : i32
      %dma_wait3A_373 = tpu.memref_slice %arg3[%arg0, %arg1, %add3A_46, %dma_wait3A_370, %dma_wait3A_371, %dma_wait3A_372] : memref<2x16x20x2x5x100xi32, #tpu.memory_space<hbm>> -> memref<1x1x1x2x5x100xi32, #tpu.memory_space<hbm>>
      %dma_wait3A_374 = tpu.memref_squeeze %dma_wait3A_373 : memref<1x1x1x2x5x100xi32, #tpu.memory_space<hbm>> -> memref<2x5x100xi32, #tpu.memory_space<hbm>>
      tpu.wait_dma2 semaphore(%arg15 : memref<!tpu.dma_semaphore, #tpu.memory_space<semaphore_mem>>) src(%dma_wait3A_374 : memref<2x5x100xi32, #tpu.memory_space<hbm>>) dst(%dma_wait3A_369 : memref<2x5x100xi32, #tpu.memory_space<vmem>>)
      %dma_start3A_375 = arith.constant 1 : i32
      %dma_start3A_376 = arith.constant 0 : i32
      %dma_start3A_377 = arith.constant 0 : i32
      %dma_start3A_378 = arith.constant 2 : i32
      %dma_start3A_379 = arith.constant 0 : i32
      %dma_start3A_380 = arith.constant 0 : i32
      %dma_start3A_381 = tpu.memref_slice %arg6[%dma_start3A_378, %dma_start3A_379, %dma_start3A_380] : memref<3x100x128xf32, #tpu.memory_space<vmem>> -> memref<1x100x128xf32, #tpu.memory_space<vmem>>
      %dma_start3A_382 = tpu.memref_squeeze %dma_start3A_381 : memref<1x100x128xf32, #tpu.memory_space<vmem>> -> memref<100x128xf32, #tpu.memory_space<vmem>>
      %dma_start3A_383 = arith.constant 0 : i32
      %dma_start3A_384 = tpu.memref_slice %arg5[%dma_start3A_375, %dma_start3A_376, %dma_start3A_377, %dma_start3A_383] : memref<2x2x5x100xi32, #tpu.memory_space<vmem>> -> memref<1x1x1x100xi32, #tpu.memory_space<vmem>>
      %dma_start3A_385 = tpu.memref_squeeze %dma_start3A_384 : memref<1x1x1x100xi32, #tpu.memory_space<vmem>> -> memref<100xi32, #tpu.memory_space<vmem>>
      %dma_start3A_386 = arith.constant 0 : i32
      %dma_start3A_387 = arith.constant 0 : i32
      %dma_start3A_388 = tpu.memref_slice %arg2[%dma_start3A_386, %dma_start3A_387] : memref<10000x128xf32, #tpu.memory_space<hbm>> -> memref<10000x128xf32, #tpu.memory_space<hbm>>
      tpu.enqueue_indirect_dma source(%dma_start3A_388 : memref<10000x128xf32, #tpu.memory_space<hbm>>) target(%dma_start3A_382 : memref<100x128xf32, #tpu.memory_space<vmem>>) offsets(%dma_start3A_385 : memref<100xi32, #tpu.memory_space<vmem>>) semaphore(%arg10 : memref<!tpu.dma_semaphore, #tpu.memory_space<semaphore_mem>>)
      %dma_wait3A_389 = arith.constant 1 : i32
      %dma_wait3A_390 = arith.constant 0 : i32
      %dma_wait3A_391 = arith.constant 0 : i32
      %dma_wait3A_392 = arith.constant 2 : i32
      %dma_wait3A_393 = arith.constant 0 : i32
      %dma_wait3A_394 = arith.constant 0 : i32
      %dma_wait3A_395 = tpu.memref_slice %arg6[%dma_wait3A_392, %dma_wait3A_393, %dma_wait3A_394] : memref<3x100x128xf32, #tpu.memory_space<vmem>> -> memref<1x100x128xf32, #tpu.memory_space<vmem>>
      %dma_wait3A_396 = tpu.memref_squeeze %dma_wait3A_395 : memref<1x100x128xf32, #tpu.memory_space<vmem>> -> memref<100x128xf32, #tpu.memory_space<vmem>>
      %dma_wait3A_397 = arith.constant 0 : i32
      %dma_wait3A_398 = tpu.memref_slice %arg5[%dma_wait3A_389, %dma_wait3A_390, %dma_wait3A_391, %dma_wait3A_397] : memref<2x2x5x100xi32, #tpu.memory_space<vmem>> -> memref<1x1x1x100xi32, #tpu.memory_space<vmem>>
      %dma_wait3A_399 = tpu.memref_squeeze %dma_wait3A_398 : memref<1x1x1x100xi32, #tpu.memory_space<vmem>> -> memref<100xi32, #tpu.memory_space<vmem>>
      %dma_wait3A_400 = arith.constant 0 : i32
      %dma_wait3A_401 = arith.constant 0 : i32
      %dma_wait3A_402 = tpu.memref_slice %arg2[%dma_wait3A_400, %dma_wait3A_401] : memref<10000x128xf32, #tpu.memory_space<hbm>> -> memref<10000x128xf32, #tpu.memory_space<hbm>>
      tpu.wait_indirect_dma semaphore(%arg10 : memref<!tpu.dma_semaphore, #tpu.memory_space<semaphore_mem>>) src(%dma_wait3A_402 : memref<10000x128xf32, #tpu.memory_space<hbm>>) dst(%dma_wait3A_396 : memref<100x128xf32, #tpu.memory_space<vmem>>)
      %dma_start3A_403 = arith.constant 2 : i32
      %dma_start3A_404 = arith.constant 1 : i32
      %dma_start3A_405 = arith.constant 1 : i32
      %dma_start3A_406 = arith.constant 0 : i32
      %dma_start3A_407 = arith.constant 0 : i32
      %dma_start3A_408 = arith.constant 0 : i32
      %dma_start3A_409 = tpu.memref_slice %arg6[%dma_start3A_403, %dma_start3A_407, %dma_start3A_408] : memref<3x100x128xf32, #tpu.memory_space<vmem>> -> memref<1x100x128xf32, #tpu.memory_space<vmem>>
      %dma_start3A_410 = tpu.memref_squeeze %dma_start3A_409 : memref<1x100x128xf32, #tpu.memory_space<vmem>> -> memref<100x128xf32, #tpu.memory_space<vmem>>
      %dma_start3A_411 = arith.constant 0 : i32
      %dma_start3A_412 = tpu.memref_slice %arg5[%dma_start3A_404, %dma_start3A_405, %dma_start3A_406, %dma_start3A_411] : memref<2x2x5x100xi32, #tpu.memory_space<vmem>> -> memref<1x1x1x100xi32, #tpu.memory_space<vmem>>
      %dma_start3A_413 = tpu.memref_squeeze %dma_start3A_412 : memref<1x1x1x100xi32, #tpu.memory_space<vmem>> -> memref<100xi32, #tpu.memory_space<vmem>>
      %dma_start3A_414 = arith.constant 0 : i32
      %dma_start3A_415 = arith.constant 0 : i32
      %dma_start3A_416 = tpu.memref_slice %arg7[%dma_start3A_414, %dma_start3A_415] : memref<10240x128xf32, #tpu.memory_space<vmem_shared>> -> memref<10240x128xf32, #tpu.memory_space<vmem_shared>>
      tpu.enqueue_indirect_dma source(%dma_start3A_410 : memref<100x128xf32, #tpu.memory_space<vmem>>) target(%dma_start3A_416 : memref<10240x128xf32, #tpu.memory_space<vmem_shared>>) offsets(%dma_start3A_413 : memref<100xi32, #tpu.memory_space<vmem>>) semaphore(%arg13 : memref<!tpu.dma_semaphore, #tpu.memory_space<semaphore_mem>>) {add = true}
      %dma_wait3A_417 = arith.constant 0 : i32
      %dma_wait3A_418 = arith.constant 0 : i32
      %dma_wait3A_419 = arith.constant 1 : i32
      %dma_wait3A_420 = arith.constant 3 : i32
      %dma_wait3A_421 = arith.constant 0 : i32
      %dma_wait3A_422 = arith.constant 0 : i32
      %dma_wait3A_423 = tpu.memref_slice %arg6[%dma_wait3A_417, %dma_wait3A_421, %dma_wait3A_422] : memref<3x100x128xf32, #tpu.memory_space<vmem>> -> memref<1x100x128xf32, #tpu.memory_space<vmem>>
      %dma_wait3A_424 = tpu.memref_squeeze %dma_wait3A_423 : memref<1x100x128xf32, #tpu.memory_space<vmem>> -> memref<100x128xf32, #tpu.memory_space<vmem>>
      %dma_wait3A_425 = arith.constant 0 : i32
      %dma_wait3A_426 = tpu.memref_slice %arg5[%dma_wait3A_418, %dma_wait3A_419, %dma_wait3A_420, %dma_wait3A_425] : memref<2x2x5x100xi32, #tpu.memory_space<vmem>> -> memref<1x1x1x100xi32, #tpu.memory_space<vmem>>
      %dma_wait3A_427 = tpu.memref_squeeze %dma_wait3A_426 : memref<1x1x1x100xi32, #tpu.memory_space<vmem>> -> memref<100xi32, #tpu.memory_space<vmem>>
      %dma_wait3A_428 = arith.constant 0 : i32
      %dma_wait3A_429 = arith.constant 0 : i32
      %dma_wait3A_430 = tpu.memref_slice %arg7[%dma_wait3A_428, %dma_wait3A_429] : memref<10240x128xf32, #tpu.memory_space<vmem_shared>> -> memref<10240x128xf32, #tpu.memory_space<vmem_shared>>
      tpu.wait_indirect_dma semaphore(%arg11 : memref<!tpu.dma_semaphore, #tpu.memory_space<semaphore_mem>>) src(%dma_wait3A_424 : memref<100x128xf32, #tpu.memory_space<vmem>>) dst(%dma_wait3A_430 : memref<10240x128xf32, #tpu.memory_space<vmem_shared>>)
      %dma_start3A_431 = arith.constant 1 : i32
      %dma_start3A_432 = arith.constant 0 : i32
      %dma_start3A_433 = arith.constant 1 : i32
      %dma_start3A_434 = arith.constant 0 : i32
      %dma_start3A_435 = arith.constant 0 : i32
      %dma_start3A_436 = arith.constant 0 : i32
      %dma_start3A_437 = tpu.memref_slice %arg6[%dma_start3A_434, %dma_start3A_435, %dma_start3A_436] : memref<3x100x128xf32, #tpu.memory_space<vmem>> -> memref<1x100x128xf32, #tpu.memory_space<vmem>>
      %dma_start3A_438 = tpu.memref_squeeze %dma_start3A_437 : memref<1x100x128xf32, #tpu.memory_space<vmem>> -> memref<100x128xf32, #tpu.memory_space<vmem>>
      %dma_start3A_439 = arith.constant 0 : i32
      %dma_start3A_440 = tpu.memref_slice %arg5[%dma_start3A_431, %dma_start3A_432, %dma_start3A_433, %dma_start3A_439] : memref<2x2x5x100xi32, #tpu.memory_space<vmem>> -> memref<1x1x1x100xi32, #tpu.memory_space<vmem>>
      %dma_start3A_441 = tpu.memref_squeeze %dma_start3A_440 : memref<1x1x1x100xi32, #tpu.memory_space<vmem>> -> memref<100xi32, #tpu.memory_space<vmem>>
      %dma_start3A_442 = arith.constant 0 : i32
      %dma_start3A_443 = arith.constant 0 : i32
      %dma_start3A_444 = tpu.memref_slice %arg2[%dma_start3A_442, %dma_start3A_443] : memref<10000x128xf32, #tpu.memory_space<hbm>> -> memref<10000x128xf32, #tpu.memory_space<hbm>>
      tpu.enqueue_indirect_dma source(%dma_start3A_444 : memref<10000x128xf32, #tpu.memory_space<hbm>>) target(%dma_start3A_438 : memref<100x128xf32, #tpu.memory_space<vmem>>) offsets(%dma_start3A_441 : memref<100xi32, #tpu.memory_space<vmem>>) semaphore(%arg8 : memref<!tpu.dma_semaphore, #tpu.memory_space<semaphore_mem>>)
      %dma_wait3A_445 = arith.constant 1 : i32
      %dma_wait3A_446 = arith.constant 0 : i32
      %dma_wait3A_447 = arith.constant 1 : i32
      %dma_wait3A_448 = arith.constant 0 : i32
      %dma_wait3A_449 = arith.constant 0 : i32
      %dma_wait3A_450 = arith.constant 0 : i32
      %dma_wait3A_451 = tpu.memref_slice %arg6[%dma_wait3A_448, %dma_wait3A_449, %dma_wait3A_450] : memref<3x100x128xf32, #tpu.memory_space<vmem>> -> memref<1x100x128xf32, #tpu.memory_space<vmem>>
      %dma_wait3A_452 = tpu.memref_squeeze %dma_wait3A_451 : memref<1x100x128xf32, #tpu.memory_space<vmem>> -> memref<100x128xf32, #tpu.memory_space<vmem>>
      %dma_wait3A_453 = arith.constant 0 : i32
      %dma_wait3A_454 = tpu.memref_slice %arg5[%dma_wait3A_445, %dma_wait3A_446, %dma_wait3A_447, %dma_wait3A_453] : memref<2x2x5x100xi32, #tpu.memory_space<vmem>> -> memref<1x1x1x100xi32, #tpu.memory_space<vmem>>
      %dma_wait3A_455 = tpu.memref_squeeze %dma_wait3A_454 : memref<1x1x1x100xi32, #tpu.memory_space<vmem>> -> memref<100xi32, #tpu.memory_space<vmem>>
      %dma_wait3A_456 = arith.constant 0 : i32
      %dma_wait3A_457 = arith.constant 0 : i32
      %dma_wait3A_458 = tpu.memref_slice %arg2[%dma_wait3A_456, %dma_wait3A_457] : memref<10000x128xf32, #tpu.memory_space<hbm>> -> memref<10000x128xf32, #tpu.memory_space<hbm>>
      tpu.wait_indirect_dma semaphore(%arg8 : memref<!tpu.dma_semaphore, #tpu.memory_space<semaphore_mem>>) src(%dma_wait3A_458 : memref<10000x128xf32, #tpu.memory_space<hbm>>) dst(%dma_wait3A_452 : memref<100x128xf32, #tpu.memory_space<vmem>>)
      %dma_start3A_459 = arith.constant 0 : i32
      %dma_start3A_460 = arith.constant 1 : i32
      %dma_start3A_461 = arith.constant 1 : i32
      %dma_start3A_462 = arith.constant 1 : i32
      %dma_start3A_463 = arith.constant 0 : i32
      %dma_start3A_464 = arith.constant 0 : i32
      %dma_start3A_465 = tpu.memref_slice %arg6[%dma_start3A_459, %dma_start3A_463, %dma_start3A_464] : memref<3x100x128xf32, #tpu.memory_space<vmem>> -> memref<1x100x128xf32, #tpu.memory_space<vmem>>
      %dma_start3A_466 = tpu.memref_squeeze %dma_start3A_465 : memref<1x100x128xf32, #tpu.memory_space<vmem>> -> memref<100x128xf32, #tpu.memory_space<vmem>>
      %dma_start3A_467 = arith.constant 0 : i32
      %dma_start3A_468 = tpu.memref_slice %arg5[%dma_start3A_460, %dma_start3A_461, %dma_start3A_462, %dma_start3A_467] : memref<2x2x5x100xi32, #tpu.memory_space<vmem>> -> memref<1x1x1x100xi32, #tpu.memory_space<vmem>>
      %dma_start3A_469 = tpu.memref_squeeze %dma_start3A_468 : memref<1x1x1x100xi32, #tpu.memory_space<vmem>> -> memref<100xi32, #tpu.memory_space<vmem>>
      %dma_start3A_470 = arith.constant 0 : i32
      %dma_start3A_471 = arith.constant 0 : i32
      %dma_start3A_472 = tpu.memref_slice %arg7[%dma_start3A_470, %dma_start3A_471] : memref<10240x128xf32, #tpu.memory_space<vmem_shared>> -> memref<10240x128xf32, #tpu.memory_space<vmem_shared>>
      tpu.enqueue_indirect_dma source(%dma_start3A_466 : memref<100x128xf32, #tpu.memory_space<vmem>>) target(%dma_start3A_472 : memref<10240x128xf32, #tpu.memory_space<vmem_shared>>) offsets(%dma_start3A_469 : memref<100xi32, #tpu.memory_space<vmem>>) semaphore(%arg11 : memref<!tpu.dma_semaphore, #tpu.memory_space<semaphore_mem>>) {add = true}
      %dma_wait3A_473 = arith.constant 1 : i32
      %dma_wait3A_474 = arith.constant 0 : i32
      %dma_wait3A_475 = arith.constant 1 : i32
      %dma_wait3A_476 = arith.constant 4 : i32
      %dma_wait3A_477 = arith.constant 0 : i32
      %dma_wait3A_478 = arith.constant 0 : i32
      %dma_wait3A_479 = tpu.memref_slice %arg6[%dma_wait3A_473, %dma_wait3A_477, %dma_wait3A_478] : memref<3x100x128xf32, #tpu.memory_space<vmem>> -> memref<1x100x128xf32, #tpu.memory_space<vmem>>
      %dma_wait3A_480 = tpu.memref_squeeze %dma_wait3A_479 : memref<1x100x128xf32, #tpu.memory_space<vmem>> -> memref<100x128xf32, #tpu.memory_space<vmem>>
      %dma_wait3A_481 = arith.constant 0 : i32
      %dma_wait3A_482 = tpu.memref_slice %arg5[%dma_wait3A_474, %dma_wait3A_475, %dma_wait3A_476, %dma_wait3A_481] : memref<2x2x5x100xi32, #tpu.memory_space<vmem>> -> memref<1x1x1x100xi32, #tpu.memory_space<vmem>>
      %dma_wait3A_483 = tpu.memref_squeeze %dma_wait3A_482 : memref<1x1x1x100xi32, #tpu.memory_space<vmem>> -> memref<100xi32, #tpu.memory_space<vmem>>
      %dma_wait3A_484 = arith.constant 0 : i32
      %dma_wait3A_485 = arith.constant 0 : i32
      %dma_wait3A_486 = tpu.memref_slice %arg7[%dma_wait3A_484, %dma_wait3A_485] : memref<10240x128xf32, #tpu.memory_space<vmem_shared>> -> memref<10240x128xf32, #tpu.memory_space<vmem_shared>>
      tpu.wait_indirect_dma semaphore(%arg12 : memref<!tpu.dma_semaphore, #tpu.memory_space<semaphore_mem>>) src(%dma_wait3A_480 : memref<100x128xf32, #tpu.memory_space<vmem>>) dst(%dma_wait3A_486 : memref<10240x128xf32, #tpu.memory_space<vmem_shared>>)
      %dma_start3A_487 = arith.constant 1 : i32
      %dma_start3A_488 = arith.constant 0 : i32
      %dma_start3A_489 = arith.constant 2 : i32
      %dma_start3A_490 = arith.constant 1 : i32
      %dma_start3A_491 = arith.constant 0 : i32
      %dma_start3A_492 = arith.constant 0 : i32
      %dma_start3A_493 = tpu.memref_slice %arg6[%dma_start3A_490, %dma_start3A_491, %dma_start3A_492] : memref<3x100x128xf32, #tpu.memory_space<vmem>> -> memref<1x100x128xf32, #tpu.memory_space<vmem>>
      %dma_start3A_494 = tpu.memref_squeeze %dma_start3A_493 : memref<1x100x128xf32, #tpu.memory_space<vmem>> -> memref<100x128xf32, #tpu.memory_space<vmem>>
      %dma_start3A_495 = arith.constant 0 : i32
      %dma_start3A_496 = tpu.memref_slice %arg5[%dma_start3A_487, %dma_start3A_488, %dma_start3A_489, %dma_start3A_495] : memref<2x2x5x100xi32, #tpu.memory_space<vmem>> -> memref<1x1x1x100xi32, #tpu.memory_space<vmem>>
      %dma_start3A_497 = tpu.memref_squeeze %dma_start3A_496 : memref<1x1x1x100xi32, #tpu.memory_space<vmem>> -> memref<100xi32, #tpu.memory_space<vmem>>
      %dma_start3A_498 = arith.constant 0 : i32
      %dma_start3A_499 = arith.constant 0 : i32
      %dma_start3A_500 = tpu.memref_slice %arg2[%dma_start3A_498, %dma_start3A_499] : memref<10000x128xf32, #tpu.memory_space<hbm>> -> memref<10000x128xf32, #tpu.memory_space<hbm>>
      tpu.enqueue_indirect_dma source(%dma_start3A_500 : memref<10000x128xf32, #tpu.memory_space<hbm>>) target(%dma_start3A_494 : memref<100x128xf32, #tpu.memory_space<vmem>>) offsets(%dma_start3A_497 : memref<100xi32, #tpu.memory_space<vmem>>) semaphore(%arg9 : memref<!tpu.dma_semaphore, #tpu.memory_space<semaphore_mem>>)
      %dma_wait3A_501 = arith.constant 1 : i32
      %dma_wait3A_502 = arith.constant 0 : i32
      %dma_wait3A_503 = arith.constant 2 : i32
      %dma_wait3A_504 = arith.constant 1 : i32
      %dma_wait3A_505 = arith.constant 0 : i32
      %dma_wait3A_506 = arith.constant 0 : i32
      %dma_wait3A_507 = tpu.memref_slice %arg6[%dma_wait3A_504, %dma_wait3A_505, %dma_wait3A_506] : memref<3x100x128xf32, #tpu.memory_space<vmem>> -> memref<1x100x128xf32, #tpu.memory_space<vmem>>
      %dma_wait3A_508 = tpu.memref_squeeze %dma_wait3A_507 : memref<1x100x128xf32, #tpu.memory_space<vmem>> -> memref<100x128xf32, #tpu.memory_space<vmem>>
      %dma_wait3A_509 = arith.constant 0 : i32
      %dma_wait3A_510 = tpu.memref_slice %arg5[%dma_wait3A_501, %dma_wait3A_502, %dma_wait3A_503, %dma_wait3A_509] : memref<2x2x5x100xi32, #tpu.memory_space<vmem>> -> memref<1x1x1x100xi32, #tpu.memory_space<vmem>>
      %dma_wait3A_511 = tpu.memref_squeeze %dma_wait3A_510 : memref<1x1x1x100xi32, #tpu.memory_space<vmem>> -> memref<100xi32, #tpu.memory_space<vmem>>
      %dma_wait3A_512 = arith.constant 0 : i32
      %dma_wait3A_513 = arith.constant 0 : i32
      %dma_wait3A_514 = tpu.memref_slice %arg2[%dma_wait3A_512, %dma_wait3A_513] : memref<10000x128xf32, #tpu.memory_space<hbm>> -> memref<10000x128xf32, #tpu.memory_space<hbm>>
      tpu.wait_indirect_dma semaphore(%arg9 : memref<!tpu.dma_semaphore, #tpu.memory_space<semaphore_mem>>) src(%dma_wait3A_514 : memref<10000x128xf32, #tpu.memory_space<hbm>>) dst(%dma_wait3A_508 : memref<100x128xf32, #tpu.memory_space<vmem>>)
      %dma_start3A_515 = arith.constant 1 : i32
      %dma_start3A_516 = arith.constant 1 : i32
      %dma_start3A_517 = arith.constant 1 : i32
      %dma_start3A_518 = arith.constant 2 : i32
      %dma_start3A_519 = arith.constant 0 : i32
      %dma_start3A_520 = arith.constant 0 : i32
      %dma_start3A_521 = tpu.memref_slice %arg6[%dma_start3A_515, %dma_start3A_519, %dma_start3A_520] : memref<3x100x128xf32, #tpu.memory_space<vmem>> -> memref<1x100x128xf32, #tpu.memory_space<vmem>>
      %dma_start3A_522 = tpu.memref_squeeze %dma_start3A_521 : memref<1x100x128xf32, #tpu.memory_space<vmem>> -> memref<100x128xf32, #tpu.memory_space<vmem>>
      %dma_start3A_523 = arith.constant 0 : i32
      %dma_start3A_524 = tpu.memref_slice %arg5[%dma_start3A_516, %dma_start3A_517, %dma_start3A_518, %dma_start3A_523] : memref<2x2x5x100xi32, #tpu.memory_space<vmem>> -> memref<1x1x1x100xi32, #tpu.memory_space<vmem>>
      %dma_start3A_525 = tpu.memref_squeeze %dma_start3A_524 : memref<1x1x1x100xi32, #tpu.memory_space<vmem>> -> memref<100xi32, #tpu.memory_space<vmem>>
      %dma_start3A_526 = arith.constant 0 : i32
      %dma_start3A_527 = arith.constant 0 : i32
      %dma_start3A_528 = tpu.memref_slice %arg7[%dma_start3A_526, %dma_start3A_527] : memref<10240x128xf32, #tpu.memory_space<vmem_shared>> -> memref<10240x128xf32, #tpu.memory_space<vmem_shared>>
      tpu.enqueue_indirect_dma source(%dma_start3A_522 : memref<100x128xf32, #tpu.memory_space<vmem>>) target(%dma_start3A_528 : memref<10240x128xf32, #tpu.memory_space<vmem_shared>>) offsets(%dma_start3A_525 : memref<100xi32, #tpu.memory_space<vmem>>) semaphore(%arg12 : memref<!tpu.dma_semaphore, #tpu.memory_space<semaphore_mem>>) {add = true}
      %dma_wait3A_529 = arith.constant 2 : i32
      %dma_wait3A_530 = arith.constant 1 : i32
      %dma_wait3A_531 = arith.constant 1 : i32
      %dma_wait3A_532 = arith.constant 0 : i32
      %dma_wait3A_533 = arith.constant 0 : i32
      %dma_wait3A_534 = arith.constant 0 : i32
      %dma_wait3A_535 = tpu.memref_slice %arg6[%dma_wait3A_529, %dma_wait3A_533, %dma_wait3A_534] : memref<3x100x128xf32, #tpu.memory_space<vmem>> -> memref<1x100x128xf32, #tpu.memory_space<vmem>>
      %dma_wait3A_536 = tpu.memref_squeeze %dma_wait3A_535 : memref<1x100x128xf32, #tpu.memory_space<vmem>> -> memref<100x128xf32, #tpu.memory_space<vmem>>
      %dma_wait3A_537 = arith.constant 0 : i32
      %dma_wait3A_538 = tpu.memref_slice %arg5[%dma_wait3A_530, %dma_wait3A_531, %dma_wait3A_532, %dma_wait3A_537] : memref<2x2x5x100xi32, #tpu.memory_space<vmem>> -> memref<1x1x1x100xi32, #tpu.memory_space<vmem>>
      %dma_wait3A_539 = tpu.memref_squeeze %dma_wait3A_538 : memref<1x1x1x100xi32, #tpu.memory_space<vmem>> -> memref<100xi32, #tpu.memory_space<vmem>>
      %dma_wait3A_540 = arith.constant 0 : i32
      %dma_wait3A_541 = arith.constant 0 : i32
      %dma_wait3A_542 = tpu.memref_slice %arg7[%dma_wait3A_540, %dma_wait3A_541] : memref<10240x128xf32, #tpu.memory_space<vmem_shared>> -> memref<10240x128xf32, #tpu.memory_space<vmem_shared>>
      tpu.wait_indirect_dma semaphore(%arg13 : memref<!tpu.dma_semaphore, #tpu.memory_space<semaphore_mem>>) src(%dma_wait3A_536 : memref<100x128xf32, #tpu.memory_space<vmem>>) dst(%dma_wait3A_542 : memref<10240x128xf32, #tpu.memory_space<vmem_shared>>)
      %dma_start3A_543 = arith.constant 1 : i32
      %dma_start3A_544 = arith.constant 0 : i32
      %dma_start3A_545 = arith.constant 3 : i32
      %dma_start3A_546 = arith.constant 2 : i32
      %dma_start3A_547 = arith.constant 0 : i32
      %dma_start3A_548 = arith.constant 0 : i32
      %dma_start3A_549 = tpu.memref_slice %arg6[%dma_start3A_546, %dma_start3A_547, %dma_start3A_548] : memref<3x100x128xf32, #tpu.memory_space<vmem>> -> memref<1x100x128xf32, #tpu.memory_space<vmem>>
      %dma_start3A_550 = tpu.memref_squeeze %dma_start3A_549 : memref<1x100x128xf32, #tpu.memory_space<vmem>> -> memref<100x128xf32, #tpu.memory_space<vmem>>
      %dma_start3A_551 = arith.constant 0 : i32
      %dma_start3A_552 = tpu.memref_slice %arg5[%dma_start3A_543, %dma_start3A_544, %dma_start3A_545, %dma_start3A_551] : memref<2x2x5x100xi32, #tpu.memory_space<vmem>> -> memref<1x1x1x100xi32, #tpu.memory_space<vmem>>
      %dma_start3A_553 = tpu.memref_squeeze %dma_start3A_552 : memref<1x1x1x100xi32, #tpu.memory_space<vmem>> -> memref<100xi32, #tpu.memory_space<vmem>>
      %dma_start3A_554 = arith.constant 0 : i32
      %dma_start3A_555 = arith.constant 0 : i32
      %dma_start3A_556 = tpu.memref_slice %arg2[%dma_start3A_554, %dma_start3A_555] : memref<10000x128xf32, #tpu.memory_space<hbm>> -> memref<10000x128xf32, #tpu.memory_space<hbm>>
      tpu.enqueue_indirect_dma source(%dma_start3A_556 : memref<10000x128xf32, #tpu.memory_space<hbm>>) target(%dma_start3A_550 : memref<100x128xf32, #tpu.memory_space<vmem>>) offsets(%dma_start3A_553 : memref<100xi32, #tpu.memory_space<vmem>>) semaphore(%arg10 : memref<!tpu.dma_semaphore, #tpu.memory_space<semaphore_mem>>)
      %dma_wait3A_557 = arith.constant 1 : i32
      %dma_wait3A_558 = arith.constant 0 : i32
      %dma_wait3A_559 = arith.constant 3 : i32
      %dma_wait3A_560 = arith.constant 2 : i32
      %dma_wait3A_561 = arith.constant 0 : i32
      %dma_wait3A_562 = arith.constant 0 : i32
      %dma_wait3A_563 = tpu.memref_slice %arg6[%dma_wait3A_560, %dma_wait3A_561, %dma_wait3A_562] : memref<3x100x128xf32, #tpu.memory_space<vmem>> -> memref<1x100x128xf32, #tpu.memory_space<vmem>>
      %dma_wait3A_564 = tpu.memref_squeeze %dma_wait3A_563 : memref<1x100x128xf32, #tpu.memory_space<vmem>> -> memref<100x128xf32, #tpu.memory_space<vmem>>
      %dma_wait3A_565 = arith.constant 0 : i32
      %dma_wait3A_566 = tpu.memref_slice %arg5[%dma_wait3A_557, %dma_wait3A_558, %dma_wait3A_559, %dma_wait3A_565] : memref<2x2x5x100xi32, #tpu.memory_space<vmem>> -> memref<1x1x1x100xi32, #tpu.memory_space<vmem>>
      %dma_wait3A_567 = tpu.memref_squeeze %dma_wait3A_566 : memref<1x1x1x100xi32, #tpu.memory_space<vmem>> -> memref<100xi32, #tpu.memory_space<vmem>>
      %dma_wait3A_568 = arith.constant 0 : i32
      %dma_wait3A_569 = arith.constant 0 : i32
      %dma_wait3A_570 = tpu.memref_slice %arg2[%dma_wait3A_568, %dma_wait3A_569] : memref<10000x128xf32, #tpu.memory_space<hbm>> -> memref<10000x128xf32, #tpu.memory_space<hbm>>
      tpu.wait_indirect_dma semaphore(%arg10 : memref<!tpu.dma_semaphore, #tpu.memory_space<semaphore_mem>>) src(%dma_wait3A_570 : memref<10000x128xf32, #tpu.memory_space<hbm>>) dst(%dma_wait3A_564 : memref<100x128xf32, #tpu.memory_space<vmem>>)
      %dma_start3A_571 = arith.constant 2 : i32
      %dma_start3A_572 = arith.constant 1 : i32
      %dma_start3A_573 = arith.constant 1 : i32
      %dma_start3A_574 = arith.constant 3 : i32
      %dma_start3A_575 = arith.constant 0 : i32
      %dma_start3A_576 = arith.constant 0 : i32
      %dma_start3A_577 = tpu.memref_slice %arg6[%dma_start3A_571, %dma_start3A_575, %dma_start3A_576] : memref<3x100x128xf32, #tpu.memory_space<vmem>> -> memref<1x100x128xf32, #tpu.memory_space<vmem>>
      %dma_start3A_578 = tpu.memref_squeeze %dma_start3A_577 : memref<1x100x128xf32, #tpu.memory_space<vmem>> -> memref<100x128xf32, #tpu.memory_space<vmem>>
      %dma_start3A_579 = arith.constant 0 : i32
      %dma_start3A_580 = tpu.memref_slice %arg5[%dma_start3A_572, %dma_start3A_573, %dma_start3A_574, %dma_start3A_579] : memref<2x2x5x100xi32, #tpu.memory_space<vmem>> -> memref<1x1x1x100xi32, #tpu.memory_space<vmem>>
      %dma_start3A_581 = tpu.memref_squeeze %dma_start3A_580 : memref<1x1x1x100xi32, #tpu.memory_space<vmem>> -> memref<100xi32, #tpu.memory_space<vmem>>
      %dma_start3A_582 = arith.constant 0 : i32
      %dma_start3A_583 = arith.constant 0 : i32
      %dma_start3A_584 = tpu.memref_slice %arg7[%dma_start3A_582, %dma_start3A_583] : memref<10240x128xf32, #tpu.memory_space<vmem_shared>> -> memref<10240x128xf32, #tpu.memory_space<vmem_shared>>
      tpu.enqueue_indirect_dma source(%dma_start3A_578 : memref<100x128xf32, #tpu.memory_space<vmem>>) target(%dma_start3A_584 : memref<10240x128xf32, #tpu.memory_space<vmem_shared>>) offsets(%dma_start3A_581 : memref<100xi32, #tpu.memory_space<vmem>>) semaphore(%arg13 : memref<!tpu.dma_semaphore, #tpu.memory_space<semaphore_mem>>) {add = true}
      %dma_wait3A_585 = arith.constant 0 : i32
      %dma_wait3A_586 = arith.constant 1 : i32
      %dma_wait3A_587 = arith.constant 1 : i32
      %dma_wait3A_588 = arith.constant 1 : i32
      %dma_wait3A_589 = arith.constant 0 : i32
      %dma_wait3A_590 = arith.constant 0 : i32
      %dma_wait3A_591 = tpu.memref_slice %arg6[%dma_wait3A_585, %dma_wait3A_589, %dma_wait3A_590] : memref<3x100x128xf32, #tpu.memory_space<vmem>> -> memref<1x100x128xf32, #tpu.memory_space<vmem>>
      %dma_wait3A_592 = tpu.memref_squeeze %dma_wait3A_591 : memref<1x100x128xf32, #tpu.memory_space<vmem>> -> memref<100x128xf32, #tpu.memory_space<vmem>>
      %dma_wait3A_593 = arith.constant 0 : i32
      %dma_wait3A_594 = tpu.memref_slice %arg5[%dma_wait3A_586, %dma_wait3A_587, %dma_wait3A_588, %dma_wait3A_593] : memref<2x2x5x100xi32, #tpu.memory_space<vmem>> -> memref<1x1x1x100xi32, #tpu.memory_space<vmem>>
      %dma_wait3A_595 = tpu.memref_squeeze %dma_wait3A_594 : memref<1x1x1x100xi32, #tpu.memory_space<vmem>> -> memref<100xi32, #tpu.memory_space<vmem>>
      %dma_wait3A_596 = arith.constant 0 : i32
      %dma_wait3A_597 = arith.constant 0 : i32
      %dma_wait3A_598 = tpu.memref_slice %arg7[%dma_wait3A_596, %dma_wait3A_597] : memref<10240x128xf32, #tpu.memory_space<vmem_shared>> -> memref<10240x128xf32, #tpu.memory_space<vmem_shared>>
      tpu.wait_indirect_dma semaphore(%arg11 : memref<!tpu.dma_semaphore, #tpu.memory_space<semaphore_mem>>) src(%dma_wait3A_592 : memref<100x128xf32, #tpu.memory_space<vmem>>) dst(%dma_wait3A_598 : memref<10240x128xf32, #tpu.memory_space<vmem_shared>>)
      %dma_start3A_599 = arith.constant 1 : i32
      %dma_start3A_600 = arith.constant 0 : i32
      %dma_start3A_601 = arith.constant 4 : i32
      %dma_start3A_602 = arith.constant 0 : i32
      %dma_start3A_603 = arith.constant 0 : i32
      %dma_start3A_604 = arith.constant 0 : i32
      %dma_start3A_605 = tpu.memref_slice %arg6[%dma_start3A_602, %dma_start3A_603, %dma_start3A_604] : memref<3x100x128xf32, #tpu.memory_space<vmem>> -> memref<1x100x128xf32, #tpu.memory_space<vmem>>
      %dma_start3A_606 = tpu.memref_squeeze %dma_start3A_605 : memref<1x100x128xf32, #tpu.memory_space<vmem>> -> memref<100x128xf32, #tpu.memory_space<vmem>>
      %dma_start3A_607 = arith.constant 0 : i32
      %dma_start3A_608 = tpu.memref_slice %arg5[%dma_start3A_599, %dma_start3A_600, %dma_start3A_601, %dma_start3A_607] : memref<2x2x5x100xi32, #tpu.memory_space<vmem>> -> memref<1x1x1x100xi32, #tpu.memory_space<vmem>>
      %dma_start3A_609 = tpu.memref_squeeze %dma_start3A_608 : memref<1x1x1x100xi32, #tpu.memory_space<vmem>> -> memref<100xi32, #tpu.memory_space<vmem>>
      %dma_start3A_610 = arith.constant 0 : i32
      %dma_start3A_611 = arith.constant 0 : i32
      %dma_start3A_612 = tpu.memref_slice %arg2[%dma_start3A_610, %dma_start3A_611] : memref<10000x128xf32, #tpu.memory_space<hbm>> -> memref<10000x128xf32, #tpu.memory_space<hbm>>
      tpu.enqueue_indirect_dma source(%dma_start3A_612 : memref<10000x128xf32, #tpu.memory_space<hbm>>) target(%dma_start3A_606 : memref<100x128xf32, #tpu.memory_space<vmem>>) offsets(%dma_start3A_609 : memref<100xi32, #tpu.memory_space<vmem>>) semaphore(%arg8 : memref<!tpu.dma_semaphore, #tpu.memory_space<semaphore_mem>>)
      %dma_wait3A_613 = arith.constant 1 : i32
      %dma_wait3A_614 = arith.constant 0 : i32
      %dma_wait3A_615 = arith.constant 4 : i32
      %dma_wait3A_616 = arith.constant 0 : i32
      %dma_wait3A_617 = arith.constant 0 : i32
      %dma_wait3A_618 = arith.constant 0 : i32
      %dma_wait3A_619 = tpu.memref_slice %arg6[%dma_wait3A_616, %dma_wait3A_617, %dma_wait3A_618] : memref<3x100x128xf32, #tpu.memory_space<vmem>> -> memref<1x100x128xf32, #tpu.memory_space<vmem>>
      %dma_wait3A_620 = tpu.memref_squeeze %dma_wait3A_619 : memref<1x100x128xf32, #tpu.memory_space<vmem>> -> memref<100x128xf32, #tpu.memory_space<vmem>>
      %dma_wait3A_621 = arith.constant 0 : i32
      %dma_wait3A_622 = tpu.memref_slice %arg5[%dma_wait3A_613, %dma_wait3A_614, %dma_wait3A_615, %dma_wait3A_621] : memref<2x2x5x100xi32, #tpu.memory_space<vmem>> -> memref<1x1x1x100xi32, #tpu.memory_space<vmem>>
      %dma_wait3A_623 = tpu.memref_squeeze %dma_wait3A_622 : memref<1x1x1x100xi32, #tpu.memory_space<vmem>> -> memref<100xi32, #tpu.memory_space<vmem>>
      %dma_wait3A_624 = arith.constant 0 : i32
      %dma_wait3A_625 = arith.constant 0 : i32
      %dma_wait3A_626 = tpu.memref_slice %arg2[%dma_wait3A_624, %dma_wait3A_625] : memref<10000x128xf32, #tpu.memory_space<hbm>> -> memref<10000x128xf32, #tpu.memory_space<hbm>>
      tpu.wait_indirect_dma semaphore(%arg8 : memref<!tpu.dma_semaphore, #tpu.memory_space<semaphore_mem>>) src(%dma_wait3A_626 : memref<10000x128xf32, #tpu.memory_space<hbm>>) dst(%dma_wait3A_620 : memref<100x128xf32, #tpu.memory_space<vmem>>)
      %dma_start3A_627 = arith.constant 0 : i32
      %dma_start3A_628 = arith.constant 1 : i32
      %dma_start3A_629 = arith.constant 1 : i32
      %dma_start3A_630 = arith.constant 4 : i32
      %dma_start3A_631 = arith.constant 0 : i32
      %dma_start3A_632 = arith.constant 0 : i32
      %dma_start3A_633 = tpu.memref_slice %arg6[%dma_start3A_627, %dma_start3A_631, %dma_start3A_632] : memref<3x100x128xf32, #tpu.memory_space<vmem>> -> memref<1x100x128xf32, #tpu.memory_space<vmem>>
      %dma_start3A_634 = tpu.memref_squeeze %dma_start3A_633 : memref<1x100x128xf32, #tpu.memory_space<vmem>> -> memref<100x128xf32, #tpu.memory_space<vmem>>
      %dma_start3A_635 = arith.constant 0 : i32
      %dma_start3A_636 = tpu.memref_slice %arg5[%dma_start3A_628, %dma_start3A_629, %dma_start3A_630, %dma_start3A_635] : memref<2x2x5x100xi32, #tpu.memory_space<vmem>> -> memref<1x1x1x100xi32, #tpu.memory_space<vmem>>
      %dma_start3A_637 = tpu.memref_squeeze %dma_start3A_636 : memref<1x1x1x100xi32, #tpu.memory_space<vmem>> -> memref<100xi32, #tpu.memory_space<vmem>>
      %dma_start3A_638 = arith.constant 0 : i32
      %dma_start3A_639 = arith.constant 0 : i32
      %dma_start3A_640 = tpu.memref_slice %arg7[%dma_start3A_638, %dma_start3A_639] : memref<10240x128xf32, #tpu.memory_space<vmem_shared>> -> memref<10240x128xf32, #tpu.memory_space<vmem_shared>>
      tpu.enqueue_indirect_dma source(%dma_start3A_634 : memref<100x128xf32, #tpu.memory_space<vmem>>) target(%dma_start3A_640 : memref<10240x128xf32, #tpu.memory_space<vmem_shared>>) offsets(%dma_start3A_637 : memref<100xi32, #tpu.memory_space<vmem>>) semaphore(%arg11 : memref<!tpu.dma_semaphore, #tpu.memory_space<semaphore_mem>>) {add = true}
      %dma_wait3A_641 = arith.constant 1 : i32
      %dma_wait3A_642 = arith.constant 1 : i32
      %dma_wait3A_643 = arith.constant 1 : i32
      %dma_wait3A_644 = arith.constant 2 : i32
      %dma_wait3A_645 = arith.constant 0 : i32
      %dma_wait3A_646 = arith.constant 0 : i32
      %dma_wait3A_647 = tpu.memref_slice %arg6[%dma_wait3A_641, %dma_wait3A_645, %dma_wait3A_646] : memref<3x100x128xf32, #tpu.memory_space<vmem>> -> memref<1x100x128xf32, #tpu.memory_space<vmem>>
      %dma_wait3A_648 = tpu.memref_squeeze %dma_wait3A_647 : memref<1x100x128xf32, #tpu.memory_space<vmem>> -> memref<100x128xf32, #tpu.memory_space<vmem>>
      %dma_wait3A_649 = arith.constant 0 : i32
      %dma_wait3A_650 = tpu.memref_slice %arg5[%dma_wait3A_642, %dma_wait3A_643, %dma_wait3A_644, %dma_wait3A_649] : memref<2x2x5x100xi32, #tpu.memory_space<vmem>> -> memref<1x1x1x100xi32, #tpu.memory_space<vmem>>
      %dma_wait3A_651 = tpu.memref_squeeze %dma_wait3A_650 : memref<1x1x1x100xi32, #tpu.memory_space<vmem>> -> memref<100xi32, #tpu.memory_space<vmem>>
      %dma_wait3A_652 = arith.constant 0 : i32
      %dma_wait3A_653 = arith.constant 0 : i32
      %dma_wait3A_654 = tpu.memref_slice %arg7[%dma_wait3A_652, %dma_wait3A_653] : memref<10240x128xf32, #tpu.memory_space<vmem_shared>> -> memref<10240x128xf32, #tpu.memory_space<vmem_shared>>
      tpu.wait_indirect_dma semaphore(%arg12 : memref<!tpu.dma_semaphore, #tpu.memory_space<semaphore_mem>>) src(%dma_wait3A_648 : memref<100x128xf32, #tpu.memory_space<vmem>>) dst(%dma_wait3A_654 : memref<10240x128xf32, #tpu.memory_space<vmem_shared>>)
      %dma_wait3A_655 = arith.constant 2 : i32
      %dma_wait3A_656 = arith.constant 1 : i32
      %dma_wait3A_657 = arith.constant 1 : i32
      %dma_wait3A_658 = arith.constant 3 : i32
      %dma_wait3A_659 = arith.constant 0 : i32
      %dma_wait3A_660 = arith.constant 0 : i32
      %dma_wait3A_661 = tpu.memref_slice %arg6[%dma_wait3A_655, %dma_wait3A_659, %dma_wait3A_660] : memref<3x100x128xf32, #tpu.memory_space<vmem>> -> memref<1x100x128xf32, #tpu.memory_space<vmem>>
      %dma_wait3A_662 = tpu.memref_squeeze %dma_wait3A_661 : memref<1x100x128xf32, #tpu.memory_space<vmem>> -> memref<100x128xf32, #tpu.memory_space<vmem>>
      %dma_wait3A_663 = arith.constant 0 : i32
      %dma_wait3A_664 = tpu.memref_slice %arg5[%dma_wait3A_656, %dma_wait3A_657, %dma_wait3A_658, %dma_wait3A_663] : memref<2x2x5x100xi32, #tpu.memory_space<vmem>> -> memref<1x1x1x100xi32, #tpu.memory_space<vmem>>
      %dma_wait3A_665 = tpu.memref_squeeze %dma_wait3A_664 : memref<1x1x1x100xi32, #tpu.memory_space<vmem>> -> memref<100xi32, #tpu.memory_space<vmem>>
      %dma_wait3A_666 = arith.constant 0 : i32
      %dma_wait3A_667 = arith.constant 0 : i32
      %dma_wait3A_668 = tpu.memref_slice %arg7[%dma_wait3A_666, %dma_wait3A_667] : memref<10240x128xf32, #tpu.memory_space<vmem_shared>> -> memref<10240x128xf32, #tpu.memory_space<vmem_shared>>
      tpu.wait_indirect_dma semaphore(%arg13 : memref<!tpu.dma_semaphore, #tpu.memory_space<semaphore_mem>>) src(%dma_wait3A_662 : memref<100x128xf32, #tpu.memory_space<vmem>>) dst(%dma_wait3A_668 : memref<10240x128xf32, #tpu.memory_space<vmem_shared>>)
      %dma_wait3A_669 = arith.constant 0 : i32
      %dma_wait3A_670 = arith.constant 1 : i32
      %dma_wait3A_671 = arith.constant 1 : i32
      %dma_wait3A_672 = arith.constant 4 : i32
      %dma_wait3A_673 = arith.constant 0 : i32
      %dma_wait3A_674 = arith.constant 0 : i32
      %dma_wait3A_675 = tpu.memref_slice %arg6[%dma_wait3A_669, %dma_wait3A_673, %dma_wait3A_674] : memref<3x100x128xf32, #tpu.memory_space<vmem>> -> memref<1x100x128xf32, #tpu.memory_space<vmem>>
      %dma_wait3A_676 = tpu.memref_squeeze %dma_wait3A_675 : memref<1x100x128xf32, #tpu.memory_space<vmem>> -> memref<100x128xf32, #tpu.memory_space<vmem>>
      %dma_wait3A_677 = arith.constant 0 : i32
      %dma_wait3A_678 = tpu.memref_slice %arg5[%dma_wait3A_670, %dma_wait3A_671, %dma_wait3A_672, %dma_wait3A_677] : memref<2x2x5x100xi32, #tpu.memory_space<vmem>> -> memref<1x1x1x100xi32, #tpu.memory_space<vmem>>
      %dma_wait3A_679 = tpu.memref_squeeze %dma_wait3A_678 : memref<1x1x1x100xi32, #tpu.memory_space<vmem>> -> memref<100xi32, #tpu.memory_space<vmem>>
      %dma_wait3A_680 = arith.constant 0 : i32
      %dma_wait3A_681 = arith.constant 0 : i32
      %dma_wait3A_682 = tpu.memref_slice %arg7[%dma_wait3A_680, %dma_wait3A_681] : memref<10240x128xf32, #tpu.memory_space<vmem_shared>> -> memref<10240x128xf32, #tpu.memory_space<vmem_shared>>
      tpu.wait_indirect_dma semaphore(%arg11 : memref<!tpu.dma_semaphore, #tpu.memory_space<semaphore_mem>>) src(%dma_wait3A_676 : memref<100x128xf32, #tpu.memory_space<vmem>>) dst(%dma_wait3A_682 : memref<10240x128xf32, #tpu.memory_space<vmem_shared>>)
    }
    %scan3A_19 = arith.constant 10 : i32
    %barrier3A_20 = arith.constant 0 : index
    tpu.barrier barrier_id(%barrier3A_20)
    "tpu.region"() ({
      %run_scoped3A = tpu.sem_alloc : memref<!tpu.dma_semaphore, #tpu.memory_space<semaphore_mem>>
      %dma_start3A = arith.constant 0 : i32
      %dma_start3A_21 = arith.constant 0 : i32
      %dma_start3A_22 = tpu.memref_slice %arg4[%arg0, %dma_start3A, %dma_start3A_21] : memref<2x10240x128xf32, #tpu.memory_space<hbm>> -> memref<1x10240x128xf32, #tpu.memory_space<hbm>>
      %dma_start3A_23 = tpu.memref_squeeze %dma_start3A_22 : memref<1x10240x128xf32, #tpu.memory_space<hbm>> -> memref<10240x128xf32, #tpu.memory_space<hbm>>
      %dma_start3A_24 = arith.constant 0 : i32
      %dma_start3A_25 = tpu.memref_slice %dma_start3A_23[%mul3A_0, %dma_start3A_24] : memref<10240x128xf32, #tpu.memory_space<hbm>> -> memref<640x128xf32, #tpu.memory_space<hbm>>
      %dma_start3A_26 = arith.constant 0 : i32
      %dma_start3A_27 = tpu.memref_slice %arg7[%mul3A_0, %dma_start3A_26] : memref<10240x128xf32, #tpu.memory_space<vmem_shared>> -> memref<640x128xf32, #tpu.memory_space<vmem_shared>>
      tpu.enqueue_dma source(%dma_start3A_27 : memref<640x128xf32, #tpu.memory_space<vmem_shared>>) target(%dma_start3A_25 : memref<640x128xf32, #tpu.memory_space<hbm>>) target_semaphore(%run_scoped3A : memref<!tpu.dma_semaphore, #tpu.memory_space<semaphore_mem>>)
      %dma_wait3A = arith.constant 0 : i32
      %dma_wait3A_28 = arith.constant 0 : i32
      %dma_wait3A_29 = tpu.memref_slice %arg4[%arg0, %dma_wait3A, %dma_wait3A_28] : memref<2x10240x128xf32, #tpu.memory_space<hbm>> -> memref<1x10240x128xf32, #tpu.memory_space<hbm>>
      %dma_wait3A_30 = tpu.memref_squeeze %dma_wait3A_29 : memref<1x10240x128xf32, #tpu.memory_space<hbm>> -> memref<10240x128xf32, #tpu.memory_space<hbm>>
      %dma_wait3A_31 = arith.constant 0 : i32
      %dma_wait3A_32 = tpu.memref_slice %dma_wait3A_30[%mul3A_0, %dma_wait3A_31] : memref<10240x128xf32, #tpu.memory_space<hbm>> -> memref<640x128xf32, #tpu.memory_space<hbm>>
      %dma_wait3A_33 = arith.constant 0 : i32
      %dma_wait3A_34 = tpu.memref_slice %arg7[%mul3A_0, %dma_wait3A_33] : memref<10240x128xf32, #tpu.memory_space<vmem_shared>> -> memref<640x128xf32, #tpu.memory_space<vmem_shared>>
      tpu.wait_dma2 semaphore(%run_scoped3A : memref<!tpu.dma_semaphore, #tpu.memory_space<semaphore_mem>>) src(%dma_wait3A_34 : memref<640x128xf32, #tpu.memory_space<vmem_shared>>) dst(%dma_wait3A_32 : memref<640x128xf32, #tpu.memory_space<hbm>>)
      tpu.yield
    }) : () -> ()
    return
  }
}

#map = affine_map<(d0, d1) -> (0, 0)>
#map1 = affine_map<(d0, d1) -> (0, 0, 0, 0, 0, 0)>
#map2 = affine_map<(d0, d1) -> (0, 0, 0)>
module attributes {stable_mosaic.version = 14 : i64} {
  func.func @k(%arg0: i32, %arg1: i32, %arg2: memref<10000x128xf32, #tpu.memory_space<hbm>>, %arg3: memref<2x16x20x2x5x100xi32, #tpu.memory_space<hbm>>, %arg4: memref<2x10240x128xf32, #tpu.memory_space<hbm>>, %arg5: memref<2x2x5x100xi32, #tpu.memory_space<vmem>>, %arg6: memref<3x100x128xf32, #tpu.memory_space<vmem>>, %arg7: memref<10240x128xf32, #tpu.memory_space<vmem_shared>>, %arg8: memref<!tpu.dma_semaphore, #tpu.memory_space<semaphore_mem>>, %arg9: memref<!tpu.dma_semaphore, #tpu.memory_space<semaphore_mem>>, %arg10: memref<!tpu.dma_semaphore, #tpu.memory_space<semaphore_mem>>, %arg11: memref<!tpu.dma_semaphore, #tpu.memory_space<semaphore_mem>>, %arg12: memref<!tpu.dma_semaphore, #tpu.memory_space<semaphore_mem>>, %arg13: memref<!tpu.dma_semaphore, #tpu.memory_space<semaphore_mem>>, %arg14: memref<!tpu.dma_semaphore, #tpu.memory_space<semaphore_mem>>, %arg15: memref<!tpu.dma_semaphore, #tpu.memory_space<semaphore_mem>>) attributes {dimension_semantics = [#tpu.dimension_semantics<core_parallel>, #tpu.dimension_semantics<subcore_parallel>], iteration_bounds = array<i64: 2, 16>, scalar_prefetch = 0 : i64, scratch_operands = 11 : i64, tpu.core_type = #tpu.core_type<sc_vector_subcore>, window_params = [{transform_indices = #map}, {transform_indices = #map1}, {transform_indices = #map2}]} {
    %mul3A = arith.constant 640 : i32
    %mul3A_0 = arith.muli %arg1, %mul3A : i32
    %scan3A = arith.constant 0 : i32
    %scan3A_1 = arith.constant 64 : i32
    %scan3A_2 = arith.addi %scan3A, %scan3A_1 : i32
    %scan3A_3 = arith.constant 1 : i32
    scf.for %scan3A_21 = %scan3A to %scan3A_2 step %scan3A_3  : i32 {
      %mul3A_22 = arith.constant 1 : i32
      %mul3A_23 = arith.muli %scan3A_21, %mul3A_22 : i32
      %add3A = arith.constant 0 : i32
      %add3A_24 = arith.addi %add3A, %mul3A_23 : i32
      %scan3A_25 = arith.constant 0 : i32
      %scan3A_26 = arith.constant 8 : i32
      %scan3A_27 = arith.addi %scan3A_25, %scan3A_26 : i32
      %scan3A_28 = arith.constant 1 : i32
      scf.for %scan3A_30 = %scan3A_25 to %scan3A_27 step %scan3A_28  : i32 {
        %mul3A_31 = arith.constant 16 : i32
        %mul3A_32 = arith.muli %scan3A_30, %mul3A_31 : i32
        %add3A_33 = arith.constant 0 : i32
        %add3A_34 = arith.addi %add3A_33, %mul3A_32 : i32
        %broadcast_in_dim3A = arith.constant 0.000000e+00 : f32
        %broadcast_in_dim3A_35 = vector.broadcast %broadcast_in_dim3A : f32 to vector<16xf32>
        %swap3A = arith.constant 0 : i32
        %swap3A_36 = arith.index_cast %swap3A : i32 to index
        %swap3A_37 = arith.index_cast %add3A_24 : i32 to index
        %swap3A_38 = arith.index_cast %add3A_34 : i32 to index
        %swap3A_39 = tpu.vector_load %arg6[%swap3A_36, %swap3A_37, %swap3A_38] {strides = array<i32>} : memref<3x100x128xf32, #tpu.memory_space<vmem>>, vector<1x1x16xf32>,
        %swap3A_40 = vector.shape_cast %swap3A_39 : vector<1x1x16xf32> to vector<16xf32>
        %swap3A_41 = vector.shape_cast %broadcast_in_dim3A_35 : vector<16xf32> to vector<1x1x16xf32>
        tpu.vector_store %arg6[%swap3A_36, %swap3A_37, %swap3A_38], %swap3A_41 {strides = array<i32>} : memref<3x100x128xf32, #tpu.memory_space<vmem>>, vector<1x1x16xf32>,
      }
      %scan3A_29 = arith.constant 8 : i32
    }
    %scan3A_4 = arith.constant 64 : i32
    %scan3A_5 = arith.constant 0 : i32
    %scan3A_6 = arith.constant 5 : i32
    %scan3A_7 = arith.addi %scan3A_5, %scan3A_6 : i32
    %scan3A_8 = arith.constant 1 : i32
    scf.for %scan3A_21 = %scan3A_5 to %scan3A_7 step %scan3A_8  : i32 {
      %mul3A_22 = arith.constant 128 : i32
      %mul3A_23 = arith.muli %scan3A_21, %mul3A_22 : i32
      %add3A = arith.constant 0 : i32
      %add3A_24 = arith.addi %add3A, %mul3A_23 : i32
      %add3A_25 = arith.addi %mul3A_0, %add3A_24 : i32
      %dma_start3A = arith.constant 0 : i32
      %dma_start3A_26 = arith.constant 0 : i32
      %dma_start3A_27 = arith.constant 0 : i32
      %dma_start3A_28 = tpu.memref_slice %arg6[%dma_start3A, %dma_start3A_26, %dma_start3A_27] : memref<3x100x128xf32, #tpu.memory_space<vmem>> -> memref<1x64x128xf32, #tpu.memory_space<vmem>>
      %dma_start3A_29 = tpu.memref_squeeze %dma_start3A_28 : memref<1x64x128xf32, #tpu.memory_space<vmem>> -> memref<64x128xf32, #tpu.memory_space<vmem>>
      %dma_start3A_30 = arith.constant 0 : i32
      %dma_start3A_31 = tpu.memref_slice %arg7[%add3A_25, %dma_start3A_30] : memref<10240x128xf32, #tpu.memory_space<vmem_shared>> -> memref<64x128xf32, #tpu.memory_space<vmem_shared>>
      %dma_start3A_32 = arith.constant 0 : i32
      %dma_start3A_33 = tpu.memref_slice %arg7[%add3A_25, %dma_start3A_32] : memref<10240x128xf32, #tpu.memory_space<vmem_shared>> -> memref<64x128xf32, #tpu.memory_space<vmem_shared>>
      %dma_start3A_34 = arith.constant 0 : i32
      %dma_start3A_35 = arith.constant 0 : i32
      %dma_start3A_36 = tpu.memref_slice %arg6[%dma_start3A, %dma_start3A_34, %dma_start3A_35] : memref<3x100x128xf32, #tpu.memory_space<vmem>> -> memref<1x64x128xf32, #tpu.memory_space<vmem>>
      %dma_start3A_37 = tpu.memref_squeeze %dma_start3A_36 : memref<1x64x128xf32, #tpu.memory_space<vmem>> -> memref<64x128xf32, #tpu.memory_space<vmem>>
      tpu.enqueue_dma source(%dma_start3A_37 : memref<64x128xf32, #tpu.memory_space<vmem>>) target(%dma_start3A_33 : memref<64x128xf32, #tpu.memory_space<vmem_shared>>) target_semaphore(%arg13 : memref<!tpu.dma_semaphore, #tpu.memory_space<semaphore_mem>>)
      %add3A_38 = arith.addi %mul3A_0, %add3A_24 : i32
      %add3A_39 = arith.constant 64 : i32
      %add3A_40 = arith.addi %add3A_38, %add3A_39 : i32
      %dma_start3A_41 = arith.constant 0 : i32
      %dma_start3A_42 = arith.constant 0 : i32
      %dma_start3A_43 = arith.constant 0 : i32
      %dma_start3A_44 = tpu.memref_slice %arg6[%dma_start3A_41, %dma_start3A_42, %dma_start3A_43] : memref<3x100x128xf32, #tpu.memory_space<vmem>> -> memref<1x64x128xf32, #tpu.memory_space<vmem>>
      %dma_start3A_45 = tpu.memref_squeeze %dma_start3A_44 : memref<1x64x128xf32, #tpu.memory_space<vmem>> -> memref<64x128xf32, #tpu.memory_space<vmem>>
      %dma_start3A_46 = arith.constant 0 : i32
      %dma_start3A_47 = tpu.memref_slice %arg7[%add3A_40, %dma_start3A_46] : memref<10240x128xf32, #tpu.memory_space<vmem_shared>> -> memref<64x128xf32, #tpu.memory_space<vmem_shared>>
      %dma_start3A_48 = arith.constant 0 : i32
      %dma_start3A_49 = tpu.memref_slice %arg7[%add3A_40, %dma_start3A_48] : memref<10240x128xf32, #tpu.memory_space<vmem_shared>> -> memref<64x128xf32, #tpu.memory_space<vmem_shared>>
      %dma_start3A_50 = arith.constant 0 : i32
      %dma_start3A_51 = arith.constant 0 : i32
      %dma_start3A_52 = tpu.memref_slice %arg6[%dma_start3A_41, %dma_start3A_50, %dma_start3A_51] : memref<3x100x128xf32, #tpu.memory_space<vmem>> -> memref<1x64x128xf32, #tpu.memory_space<vmem>>
      %dma_start3A_53 = tpu.memref_squeeze %dma_start3A_52 : memref<1x64x128xf32, #tpu.memory_space<vmem>> -> memref<64x128xf32, #tpu.memory_space<vmem>>
      tpu.enqueue_dma source(%dma_start3A_53 : memref<64x128xf32, #tpu.memory_space<vmem>>) target(%dma_start3A_49 : memref<64x128xf32, #tpu.memory_space<vmem_shared>>) target_semaphore(%arg13 : memref<!tpu.dma_semaphore, #tpu.memory_space<semaphore_mem>>)
    }
    %scan3A_9 = arith.constant 5 : i32
    %scan3A_10 = arith.constant 0 : i32
    %scan3A_11 = arith.constant 10 : i32
    %scan3A_12 = arith.addi %scan3A_10, %scan3A_11 : i32
    %scan3A_13 = arith.constant 1 : i32
    scf.for %scan3A_21 = %scan3A_10 to %scan3A_12 step %scan3A_13  : i32 {
      %mul3A_22 = arith.constant 64 : i32
      %mul3A_23 = arith.muli %scan3A_21, %mul3A_22 : i32
      %add3A = arith.constant 0 : i32
      %add3A_24 = arith.addi %add3A, %mul3A_23 : i32
      %dma_wait3A = arith.constant 0 : i32
      %dma_wait3A_25 = tpu.memref_slice %arg7[%mul3A_0, %dma_wait3A] : memref<10240x128xf32, #tpu.memory_space<vmem_shared>> -> memref<64x128xf32, #tpu.memory_space<vmem_shared>>
      %dma_wait3A_26 = arith.constant 0 : i32
      %dma_wait3A_27 = arith.constant 0 : i32
      %dma_wait3A_28 = tpu.memref_slice %arg2[%dma_wait3A_26, %dma_wait3A_27] : memref<10000x128xf32, #tpu.memory_space<hbm>> -> memref<64x128xf32, #tpu.memory_space<hbm>>
      tpu.wait_dma2 semaphore(%arg13 : memref<!tpu.dma_semaphore, #tpu.memory_space<semaphore_mem>>) src(%dma_wait3A_28 : memref<64x128xf32, #tpu.memory_space<hbm>>) dst(%dma_wait3A_25 : memref<64x128xf32, #tpu.memory_space<vmem_shared>>)
    }
    %scan3A_14 = arith.constant 10 : i32
    %barrier3A = arith.constant 0 : index
    tpu.barrier barrier_id(%barrier3A)
    %scan3A_15 = arith.constant 0 : i32
    %scan3A_16 = arith.constant 10 : i32
    %scan3A_17 = arith.addi %scan3A_15, %scan3A_16 : i32
    %scan3A_18 = arith.constant 1 : i32
    scf.for %scan3A_21 = %scan3A_15 to %scan3A_17 step %scan3A_18  : i32 {
      %mul3A_22 = arith.constant 2 : i32
      %mul3A_23 = arith.muli %scan3A_21, %mul3A_22 : i32
      %add3A = arith.constant 0 : i32
      %add3A_24 = arith.addi %add3A, %mul3A_23 : i32
      %dma_start3A = arith.constant 0 : i32
      %dma_start3A_25 = arith.constant 0 : i32
      %dma_start3A_26 = arith.constant 0 : i32
      %dma_start3A_27 = arith.constant 0 : i32
      %dma_start3A_28 = tpu.memref_slice %arg5[%dma_start3A, %dma_start3A_25, %dma_start3A_26, %dma_start3A_27] : memref<2x2x5x100xi32, #tpu.memory_space<vmem>> -> memref<1x2x5x100xi32, #tpu.memory_space<vmem>>
      %dma_start3A_29 = tpu.memref_squeeze %dma_start3A_28 : memref<1x2x5x100xi32, #tpu.memory_space<vmem>> -> memref<2x5x100xi32, #tpu.memory_space<vmem>>
      %dma_start3A_30 = arith.constant 0 : i32
      %dma_start3A_31 = arith.constant 0 : i32
      %dma_start3A_32 = arith.constant 0 : i32
      %dma_start3A_33 = tpu.memref_slice %arg3[%arg0, %arg1, %add3A_24, %dma_start3A_30, %dma_start3A_31, %dma_start3A_32] : memref<2x16x20x2x5x100xi32, #tpu.memory_space<hbm>> -> memref<1x1x1x2x5x100xi32, #tpu.memory_space<hbm>>
      %dma_start3A_34 = tpu.memref_squeeze %dma_start3A_33 : memref<1x1x1x2x5x100xi32, #tpu.memory_space<hbm>> -> memref<2x5x100xi32, #tpu.memory_space<hbm>>
      %dma_start3A_35 = arith.constant 0 : i32
      %dma_start3A_36 = arith.constant 0 : i32
      %dma_start3A_37 = arith.constant 0 : i32
      %dma_start3A_38 = tpu.memref_slice %arg5[%dma_start3A, %dma_start3A_35, %dma_start3A_36, %dma_start3A_37] : memref<2x2x5x100xi32, #tpu.memory_space<vmem>> -> memref<1x2x5x100xi32, #tpu.memory_space<vmem>>
      %dma_start3A_39 = tpu.memref_squeeze %dma_start3A_38 : memref<1x2x5x100xi32, #tpu.memory_space<vmem>> -> memref<2x5x100xi32, #tpu.memory_space<vmem>>
      %dma_start3A_40 = arith.constant 0 : i32
      %dma_start3A_41 = arith.constant 0 : i32
      %dma_start3A_42 = arith.constant 0 : i32
      %dma_start3A_43 = tpu.memref_slice %arg3[%arg0, %arg1, %add3A_24, %dma_start3A_40, %dma_start3A_41, %dma_start3A_42] : memref<2x16x20x2x5x100xi32, #tpu.memory_space<hbm>> -> memref<1x1x1x2x5x100xi32, #tpu.memory_space<hbm>>
      %dma_start3A_44 = tpu.memref_squeeze %dma_start3A_43 : memref<1x1x1x2x5x100xi32, #tpu.memory_space<hbm>> -> memref<2x5x100xi32, #tpu.memory_space<hbm>>
      tpu.enqueue_dma source(%dma_start3A_44 : memref<2x5x100xi32, #tpu.memory_space<hbm>>) target(%dma_start3A_39 : memref<2x5x100xi32, #tpu.memory_space<vmem>>) target_semaphore(%arg14 : memref<!tpu.dma_semaphore, #tpu.memory_space<semaphore_mem>>)
      %add3A_45 = arith.constant 1 : i32
      %add3A_46 = arith.addi %add3A_24, %add3A_45 : i32
      %dma_start3A_47 = arith.constant 1 : i32
      %dma_start3A_48 = arith.constant 0 : i32
      %dma_start3A_49 = arith.constant 0 : i32
      %dma_start3A_50 = arith.constant 0 : i32
      %dma_start3A_51 = tpu.memref_slice %arg5[%dma_start3A_47, %dma_start3A_48, %dma_start3A_49, %dma_start3A_50] : memref<2x2x5x100xi32, #tpu.memory_space<vmem>> -> memref<1x2x5x100xi32, #tpu.memory_space<vmem>>
      %dma_start3A_52 = tpu.memref_squeeze %dma_start3A_51 : memref<1x2x5x100xi32, #tpu.memory_space<vmem>> -> memref<2x5x100xi32, #tpu.memory_space<vmem>>
      %dma_start3A_53 = arith.constant 0 : i32
      %dma_start3A_54 = arith.constant 0 : i32
      %dma_start3A_55 = arith.constant 0 : i32
      %dma_start3A_56 = tpu.memref_slice %arg3[%arg0, %arg1, %add3A_46, %dma_start3A_53, %dma_start3A_54, %dma_start3A_55] : memref<2x16x20x2x5x100xi32, #tpu.memory_space<hbm>> -> memref<1x1x1x2x5x100xi32, #tpu.memory_space<hbm>>
      %dma_start3A_57 = tpu.memref_squeeze %dma_start3A_56 : memref<1x1x1x2x5x100xi32, #tpu.memory_space<hbm>> -> memref<2x5x100xi32, #tpu.memory_space<hbm>>
      %dma_start3A_58 = arith.constant 0 : i32
      %dma_start3A_59 = arith.constant 0 : i32
      %dma_start3A_60 = arith.constant 0 : i32
      %dma_start3A_61 = tpu.memref_slice %arg5[%dma_start3A_47, %dma_start3A_58, %dma_start3A_59, %dma_start3A_60] : memref<2x2x5x100xi32, #tpu.memory_space<vmem>> -> memref<1x2x5x100xi32, #tpu.memory_space<vmem>>
      %dma_start3A_62 = tpu.memref_squeeze %dma_start3A_61 : memref<1x2x5x100xi32, #tpu.memory_space<vmem>> -> memref<2x5x100xi32, #tpu.memory_space<vmem>>
      %dma_start3A_63 = arith.constant 0 : i32
      %dma_start3A_64 = arith.constant 0 : i32
      %dma_start3A_65 = arith.constant 0 : i32
      %dma_start3A_66 = tpu.memref_slice %arg3[%arg0, %arg1, %add3A_46, %dma_start3A_63, %dma_start3A_64, %dma_start3A_65] : memref<2x16x20x2x5x100xi32, #tpu.memory_space<hbm>> -> memref<1x1x1x2x5x100xi32, #tpu.memory_space<hbm>>
      %dma_start3A_67 = tpu.memref_squeeze %dma_start3A_66 : memref<1x1x1x2x5x100xi32, #tpu.memory_space<hbm>> -> memref<2x5x100xi32, #tpu.memory_space<hbm>>
      tpu.enqueue_dma source(%dma_start3A_67 : memref<2x5x100xi32, #tpu.memory_space<hbm>>) target(%dma_start3A_62 : memref<2x5x100xi32, #tpu.memory_space<vmem>>) target_semaphore(%arg15 : memref<!tpu.dma_semaphore, #tpu.memory_space<semaphore_mem>>)
      %dma_wait3A = arith.constant 0 : i32
      %dma_wait3A_68 = arith.constant 0 : i32
      %dma_wait3A_69 = arith.constant 0 : i32
      %dma_wait3A_70 = arith.constant 0 : i32
      %dma_wait3A_71 = tpu.memref_slice %arg5[%dma_wait3A, %dma_wait3A_68, %dma_wait3A_69, %dma_wait3A_70] : memref<2x2x5x100xi32, #tpu.memory_space<vmem>> -> memref<1x2x5x100xi32, #tpu.memory_space<vmem>>
      %dma_wait3A_72 = tpu.memref_squeeze %dma_wait3A_71 : memref<1x2x5x100xi32, #tpu.memory_space<vmem>> -> memref<2x5x100xi32, #tpu.memory_space<vmem>>
      %dma_wait3A_73 = arith.constant 0 : i32
      %dma_wait3A_74 = arith.constant 0 : i32
      %dma_wait3A_75 = arith.constant 0 : i32
      %dma_wait3A_76 = tpu.memref_slice %arg3[%arg0, %arg1, %add3A_24, %dma_wait3A_73, %dma_wait3A_74, %dma_wait3A_75] : memref<2x16x20x2x5x100xi32, #tpu.memory_space<hbm>> -> memref<1x1x1x2x5x100xi32, #tpu.memory_space<hbm>>
      %dma_wait3A_77 = tpu.memref_squeeze %dma_wait3A_76 : memref<1x1x1x2x5x100xi32, #tpu.memory_space<hbm>> -> memref<2x5x100xi32, #tpu.memory_space<hbm>>
      %dma_wait3A_78 = arith.constant 0 : i32
      %dma_wait3A_79 = arith.constant 0 : i32
      %dma_wait3A_80 = arith.constant 0 : i32
      %dma_wait3A_81 = tpu.memref_slice %arg5[%dma_wait3A, %dma_wait3A_78, %dma_wait3A_79, %dma_wait3A_80] : memref<2x2x5x100xi32, #tpu.memory_space<vmem>> -> memref<1x2x5x100xi32, #tpu.memory_space<vmem>>
      %dma_wait3A_82 = tpu.memref_squeeze %dma_wait3A_81 : memref<1x2x5x100xi32, #tpu.memory_space<vmem>> -> memref<2x5x100xi32, #tpu.memory_space<vmem>>
      %dma_wait3A_83 = arith.constant 0 : i32
      %dma_wait3A_84 = arith.constant 0 : i32
      %dma_wait3A_85 = arith.constant 0 : i32
      %dma_wait3A_86 = tpu.memref_slice %arg3[%arg0, %arg1, %add3A_24, %dma_wait3A_83, %dma_wait3A_84, %dma_wait3A_85] : memref<2x16x20x2x5x100xi32, #tpu.memory_space<hbm>> -> memref<1x1x1x2x5x100xi32, #tpu.memory_space<hbm>>
      %dma_wait3A_87 = tpu.memref_squeeze %dma_wait3A_86 : memref<1x1x1x2x5x100xi32, #tpu.memory_space<hbm>> -> memref<2x5x100xi32, #tpu.memory_space<hbm>>
      tpu.wait_dma2 semaphore(%arg14 : memref<!tpu.dma_semaphore, #tpu.memory_space<semaphore_mem>>) src(%dma_wait3A_87 : memref<2x5x100xi32, #tpu.memory_space<hbm>>) dst(%dma_wait3A_82 : memref<2x5x100xi32, #tpu.memory_space<vmem>>)
      %dma_start3A_88 = arith.constant 0 : i32
      %dma_start3A_89 = arith.constant 0 : i32
      %dma_start3A_90 = arith.constant 0 : i32
      %dma_start3A_91 = arith.constant 0 : i32
      %dma_start3A_92 = arith.constant 0 : i32
      %dma_start3A_93 = arith.constant 0 : i32
      %dma_start3A_94 = tpu.memref_slice %arg6[%dma_start3A_91, %dma_start3A_92, %dma_start3A_93] : memref<3x100x128xf32, #tpu.memory_space<vmem>> -> memref<1x100x128xf32, #tpu.memory_space<vmem>>
      %dma_start3A_95 = tpu.memref_squeeze %dma_start3A_94 : memref<1x100x128xf32, #tpu.memory_space<vmem>> -> memref<100x128xf32, #tpu.memory_space<vmem>>
      %dma_start3A_96 = arith.constant 0 : i32
      %dma_start3A_97 = tpu.memref_slice %arg5[%dma_start3A_88, %dma_start3A_89, %dma_start3A_90, %dma_start3A_96] : memref<2x2x5x100xi32, #tpu.memory_space<vmem>> -> memref<1x1x1x100xi32, #tpu.memory_space<vmem>>
      %dma_start3A_98 = tpu.memref_squeeze %dma_start3A_97 : memref<1x1x1x100xi32, #tpu.memory_space<vmem>> -> memref<100xi32, #tpu.memory_space<vmem>>
      %dma_start3A_99 = arith.constant 0 : i32
      %dma_start3A_100 = arith.constant 0 : i32
      %dma_start3A_101 = tpu.memref_slice %arg2[%dma_start3A_99, %dma_start3A_100] : memref<10000x128xf32, #tpu.memory_space<hbm>> -> memref<10000x128xf32, #tpu.memory_space<hbm>>
      tpu.enqueue_indirect_dma source(%dma_start3A_101 : memref<10000x128xf32, #tpu.memory_space<hbm>>) target(%dma_start3A_95 : memref<100x128xf32, #tpu.memory_space<vmem>>) offsets(%dma_start3A_98 : memref<100xi32, #tpu.memory_space<vmem>>) semaphore(%arg8 : memref<!tpu.dma_semaphore, #tpu.memory_space<semaphore_mem>>)
      %dma_start3A_102 = arith.constant 0 : i32
      %dma_start3A_103 = arith.constant 0 : i32
      %dma_start3A_104 = arith.constant 1 : i32
      %dma_start3A_105 = arith.constant 1 : i32
      %dma_start3A_106 = arith.constant 0 : i32
      %dma_start3A_107 = arith.constant 0 : i32
      %dma_start3A_108 = tpu.memref_slice %arg6[%dma_start3A_105, %dma_start3A_106, %dma_start3A_107] : memref<3x100x128xf32, #tpu.memory_space<vmem>> -> memref<1x100x128xf32, #tpu.memory_space<vmem>>
      %dma_start3A_109 = tpu.memref_squeeze %dma_start3A_108 : memref<1x100x128xf32, #tpu.memory_space<vmem>> -> memref<100x128xf32, #tpu.memory_space<vmem>>
      %dma_start3A_110 = arith.constant 0 : i32
      %dma_start3A_111 = tpu.memref_slice %arg5[%dma_start3A_102, %dma_start3A_103, %dma_start3A_104, %dma_start3A_110] : memref<2x2x5x100xi32, #tpu.memory_space<vmem>> -> memref<1x1x1x100xi32, #tpu.memory_space<vmem>>
      %dma_start3A_112 = tpu.memref_squeeze %dma_start3A_111 : memref<1x1x1x100xi32, #tpu.memory_space<vmem>> -> memref<100xi32, #tpu.memory_space<vmem>>
      %dma_start3A_113 = arith.constant 0 : i32
      %dma_start3A_114 = arith.constant 0 : i32
      %dma_start3A_115 = tpu.memref_slice %arg2[%dma_start3A_113, %dma_start3A_114] : memref<10000x128xf32, #tpu.memory_space<hbm>> -> memref<10000x128xf32, #tpu.memory_space<hbm>>
      tpu.enqueue_indirect_dma source(%dma_start3A_115 : memref<10000x128xf32, #tpu.memory_space<hbm>>) target(%dma_start3A_109 : memref<100x128xf32, #tpu.memory_space<vmem>>) offsets(%dma_start3A_112 : memref<100xi32, #tpu.memory_space<vmem>>) semaphore(%arg9 : memref<!tpu.dma_semaphore, #tpu.memory_space<semaphore_mem>>)
      %dma_wait3A_116 = arith.constant 0 : i32
      %dma_wait3A_117 = arith.constant 0 : i32
      %dma_wait3A_118 = arith.constant 0 : i32
      %dma_wait3A_119 = arith.constant 0 : i32
      %dma_wait3A_120 = arith.constant 0 : i32
      %dma_wait3A_121 = arith.constant 0 : i32
      %dma_wait3A_122 = tpu.memref_slice %arg6[%dma_wait3A_119, %dma_wait3A_120, %dma_wait3A_121] : memref<3x100x128xf32, #tpu.memory_space<vmem>> -> memref<1x100x128xf32, #tpu.memory_space<vmem>>
      %dma_wait3A_123 = tpu.memref_squeeze %dma_wait3A_122 : memref<1x100x128xf32, #tpu.memory_space<vmem>> -> memref<100x128xf32, #tpu.memory_space<vmem>>
      %dma_wait3A_124 = arith.constant 0 : i32
      %dma_wait3A_125 = tpu.memref_slice %arg5[%dma_wait3A_116, %dma_wait3A_117, %dma_wait3A_118, %dma_wait3A_124] : memref<2x2x5x100xi32, #tpu.memory_space<vmem>> -> memref<1x1x1x100xi32, #tpu.memory_space<vmem>>
      %dma_wait3A_126 = tpu.memref_squeeze %dma_wait3A_125 : memref<1x1x1x100xi32, #tpu.memory_space<vmem>> -> memref<100xi32, #tpu.memory_space<vmem>>
      %dma_wait3A_127 = arith.constant 0 : i32
      %dma_wait3A_128 = arith.constant 0 : i32
      %dma_wait3A_129 = tpu.memref_slice %arg2[%dma_wait3A_127, %dma_wait3A_128] : memref<10000x128xf32, #tpu.memory_space<hbm>> -> memref<10000x128xf32, #tpu.memory_space<hbm>>
      tpu.wait_indirect_dma semaphore(%arg8 : memref<!tpu.dma_semaphore, #tpu.memory_space<semaphore_mem>>) src(%dma_wait3A_129 : memref<10000x128xf32, #tpu.memory_space<hbm>>) dst(%dma_wait3A_123 : memref<100x128xf32, #tpu.memory_space<vmem>>)
      %dma_start3A_130 = arith.constant 0 : i32
      %dma_start3A_131 = arith.constant 0 : i32
      %dma_start3A_132 = arith.constant 1 : i32
      %dma_start3A_133 = arith.constant 0 : i32
      %dma_start3A_134 = arith.constant 0 : i32
      %dma_start3A_135 = arith.constant 0 : i32
      %dma_start3A_136 = tpu.memref_slice %arg6[%dma_start3A_130, %dma_start3A_134, %dma_start3A_135] : memref<3x100x128xf32, #tpu.memory_space<vmem>> -> memref<1x100x128xf32, #tpu.memory_space<vmem>>
      %dma_start3A_137 = tpu.memref_squeeze %dma_start3A_136 : memref<1x100x128xf32, #tpu.memory_space<vmem>> -> memref<100x128xf32, #tpu.memory_space<vmem>>
      %dma_start3A_138 = arith.constant 0 : i32
      %dma_start3A_139 = tpu.memref_slice %arg5[%dma_start3A_131, %dma_start3A_132, %dma_start3A_133, %dma_start3A_138] : memref<2x2x5x100xi32, #tpu.memory_space<vmem>> -> memref<1x1x1x100xi32, #tpu.memory_space<vmem>>
      %dma_start3A_140 = tpu.memref_squeeze %dma_start3A_139 : memref<1x1x1x100xi32, #tpu.memory_space<vmem>> -> memref<100xi32, #tpu.memory_space<vmem>>
      %dma_start3A_141 = arith.constant 0 : i32
      %dma_start3A_142 = arith.constant 0 : i32
      %dma_start3A_143 = tpu.memref_slice %arg7[%dma_start3A_141, %dma_start3A_142] : memref<10240x128xf32, #tpu.memory_space<vmem_shared>> -> memref<10240x128xf32, #tpu.memory_space<vmem_shared>>
      tpu.enqueue_indirect_dma source(%dma_start3A_137 : memref<100x128xf32, #tpu.memory_space<vmem>>) target(%dma_start3A_143 : memref<10240x128xf32, #tpu.memory_space<vmem_shared>>) offsets(%dma_start3A_140 : memref<100xi32, #tpu.memory_space<vmem>>) semaphore(%arg11 : memref<!tpu.dma_semaphore, #tpu.memory_space<semaphore_mem>>) {add = true}
      %dma_start3A_144 = arith.constant 0 : i32
      %dma_start3A_145 = arith.constant 0 : i32
      %dma_start3A_146 = arith.constant 1 : i32
      %dma_start3A_147 = arith.constant 1 : i32
      %dma_start3A_148 = arith.constant 0 : i32
      %dma_start3A_149 = arith.constant 0 : i32
      %dma_start3A_150 = tpu.memref_slice %arg6[%dma_start3A_147, %dma_start3A_148, %dma_start3A_149] : memref<3x100x128xf32, #tpu.memory_space<vmem>> -> memref<1x100x128xf32, #tpu.memory_space<vmem>>
      %dma_start3A_151 = tpu.memref_squeeze %dma_start3A_150 : memref<1x100x128xf32, #tpu.memory_space<vmem>> -> memref<100x128xf32, #tpu.memory_space<vmem>>
      %dma_start3A_152 = arith.constant 0 : i32
      %dma_start3A_153 = tpu.memref_slice %arg5[%dma_start3A_144, %dma_start3A_145, %dma_start3A_146, %dma_start3A_152] : memref<2x2x5x100xi32, #tpu.memory_space<vmem>> -> memref<1x1x1x100xi32, #tpu.memory_space<vmem>>
      %dma_start3A_154 = tpu.memref_squeeze %dma_start3A_153 : memref<1x1x1x100xi32, #tpu.memory_space<vmem>> -> memref<100xi32, #tpu.memory_space<vmem>>
      %dma_start3A_155 = arith.constant 0 : i32
      %dma_start3A_156 = arith.constant 0 : i32
      %dma_start3A_157 = tpu.memref_slice %arg2[%dma_start3A_155, %dma_start3A_156] : memref<10000x128xf32, #tpu.memory_space<hbm>> -> memref<10000x128xf32, #tpu.memory_space<hbm>>
      tpu.enqueue_indirect_dma source(%dma_start3A_157 : memref<10000x128xf32, #tpu.memory_space<hbm>>) target(%dma_start3A_151 : memref<100x128xf32, #tpu.memory_space<vmem>>) offsets(%dma_start3A_154 : memref<100xi32, #tpu.memory_space<vmem>>) semaphore(%arg9 : memref<!tpu.dma_semaphore, #tpu.memory_space<semaphore_mem>>)
      %dma_wait3A_158 = arith.constant 0 : i32
      %dma_wait3A_159 = arith.constant 0 : i32
      %dma_wait3A_160 = arith.constant 1 : i32
      %dma_wait3A_161 = arith.constant 1 : i32
      %dma_wait3A_162 = arith.constant 0 : i32
      %dma_wait3A_163 = arith.constant 0 : i32
      %dma_wait3A_164 = tpu.memref_slice %arg6[%dma_wait3A_161, %dma_wait3A_162, %dma_wait3A_163] : memref<3x100x128xf32, #tpu.memory_space<vmem>> -> memref<1x100x128xf32, #tpu.memory_space<vmem>>
      %dma_wait3A_165 = tpu.memref_squeeze %dma_wait3A_164 : memref<1x100x128xf32, #tpu.memory_space<vmem>> -> memref<100x128xf32, #tpu.memory_space<vmem>>
      %dma_wait3A_166 = arith.constant 0 : i32
      %dma_wait3A_167 = tpu.memref_slice %arg5[%dma_wait3A_158, %dma_wait3A_159, %dma_wait3A_160, %dma_wait3A_166] : memref<2x2x5x100xi32, #tpu.memory_space<vmem>> -> memref<1x1x1x100xi32, #tpu.memory_space<vmem>>
      %dma_wait3A_168 = tpu.memref_squeeze %dma_wait3A_167 : memref<1x1x1x100xi32, #tpu.memory_space<vmem>> -> memref<100xi32, #tpu.memory_space<vmem>>
      %dma_wait3A_169 = arith.constant 0 : i32
      %dma_wait3A_170 = arith.constant 0 : i32
      %dma_wait3A_171 = tpu.memref_slice %arg2[%dma_wait3A_169, %dma_wait3A_170] : memref<10000x128xf32, #tpu.memory_space<hbm>> -> memref<10000x128xf32, #tpu.memory_space<hbm>>
      tpu.wait_indirect_dma semaphore(%arg9 : memref<!tpu.dma_semaphore, #tpu.memory_space<semaphore_mem>>) src(%dma_wait3A_171 : memref<10000x128xf32, #tpu.memory_space<hbm>>) dst(%dma_wait3A_165 : memref<100x128xf32, #tpu.memory_space<vmem>>)
      %dma_start3A_172 = arith.constant 1 : i32
      %dma_start3A_173 = arith.constant 0 : i32
      %dma_start3A_174 = arith.constant 1 : i32
      %dma_start3A_175 = arith.constant 1 : i32
      %dma_start3A_176 = arith.constant 0 : i32
      %dma_start3A_177 = arith.constant 0 : i32
      %dma_start3A_178 = tpu.memref_slice %arg6[%dma_start3A_172, %dma_start3A_176, %dma_start3A_177] : memref<3x100x128xf32, #tpu.memory_space<vmem>> -> memref<1x100x128xf32, #tpu.memory_space<vmem>>
      %dma_start3A_179 = tpu.memref_squeeze %dma_start3A_178 : memref<1x100x128xf32, #tpu.memory_space<vmem>> -> memref<100x128xf32, #tpu.memory_space<vmem>>
      %dma_start3A_180 = arith.constant 0 : i32
      %dma_start3A_181 = tpu.memref_slice %arg5[%dma_start3A_173, %dma_start3A_174, %dma_start3A_175, %dma_start3A_180] : memref<2x2x5x100xi32, #tpu.memory_space<vmem>> -> memref<1x1x1x100xi32, #tpu.memory_space<vmem>>
      %dma_start3A_182 = tpu.memref_squeeze %dma_start3A_181 : memref<1x1x1x100xi32, #tpu.memory_space<vmem>> -> memref<100xi32, #tpu.memory_space<vmem>>
      %dma_start3A_183 = arith.constant 0 : i32
      %dma_start3A_184 = arith.constant 0 : i32
      %dma_start3A_185 = tpu.memref_slice %arg7[%dma_start3A_183, %dma_start3A_184] : memref<10240x128xf32, #tpu.memory_space<vmem_shared>> -> memref<10240x128xf32, #tpu.memory_space<vmem_shared>>
      tpu.enqueue_indirect_dma source(%dma_start3A_179 : memref<100x128xf32, #tpu.memory_space<vmem>>) target(%dma_start3A_185 : memref<10240x128xf32, #tpu.memory_space<vmem_shared>>) offsets(%dma_start3A_182 : memref<100xi32, #tpu.memory_space<vmem>>) semaphore(%arg12 : memref<!tpu.dma_semaphore, #tpu.memory_space<semaphore_mem>>) {add = true}
      %dma_start3A_186 = arith.constant 0 : i32
      %dma_start3A_187 = arith.constant 0 : i32
      %dma_start3A_188 = arith.constant 2 : i32
      %dma_start3A_189 = arith.constant 2 : i32
      %dma_start3A_190 = arith.constant 0 : i32
      %dma_start3A_191 = arith.constant 0 : i32
      %dma_start3A_192 = tpu.memref_slice %arg6[%dma_start3A_189, %dma_start3A_190, %dma_start3A_191] : memref<3x100x128xf32, #tpu.memory_space<vmem>> -> memref<1x100x128xf32, #tpu.memory_space<vmem>>
      %dma_start3A_193 = tpu.memref_squeeze %dma_start3A_192 : memref<1x100x128xf32, #tpu.memory_space<vmem>> -> memref<100x128xf32, #tpu.memory_space<vmem>>
      %dma_start3A_194 = arith.constant 0 : i32
      %dma_start3A_195 = tpu.memref_slice %arg5[%dma_start3A_186, %dma_start3A_187, %dma_start3A_188, %dma_start3A_194] : memref<2x2x5x100xi32, #tpu.memory_space<vmem>> -> memref<1x1x1x100xi32, #tpu.memory_space<vmem>>
      %dma_start3A_196 = tpu.memref_squeeze %dma_start3A_195 : memref<1x1x1x100xi32, #tpu.memory_space<vmem>> -> memref<100xi32, #tpu.memory_space<vmem>>
      %dma_start3A_197 = arith.constant 0 : i32
      %dma_start3A_198 = arith.constant 0 : i32
      %dma_start3A_199 = tpu.memref_slice %arg2[%dma_start3A_197, %dma_start3A_198] : memref<10000x128xf32, #tpu.memory_space<hbm>> -> memref<10000x128xf32, #tpu.memory_space<hbm>>
      tpu.enqueue_indirect_dma source(%dma_start3A_199 : memref<10000x128xf32, #tpu.memory_space<hbm>>) target(%dma_start3A_193 : memref<100x128xf32, #tpu.memory_space<vmem>>) offsets(%dma_start3A_196 : memref<100xi32, #tpu.memory_space<vmem>>) semaphore(%arg10 : memref<!tpu.dma_semaphore, #tpu.memory_space<semaphore_mem>>)
      %dma_wait3A_200 = arith.constant 0 : i32
      %dma_wait3A_201 = arith.constant 0 : i32
      %dma_wait3A_202 = arith.constant 2 : i32
      %dma_wait3A_203 = arith.constant 2 : i32
      %dma_wait3A_204 = arith.constant 0 : i32
      %dma_wait3A_205 = arith.constant 0 : i32
      %dma_wait3A_206 = tpu.memref_slice %arg6[%dma_wait3A_203, %dma_wait3A_204, %dma_wait3A_205] : memref<3x100x128xf32, #tpu.memory_space<vmem>> -> memref<1x100x128xf32, #tpu.memory_space<vmem>>
      %dma_wait3A_207 = tpu.memref_squeeze %dma_wait3A_206 : memref<1x100x128xf32, #tpu.memory_space<vmem>> -> memref<100x128xf32, #tpu.memory_space<vmem>>
      %dma_wait3A_208 = arith.constant 0 : i32
      %dma_wait3A_209 = tpu.memref_slice %arg5[%dma_wait3A_200, %dma_wait3A_201, %dma_wait3A_202, %dma_wait3A_208] : memref<2x2x5x100xi32, #tpu.memory_space<vmem>> -> memref<1x1x1x100xi32, #tpu.memory_space<vmem>>
      %dma_wait3A_210 = tpu.memref_squeeze %dma_wait3A_209 : memref<1x1x1x100xi32, #tpu.memory_space<vmem>> -> memref<100xi32, #tpu.memory_space<vmem>>
      %dma_wait3A_211 = arith.constant 0 : i32
      %dma_wait3A_212 = arith.constant 0 : i32
      %dma_wait3A_213 = tpu.memref_slice %arg2[%dma_wait3A_211, %dma_wait3A_212] : memref<10000x128xf32, #tpu.memory_space<hbm>> -> memref<10000x128xf32, #tpu.memory_space<hbm>>
      tpu.wait_indirect_dma semaphore(%arg10 : memref<!tpu.dma_semaphore, #tpu.memory_space<semaphore_mem>>) src(%dma_wait3A_213 : memref<10000x128xf32, #tpu.memory_space<hbm>>) dst(%dma_wait3A_207 : memref<100x128xf32, #tpu.memory_space<vmem>>)
      %dma_start3A_214 = arith.constant 2 : i32
      %dma_start3A_215 = arith.constant 0 : i32
      %dma_start3A_216 = arith.constant 1 : i32
      %dma_start3A_217 = arith.constant 2 : i32
      %dma_start3A_218 = arith.constant 0 : i32
      %dma_start3A_219 = arith.constant 0 : i32
      %dma_start3A_220 = tpu.memref_slice %arg6[%dma_start3A_214, %dma_start3A_218, %dma_start3A_219] : memref<3x100x128xf32, #tpu.memory_space<vmem>> -> memref<1x100x128xf32, #tpu.memory_space<vmem>>
      %dma_start3A_221 = tpu.memref_squeeze %dma_start3A_220 : memref<1x100x128xf32, #tpu.memory_space<vmem>> -> memref<100x128xf32, #tpu.memory_space<vmem>>
      %dma_start3A_222 = arith.constant 0 : i32
      %dma_start3A_223 = tpu.memref_slice %arg5[%dma_start3A_215, %dma_start3A_216, %dma_start3A_217, %dma_start3A_222] : memref<2x2x5x100xi32, #tpu.memory_space<vmem>> -> memref<1x1x1x100xi32, #tpu.memory_space<vmem>>
      %dma_start3A_224 = tpu.memref_squeeze %dma_start3A_223 : memref<1x1x1x100xi32, #tpu.memory_space<vmem>> -> memref<100xi32, #tpu.memory_space<vmem>>
      %dma_start3A_225 = arith.constant 0 : i32
      %dma_start3A_226 = arith.constant 0 : i32
      %dma_start3A_227 = tpu.memref_slice %arg7[%dma_start3A_225, %dma_start3A_226] : memref<10240x128xf32, #tpu.memory_space<vmem_shared>> -> memref<10240x128xf32, #tpu.memory_space<vmem_shared>>
      tpu.enqueue_indirect_dma source(%dma_start3A_221 : memref<100x128xf32, #tpu.memory_space<vmem>>) target(%dma_start3A_227 : memref<10240x128xf32, #tpu.memory_space<vmem_shared>>) offsets(%dma_start3A_224 : memref<100xi32, #tpu.memory_space<vmem>>) semaphore(%arg13 : memref<!tpu.dma_semaphore, #tpu.memory_space<semaphore_mem>>) {add = true}
      %dma_wait3A_228 = arith.constant 0 : i32
      %dma_wait3A_229 = arith.constant 0 : i32
      %dma_wait3A_230 = arith.constant 1 : i32
      %dma_wait3A_231 = arith.constant 0 : i32
      %dma_wait3A_232 = arith.constant 0 : i32
      %dma_wait3A_233 = arith.constant 0 : i32
      %dma_wait3A_234 = tpu.memref_slice %arg6[%dma_wait3A_228, %dma_wait3A_232, %dma_wait3A_233] : memref<3x100x128xf32, #tpu.memory_space<vmem>> -> memref<1x100x128xf32, #tpu.memory_space<vmem>>
      %dma_wait3A_235 = tpu.memref_squeeze %dma_wait3A_234 : memref<1x100x128xf32, #tpu.memory_space<vmem>> -> memref<100x128xf32, #tpu.memory_space<vmem>>
      %dma_wait3A_236 = arith.constant 0 : i32
      %dma_wait3A_237 = tpu.memref_slice %arg5[%dma_wait3A_229, %dma_wait3A_230, %dma_wait3A_231, %dma_wait3A_236] : memref<2x2x5x100xi32, #tpu.memory_space<vmem>> -> memref<1x1x1x100xi32, #tpu.memory_space<vmem>>
      %dma_wait3A_238 = tpu.memref_squeeze %dma_wait3A_237 : memref<1x1x1x100xi32, #tpu.memory_space<vmem>> -> memref<100xi32, #tpu.memory_space<vmem>>
      %dma_wait3A_239 = arith.constant 0 : i32
      %dma_wait3A_240 = arith.constant 0 : i32
      %dma_wait3A_241 = tpu.memref_slice %arg7[%dma_wait3A_239, %dma_wait3A_240] : memref<10240x128xf32, #tpu.memory_space<vmem_shared>> -> memref<10240x128xf32, #tpu.memory_space<vmem_shared>>
      tpu.wait_indirect_dma semaphore(%arg11 : memref<!tpu.dma_semaphore, #tpu.memory_space<semaphore_mem>>) src(%dma_wait3A_235 : memref<100x128xf32, #tpu.memory_space<vmem>>) dst(%dma_wait3A_241 : memref<10240x128xf32, #tpu.memory_space<vmem_shared>>)
      %dma_start3A_242 = arith.constant 0 : i32
      %dma_start3A_243 = arith.constant 0 : i32
      %dma_start3A_244 = arith.constant 3 : i32
      %dma_start3A_245 = arith.constant 0 : i32
      %dma_start3A_246 = arith.constant 0 : i32
      %dma_start3A_247 = arith.constant 0 : i32
      %dma_start3A_248 = tpu.memref_slice %arg6[%dma_start3A_245, %dma_start3A_246, %dma_start3A_247] : memref<3x100x128xf32, #tpu.memory_space<vmem>> -> memref<1x100x128xf32, #tpu.memory_space<vmem>>
      %dma_start3A_249 = tpu.memref_squeeze %dma_start3A_248 : memref<1x100x128xf32, #tpu.memory_space<vmem>> -> memref<100x128xf32, #tpu.memory_space<vmem>>
      %dma_start3A_250 = arith.constant 0 : i32
      %dma_start3A_251 = tpu.memref_slice %arg5[%dma_start3A_242, %dma_start3A_243, %dma_start3A_244, %dma_start3A_250] : memref<2x2x5x100xi32, #tpu.memory_space<vmem>> -> memref<1x1x1x100xi32, #tpu.memory_space<vmem>>
      %dma_start3A_252 = tpu.memref_squeeze %dma_start3A_251 : memref<1x1x1x100xi32, #tpu.memory_space<vmem>> -> memref<100xi32, #tpu.memory_space<vmem>>
      %dma_start3A_253 = arith.constant 0 : i32
      %dma_start3A_254 = arith.constant 0 : i32
      %dma_start3A_255 = tpu.memref_slice %arg2[%dma_start3A_253, %dma_start3A_254] : memref<10000x128xf32, #tpu.memory_space<hbm>> -> memref<10000x128xf32, #tpu.memory_space<hbm>>
      tpu.enqueue_indirect_dma source(%dma_start3A_255 : memref<10000x128xf32, #tpu.memory_space<hbm>>) target(%dma_start3A_249 : memref<100x128xf32, #tpu.memory_space<vmem>>) offsets(%dma_start3A_252 : memref<100xi32, #tpu.memory_space<vmem>>) semaphore(%arg8 : memref<!tpu.dma_semaphore, #tpu.memory_space<semaphore_mem>>)
      %dma_wait3A_256 = arith.constant 0 : i32
      %dma_wait3A_257 = arith.constant 0 : i32
      %dma_wait3A_258 = arith.constant 3 : i32
      %dma_wait3A_259 = arith.constant 0 : i32
      %dma_wait3A_260 = arith.constant 0 : i32
      %dma_wait3A_261 = arith.constant 0 : i32
      %dma_wait3A_262 = tpu.memref_slice %arg6[%dma_wait3A_259, %dma_wait3A_260, %dma_wait3A_261] : memref<3x100x128xf32, #tpu.memory_space<vmem>> -> memref<1x100x128xf32, #tpu.memory_space<vmem>>
      %dma_wait3A_263 = tpu.memref_squeeze %dma_wait3A_262 : memref<1x100x128xf32, #tpu.memory_space<vmem>> -> memref<100x128xf32, #tpu.memory_space<vmem>>
      %dma_wait3A_264 = arith.constant 0 : i32
      %dma_wait3A_265 = tpu.memref_slice %arg5[%dma_wait3A_256, %dma_wait3A_257, %dma_wait3A_258, %dma_wait3A_264] : memref<2x2x5x100xi32, #tpu.memory_space<vmem>> -> memref<1x1x1x100xi32, #tpu.memory_space<vmem>>
      %dma_wait3A_266 = tpu.memref_squeeze %dma_wait3A_265 : memref<1x1x1x100xi32, #tpu.memory_space<vmem>> -> memref<100xi32, #tpu.memory_space<vmem>>
      %dma_wait3A_267 = arith.constant 0 : i32
      %dma_wait3A_268 = arith.constant 0 : i32
      %dma_wait3A_269 = tpu.memref_slice %arg2[%dma_wait3A_267, %dma_wait3A_268] : memref<10000x128xf32, #tpu.memory_space<hbm>> -> memref<10000x128xf32, #tpu.memory_space<hbm>>
      tpu.wait_indirect_dma semaphore(%arg8 : memref<!tpu.dma_semaphore, #tpu.memory_space<semaphore_mem>>) src(%dma_wait3A_269 : memref<10000x128xf32, #tpu.memory_space<hbm>>) dst(%dma_wait3A_263 : memref<100x128xf32, #tpu.memory_space<vmem>>)
      %dma_start3A_270 = arith.constant 0 : i32
      %dma_start3A_271 = arith.constant 0 : i32
      %dma_start3A_272 = arith.constant 1 : i32
      %dma_start3A_273 = arith.constant 3 : i32
      %dma_start3A_274 = arith.constant 0 : i32
      %dma_start3A_275 = arith.constant 0 : i32
      %dma_start3A_276 = tpu.memref_slice %arg6[%dma_start3A_270, %dma_start3A_274, %dma_start3A_275] : memref<3x100x128xf32, #tpu.memory_space<vmem>> -> memref<1x100x128xf32, #tpu.memory_space<vmem>>
      %dma_start3A_277 = tpu.memref_squeeze %dma_start3A_276 : memref<1x100x128xf32, #tpu.memory_space<vmem>> -> memref<100x128xf32, #tpu.memory_space<vmem>>
      %dma_start3A_278 = arith.constant 0 : i32
      %dma_start3A_279 = tpu.memref_slice %arg5[%dma_start3A_271, %dma_start3A_272, %dma_start3A_273, %dma_start3A_278] : memref<2x2x5x100xi32, #tpu.memory_space<vmem>> -> memref<1x1x1x100xi32, #tpu.memory_space<vmem>>
      %dma_start3A_280 = tpu.memref_squeeze %dma_start3A_279 : memref<1x1x1x100xi32, #tpu.memory_space<vmem>> -> memref<100xi32, #tpu.memory_space<vmem>>
      %dma_start3A_281 = arith.constant 0 : i32
      %dma_start3A_282 = arith.constant 0 : i32
      %dma_start3A_283 = tpu.memref_slice %arg7[%dma_start3A_281, %dma_start3A_282] : memref<10240x128xf32, #tpu.memory_space<vmem_shared>> -> memref<10240x128xf32, #tpu.memory_space<vmem_shared>>
      tpu.enqueue_indirect_dma source(%dma_start3A_277 : memref<100x128xf32, #tpu.memory_space<vmem>>) target(%dma_start3A_283 : memref<10240x128xf32, #tpu.memory_space<vmem_shared>>) offsets(%dma_start3A_280 : memref<100xi32, #tpu.memory_space<vmem>>) semaphore(%arg11 : memref<!tpu.dma_semaphore, #tpu.memory_space<semaphore_mem>>) {add = true}
      %dma_wait3A_284 = arith.constant 1 : i32
      %dma_wait3A_285 = arith.constant 0 : i32
      %dma_wait3A_286 = arith.constant 1 : i32
      %dma_wait3A_287 = arith.constant 1 : i32
      %dma_wait3A_288 = arith.constant 0 : i32
      %dma_wait3A_289 = arith.constant 0 : i32
      %dma_wait3A_290 = tpu.memref_slice %arg6[%dma_wait3A_284, %dma_wait3A_288, %dma_wait3A_289] : memref<3x100x128xf32, #tpu.memory_space<vmem>> -> memref<1x100x128xf32, #tpu.memory_space<vmem>>
      %dma_wait3A_291 = tpu.memref_squeeze %dma_wait3A_290 : memref<1x100x128xf32, #tpu.memory_space<vmem>> -> memref<100x128xf32, #tpu.memory_space<vmem>>
      %dma_wait3A_292 = arith.constant 0 : i32
      %dma_wait3A_293 = tpu.memref_slice %arg5[%dma_wait3A_285, %dma_wait3A_286, %dma_wait3A_287, %dma_wait3A_292] : memref<2x2x5x100xi32, #tpu.memory_space<vmem>> -> memref<1x1x1x100xi32, #tpu.memory_space<vmem>>
      %dma_wait3A_294 = tpu.memref_squeeze %dma_wait3A_293 : memref<1x1x1x100xi32, #tpu.memory_space<vmem>> -> memref<100xi32, #tpu.memory_space<vmem>>
      %dma_wait3A_295 = arith.constant 0 : i32
      %dma_wait3A_296 = arith.constant 0 : i32
      %dma_wait3A_297 = tpu.memref_slice %arg7[%dma_wait3A_295, %dma_wait3A_296] : memref<10240x128xf32, #tpu.memory_space<vmem_shared>> -> memref<10240x128xf32, #tpu.memory_space<vmem_shared>>
      tpu.wait_indirect_dma semaphore(%arg12 : memref<!tpu.dma_semaphore, #tpu.memory_space<semaphore_mem>>) src(%dma_wait3A_291 : memref<100x128xf32, #tpu.memory_space<vmem>>) dst(%dma_wait3A_297 : memref<10240x128xf32, #tpu.memory_space<vmem_shared>>)
      %dma_start3A_298 = arith.constant 0 : i32
      %dma_start3A_299 = arith.constant 0 : i32
      %dma_start3A_300 = arith.constant 4 : i32
      %dma_start3A_301 = arith.constant 1 : i32
      %dma_start3A_302 = arith.constant 0 : i32
      %dma_start3A_303 = arith.constant 0 : i32
      %dma_start3A_304 = tpu.memref_slice %arg6[%dma_start3A_301, %dma_start3A_302, %dma_start3A_303] : memref<3x100x128xf32, #tpu.memory_space<vmem>> -> memref<1x100x128xf32, #tpu.memory_space<vmem>>
      %dma_start3A_305 = tpu.memref_squeeze %dma_start3A_304 : memref<1x100x128xf32, #tpu.memory_space<vmem>> -> memref<100x128xf32, #tpu.memory_space<vmem>>
      %dma_start3A_306 = arith.constant 0 : i32
      %dma_start3A_307 = tpu.memref_slice %arg5[%dma_start3A_298, %dma_start3A_299, %dma_start3A_300, %dma_start3A_306] : memref<2x2x5x100xi32, #tpu.memory_space<vmem>> -> memref<1x1x1x100xi32, #tpu.memory_space<vmem>>
      %dma_start3A_308 = tpu.memref_squeeze %dma_start3A_307 : memref<1x1x1x100xi32, #tpu.memory_space<vmem>> -> memref<100xi32, #tpu.memory_space<vmem>>
      %dma_start3A_309 = arith.constant 0 : i32
      %dma_start3A_310 = arith.constant 0 : i32
      %dma_start3A_311 = tpu.memref_slice %arg2[%dma_start3A_309, %dma_start3A_310] : memref<10000x128xf32, #tpu.memory_space<hbm>> -> memref<10000x128xf32, #tpu.memory_space<hbm>>
      tpu.enqueue_indirect_dma source(%dma_start3A_311 : memref<10000x128xf32, #tpu.memory_space<hbm>>) target(%dma_start3A_305 : memref<100x128xf32, #tpu.memory_space<vmem>>) offsets(%dma_start3A_308 : memref<100xi32, #tpu.memory_space<vmem>>) semaphore(%arg9 : memref<!tpu.dma_semaphore, #tpu.memory_space<semaphore_mem>>)
      %dma_wait3A_312 = arith.constant 0 : i32
      %dma_wait3A_313 = arith.constant 0 : i32
      %dma_wait3A_314 = arith.constant 4 : i32
      %dma_wait3A_315 = arith.constant 1 : i32
      %dma_wait3A_316 = arith.constant 0 : i32
      %dma_wait3A_317 = arith.constant 0 : i32
      %dma_wait3A_318 = tpu.memref_slice %arg6[%dma_wait3A_315, %dma_wait3A_316, %dma_wait3A_317] : memref<3x100x128xf32, #tpu.memory_space<vmem>> -> memref<1x100x128xf32, #tpu.memory_space<vmem>>
      %dma_wait3A_319 = tpu.memref_squeeze %dma_wait3A_318 : memref<1x100x128xf32, #tpu.memory_space<vmem>> -> memref<100x128xf32, #tpu.memory_space<vmem>>
      %dma_wait3A_320 = arith.constant 0 : i32
      %dma_wait3A_321 = tpu.memref_slice %arg5[%dma_wait3A_312, %dma_wait3A_313, %dma_wait3A_314, %dma_wait3A_320] : memref<2x2x5x100xi32, #tpu.memory_space<vmem>> -> memref<1x1x1x100xi32, #tpu.memory_space<vmem>>
      %dma_wait3A_322 = tpu.memref_squeeze %dma_wait3A_321 : memref<1x1x1x100xi32, #tpu.memory_space<vmem>> -> memref<100xi32, #tpu.memory_space<vmem>>
      %dma_wait3A_323 = arith.constant 0 : i32
      %dma_wait3A_324 = arith.constant 0 : i32
      %dma_wait3A_325 = tpu.memref_slice %arg2[%dma_wait3A_323, %dma_wait3A_324] : memref<10000x128xf32, #tpu.memory_space<hbm>> -> memref<10000x128xf32, #tpu.memory_space<hbm>>
      tpu.wait_indirect_dma semaphore(%arg9 : memref<!tpu.dma_semaphore, #tpu.memory_space<semaphore_mem>>) src(%dma_wait3A_325 : memref<10000x128xf32, #tpu.memory_space<hbm>>) dst(%dma_wait3A_319 : memref<100x128xf32, #tpu.memory_space<vmem>>)
      %dma_start3A_326 = arith.constant 1 : i32
      %dma_start3A_327 = arith.constant 0 : i32
      %dma_start3A_328 = arith.constant 1 : i32
      %dma_start3A_329 = arith.constant 4 : i32
      %dma_start3A_330 = arith.constant 0 : i32
      %dma_start3A_331 = arith.constant 0 : i32
      %dma_start3A_332 = tpu.memref_slice %arg6[%dma_start3A_326, %dma_start3A_330, %dma_start3A_331] : memref<3x100x128xf32, #tpu.memory_space<vmem>> -> memref<1x100x128xf32, #tpu.memory_space<vmem>>
      %dma_start3A_333 = tpu.memref_squeeze %dma_start3A_332 : memref<1x100x128xf32, #tpu.memory_space<vmem>> -> memref<100x128xf32, #tpu.memory_space<vmem>>
      %dma_start3A_334 = arith.constant 0 : i32
      %dma_start3A_335 = tpu.memref_slice %arg5[%dma_start3A_327, %dma_start3A_328, %dma_start3A_329, %dma_start3A_334] : memref<2x2x5x100xi32, #tpu.memory_space<vmem>> -> memref<1x1x1x100xi32, #tpu.memory_space<vmem>>
      %dma_start3A_336 = tpu.memref_squeeze %dma_start3A_335 : memref<1x1x1x100xi32, #tpu.memory_space<vmem>> -> memref<100xi32, #tpu.memory_space<vmem>>
      %dma_start3A_337 = arith.constant 0 : i32
      %dma_start3A_338 = arith.constant 0 : i32
      %dma_start3A_339 = tpu.memref_slice %arg7[%dma_start3A_337, %dma_start3A_338] : memref<10240x128xf32, #tpu.memory_space<vmem_shared>> -> memref<10240x128xf32, #tpu.memory_space<vmem_shared>>
      tpu.enqueue_indirect_dma source(%dma_start3A_333 : memref<100x128xf32, #tpu.memory_space<vmem>>) target(%dma_start3A_339 : memref<10240x128xf32, #tpu.memory_space<vmem_shared>>) offsets(%dma_start3A_336 : memref<100xi32, #tpu.memory_space<vmem>>) semaphore(%arg12 : memref<!tpu.dma_semaphore, #tpu.memory_space<semaphore_mem>>) {add = true}
      %dma_wait3A_340 = arith.constant 2 : i32
      %dma_wait3A_341 = arith.constant 0 : i32
      %dma_wait3A_342 = arith.constant 1 : i32
      %dma_wait3A_343 = arith.constant 2 : i32
      %dma_wait3A_344 = arith.constant 0 : i32
      %dma_wait3A_345 = arith.constant 0 : i32
      %dma_wait3A_346 = tpu.memref_slice %arg6[%dma_wait3A_340, %dma_wait3A_344, %dma_wait3A_345] : memref<3x100x128xf32, #tpu.memory_space<vmem>> -> memref<1x100x128xf32, #tpu.memory_space<vmem>>
      %dma_wait3A_347 = tpu.memref_squeeze %dma_wait3A_346 : memref<1x100x128xf32, #tpu.memory_space<vmem>> -> memref<100x128xf32, #tpu.memory_space<vmem>>
      %dma_wait3A_348 = arith.constant 0 : i32
      %dma_wait3A_349 = tpu.memref_slice %arg5[%dma_wait3A_341, %dma_wait3A_342, %dma_wait3A_343, %dma_wait3A_348] : memref<2x2x5x100xi32, #tpu.memory_space<vmem>> -> memref<1x1x1x100xi32, #tpu.memory_space<vmem>>
      %dma_wait3A_350 = tpu.memref_squeeze %dma_wait3A_349 : memref<1x1x1x100xi32, #tpu.memory_space<vmem>> -> memref<100xi32, #tpu.memory_space<vmem>>
      %dma_wait3A_351 = arith.constant 0 : i32
      %dma_wait3A_352 = arith.constant 0 : i32
      %dma_wait3A_353 = tpu.memref_slice %arg7[%dma_wait3A_351, %dma_wait3A_352] : memref<10240x128xf32, #tpu.memory_space<vmem_shared>> -> memref<10240x128xf32, #tpu.memory_space<vmem_shared>>
      tpu.wait_indirect_dma semaphore(%arg13 : memref<!tpu.dma_semaphore, #tpu.memory_space<semaphore_mem>>) src(%dma_wait3A_347 : memref<100x128xf32, #tpu.memory_space<vmem>>) dst(%dma_wait3A_353 : memref<10240x128xf32, #tpu.memory_space<vmem_shared>>)
      %dma_wait3A_354 = arith.constant 1 : i32
      %dma_wait3A_355 = arith.constant 0 : i32
      %dma_wait3A_356 = arith.constant 0 : i32
      %dma_wait3A_357 = arith.constant 0 : i32
      %dma_wait3A_358 = tpu.memref_slice %arg5[%dma_wait3A_354, %dma_wait3A_355, %dma_wait3A_356, %dma_wait3A_357] : memref<2x2x5x100xi32, #tpu.memory_space<vmem>> -> memref<1x2x5x100xi32, #tpu.memory_space<vmem>>
      %dma_wait3A_359 = tpu.memref_squeeze %dma_wait3A_358 : memref<1x2x5x100xi32, #tpu.memory_space<vmem>> -> memref<2x5x100xi32, #tpu.memory_space<vmem>>
      %dma_wait3A_360 = arith.constant 0 : i32
      %dma_wait3A_361 = arith.constant 0 : i32
      %dma_wait3A_362 = arith.constant 0 : i32
      %dma_wait3A_363 = tpu.memref_slice %arg3[%arg0, %arg1, %add3A_46, %dma_wait3A_360, %dma_wait3A_361, %dma_wait3A_362] : memref<2x16x20x2x5x100xi32, #tpu.memory_space<hbm>> -> memref<1x1x1x2x5x100xi32, #tpu.memory_space<hbm>>
      %dma_wait3A_364 = tpu.memref_squeeze %dma_wait3A_363 : memref<1x1x1x2x5x100xi32, #tpu.memory_space<hbm>> -> memref<2x5x100xi32, #tpu.memory_space<hbm>>
      %dma_wait3A_365 = arith.constant 0 : i32
      %dma_wait3A_366 = arith.constant 0 : i32
      %dma_wait3A_367 = arith.constant 0 : i32
      %dma_wait3A_368 = tpu.memref_slice %arg5[%dma_wait3A_354, %dma_wait3A_365, %dma_wait3A_366, %dma_wait3A_367] : memref<2x2x5x100xi32, #tpu.memory_space<vmem>> -> memref<1x2x5x100xi32, #tpu.memory_space<vmem>>
      %dma_wait3A_369 = tpu.memref_squeeze %dma_wait3A_368 : memref<1x2x5x100xi32, #tpu.memory_space<vmem>> -> memref<2x5x100xi32, #tpu.memory_space<vmem>>
      %dma_wait3A_370 = arith.constant 0 : i32
      %dma_wait3A_371 = arith.constant 0 : i32
      %dma_wait3A_372 = arith.constant 0 : i32
      %dma_wait3A_373 = tpu.memref_slice %arg3[%arg0, %arg1, %add3A_46, %dma_wait3A_370, %dma_wait3A_371, %dma_wait3A_372] : memref<2x16x20x2x5x100xi32, #tpu.memory_space<hbm>> -> memref<1x1x1x2x5x100xi32, #tpu.memory_space<hbm>>
      %dma_wait3A_374 = tpu.memref_squeeze %dma_wait3A_373 : memref<1x1x1x2x5x100xi32, #tpu.memory_space<hbm>> -> memref<2x5x100xi32, #tpu.memory_space<hbm>>
      tpu.wait_dma2 semaphore(%arg15 : memref<!tpu.dma_semaphore, #tpu.memory_space<semaphore_mem>>) src(%dma_wait3A_374 : memref<2x5x100xi32, #tpu.memory_space<hbm>>) dst(%dma_wait3A_369 : memref<2x5x100xi32, #tpu.memory_space<vmem>>)
      %dma_start3A_375 = arith.constant 1 : i32
      %dma_start3A_376 = arith.constant 0 : i32
      %dma_start3A_377 = arith.constant 0 : i32
      %dma_start3A_378 = arith.constant 2 : i32
      %dma_start3A_379 = arith.constant 0 : i32
      %dma_start3A_380 = arith.constant 0 : i32
      %dma_start3A_381 = tpu.memref_slice %arg6[%dma_start3A_378, %dma_start3A_379, %dma_start3A_380] : memref<3x100x128xf32, #tpu.memory_space<vmem>> -> memref<1x100x128xf32, #tpu.memory_space<vmem>>
      %dma_start3A_382 = tpu.memref_squeeze %dma_start3A_381 : memref<1x100x128xf32, #tpu.memory_space<vmem>> -> memref<100x128xf32, #tpu.memory_space<vmem>>
      %dma_start3A_383 = arith.constant 0 : i32
      %dma_start3A_384 = tpu.memref_slice %arg5[%dma_start3A_375, %dma_start3A_376, %dma_start3A_377, %dma_start3A_383] : memref<2x2x5x100xi32, #tpu.memory_space<vmem>> -> memref<1x1x1x100xi32, #tpu.memory_space<vmem>>
      %dma_start3A_385 = tpu.memref_squeeze %dma_start3A_384 : memref<1x1x1x100xi32, #tpu.memory_space<vmem>> -> memref<100xi32, #tpu.memory_space<vmem>>
      %dma_start3A_386 = arith.constant 0 : i32
      %dma_start3A_387 = arith.constant 0 : i32
      %dma_start3A_388 = tpu.memref_slice %arg2[%dma_start3A_386, %dma_start3A_387] : memref<10000x128xf32, #tpu.memory_space<hbm>> -> memref<10000x128xf32, #tpu.memory_space<hbm>>
      tpu.enqueue_indirect_dma source(%dma_start3A_388 : memref<10000x128xf32, #tpu.memory_space<hbm>>) target(%dma_start3A_382 : memref<100x128xf32, #tpu.memory_space<vmem>>) offsets(%dma_start3A_385 : memref<100xi32, #tpu.memory_space<vmem>>) semaphore(%arg10 : memref<!tpu.dma_semaphore, #tpu.memory_space<semaphore_mem>>)
      %dma_wait3A_389 = arith.constant 1 : i32
      %dma_wait3A_390 = arith.constant 0 : i32
      %dma_wait3A_391 = arith.constant 0 : i32
      %dma_wait3A_392 = arith.constant 2 : i32
      %dma_wait3A_393 = arith.constant 0 : i32
      %dma_wait3A_394 = arith.constant 0 : i32
      %dma_wait3A_395 = tpu.memref_slice %arg6[%dma_wait3A_392, %dma_wait3A_393, %dma_wait3A_394] : memref<3x100x128xf32, #tpu.memory_space<vmem>> -> memref<1x100x128xf32, #tpu.memory_space<vmem>>
      %dma_wait3A_396 = tpu.memref_squeeze %dma_wait3A_395 : memref<1x100x128xf32, #tpu.memory_space<vmem>> -> memref<100x128xf32, #tpu.memory_space<vmem>>
      %dma_wait3A_397 = arith.constant 0 : i32
      %dma_wait3A_398 = tpu.memref_slice %arg5[%dma_wait3A_389, %dma_wait3A_390, %dma_wait3A_391, %dma_wait3A_397] : memref<2x2x5x100xi32, #tpu.memory_space<vmem>> -> memref<1x1x1x100xi32, #tpu.memory_space<vmem>>
      %dma_wait3A_399 = tpu.memref_squeeze %dma_wait3A_398 : memref<1x1x1x100xi32, #tpu.memory_space<vmem>> -> memref<100xi32, #tpu.memory_space<vmem>>
      %dma_wait3A_400 = arith.constant 0 : i32
      %dma_wait3A_401 = arith.constant 0 : i32
      %dma_wait3A_402 = tpu.memref_slice %arg2[%dma_wait3A_400, %dma_wait3A_401] : memref<10000x128xf32, #tpu.memory_space<hbm>> -> memref<10000x128xf32, #tpu.memory_space<hbm>>
      tpu.wait_indirect_dma semaphore(%arg10 : memref<!tpu.dma_semaphore, #tpu.memory_space<semaphore_mem>>) src(%dma_wait3A_402 : memref<10000x128xf32, #tpu.memory_space<hbm>>) dst(%dma_wait3A_396 : memref<100x128xf32, #tpu.memory_space<vmem>>)
      %dma_start3A_403 = arith.constant 2 : i32
      %dma_start3A_404 = arith.constant 1 : i32
      %dma_start3A_405 = arith.constant 1 : i32
      %dma_start3A_406 = arith.constant 0 : i32
      %dma_start3A_407 = arith.constant 0 : i32
      %dma_start3A_408 = arith.constant 0 : i32
      %dma_start3A_409 = tpu.memref_slice %arg6[%dma_start3A_403, %dma_start3A_407, %dma_start3A_408] : memref<3x100x128xf32, #tpu.memory_space<vmem>> -> memref<1x100x128xf32, #tpu.memory_space<vmem>>
      %dma_start3A_410 = tpu.memref_squeeze %dma_start3A_409 : memref<1x100x128xf32, #tpu.memory_space<vmem>> -> memref<100x128xf32, #tpu.memory_space<vmem>>
      %dma_start3A_411 = arith.constant 0 : i32
      %dma_start3A_412 = tpu.memref_slice %arg5[%dma_start3A_404, %dma_start3A_405, %dma_start3A_406, %dma_start3A_411] : memref<2x2x5x100xi32, #tpu.memory_space<vmem>> -> memref<1x1x1x100xi32, #tpu.memory_space<vmem>>
      %dma_start3A_413 = tpu.memref_squeeze %dma_start3A_412 : memref<1x1x1x100xi32, #tpu.memory_space<vmem>> -> memref<100xi32, #tpu.memory_space<vmem>>
      %dma_start3A_414 = arith.constant 0 : i32
      %dma_start3A_415 = arith.constant 0 : i32
      %dma_start3A_416 = tpu.memref_slice %arg7[%dma_start3A_414, %dma_start3A_415] : memref<10240x128xf32, #tpu.memory_space<vmem_shared>> -> memref<10240x128xf32, #tpu.memory_space<vmem_shared>>
      tpu.enqueue_indirect_dma source(%dma_start3A_410 : memref<100x128xf32, #tpu.memory_space<vmem>>) target(%dma_start3A_416 : memref<10240x128xf32, #tpu.memory_space<vmem_shared>>) offsets(%dma_start3A_413 : memref<100xi32, #tpu.memory_space<vmem>>) semaphore(%arg13 : memref<!tpu.dma_semaphore, #tpu.memory_space<semaphore_mem>>) {add = true}
      %dma_wait3A_417 = arith.constant 0 : i32
      %dma_wait3A_418 = arith.constant 0 : i32
      %dma_wait3A_419 = arith.constant 1 : i32
      %dma_wait3A_420 = arith.constant 3 : i32
      %dma_wait3A_421 = arith.constant 0 : i32
      %dma_wait3A_422 = arith.constant 0 : i32
      %dma_wait3A_423 = tpu.memref_slice %arg6[%dma_wait3A_417, %dma_wait3A_421, %dma_wait3A_422] : memref<3x100x128xf32, #tpu.memory_space<vmem>> -> memref<1x100x128xf32, #tpu.memory_space<vmem>>
      %dma_wait3A_424 = tpu.memref_squeeze %dma_wait3A_423 : memref<1x100x128xf32, #tpu.memory_space<vmem>> -> memref<100x128xf32, #tpu.memory_space<vmem>>
      %dma_wait3A_425 = arith.constant 0 : i32
      %dma_wait3A_426 = tpu.memref_slice %arg5[%dma_wait3A_418, %dma_wait3A_419, %dma_wait3A_420, %dma_wait3A_425] : memref<2x2x5x100xi32, #tpu.memory_space<vmem>> -> memref<1x1x1x100xi32, #tpu.memory_space<vmem>>
      %dma_wait3A_427 = tpu.memref_squeeze %dma_wait3A_426 : memref<1x1x1x100xi32, #tpu.memory_space<vmem>> -> memref<100xi32, #tpu.memory_space<vmem>>
      %dma_wait3A_428 = arith.constant 0 : i32
      %dma_wait3A_429 = arith.constant 0 : i32
      %dma_wait3A_430 = tpu.memref_slice %arg7[%dma_wait3A_428, %dma_wait3A_429] : memref<10240x128xf32, #tpu.memory_space<vmem_shared>> -> memref<10240x128xf32, #tpu.memory_space<vmem_shared>>
      tpu.wait_indirect_dma semaphore(%arg11 : memref<!tpu.dma_semaphore, #tpu.memory_space<semaphore_mem>>) src(%dma_wait3A_424 : memref<100x128xf32, #tpu.memory_space<vmem>>) dst(%dma_wait3A_430 : memref<10240x128xf32, #tpu.memory_space<vmem_shared>>)
      %dma_start3A_431 = arith.constant 1 : i32
      %dma_start3A_432 = arith.constant 0 : i32
      %dma_start3A_433 = arith.constant 1 : i32
      %dma_start3A_434 = arith.constant 0 : i32
      %dma_start3A_435 = arith.constant 0 : i32
      %dma_start3A_436 = arith.constant 0 : i32
      %dma_start3A_437 = tpu.memref_slice %arg6[%dma_start3A_434, %dma_start3A_435, %dma_start3A_436] : memref<3x100x128xf32, #tpu.memory_space<vmem>> -> memref<1x100x128xf32, #tpu.memory_space<vmem>>
      %dma_start3A_438 = tpu.memref_squeeze %dma_start3A_437 : memref<1x100x128xf32, #tpu.memory_space<vmem>> -> memref<100x128xf32, #tpu.memory_space<vmem>>
      %dma_start3A_439 = arith.constant 0 : i32
      %dma_start3A_440 = tpu.memref_slice %arg5[%dma_start3A_431, %dma_start3A_432, %dma_start3A_433, %dma_start3A_439] : memref<2x2x5x100xi32, #tpu.memory_space<vmem>> -> memref<1x1x1x100xi32, #tpu.memory_space<vmem>>
      %dma_start3A_441 = tpu.memref_squeeze %dma_start3A_440 : memref<1x1x1x100xi32, #tpu.memory_space<vmem>> -> memref<100xi32, #tpu.memory_space<vmem>>
      %dma_start3A_442 = arith.constant 0 : i32
      %dma_start3A_443 = arith.constant 0 : i32
      %dma_start3A_444 = tpu.memref_slice %arg2[%dma_start3A_442, %dma_start3A_443] : memref<10000x128xf32, #tpu.memory_space<hbm>> -> memref<10000x128xf32, #tpu.memory_space<hbm>>
      tpu.enqueue_indirect_dma source(%dma_start3A_444 : memref<10000x128xf32, #tpu.memory_space<hbm>>) target(%dma_start3A_438 : memref<100x128xf32, #tpu.memory_space<vmem>>) offsets(%dma_start3A_441 : memref<100xi32, #tpu.memory_space<vmem>>) semaphore(%arg8 : memref<!tpu.dma_semaphore, #tpu.memory_space<semaphore_mem>>)
      %dma_wait3A_445 = arith.constant 1 : i32
      %dma_wait3A_446 = arith.constant 0 : i32
      %dma_wait3A_447 = arith.constant 1 : i32
      %dma_wait3A_448 = arith.constant 0 : i32
      %dma_wait3A_449 = arith.constant 0 : i32
      %dma_wait3A_450 = arith.constant 0 : i32
      %dma_wait3A_451 = tpu.memref_slice %arg6[%dma_wait3A_448, %dma_wait3A_449, %dma_wait3A_450] : memref<3x100x128xf32, #tpu.memory_space<vmem>> -> memref<1x100x128xf32, #tpu.memory_space<vmem>>
      %dma_wait3A_452 = tpu.memref_squeeze %dma_wait3A_451 : memref<1x100x128xf32, #tpu.memory_space<vmem>> -> memref<100x128xf32, #tpu.memory_space<vmem>>
      %dma_wait3A_453 = arith.constant 0 : i32
      %dma_wait3A_454 = tpu.memref_slice %arg5[%dma_wait3A_445, %dma_wait3A_446, %dma_wait3A_447, %dma_wait3A_453] : memref<2x2x5x100xi32, #tpu.memory_space<vmem>> -> memref<1x1x1x100xi32, #tpu.memory_space<vmem>>
      %dma_wait3A_455 = tpu.memref_squeeze %dma_wait3A_454 : memref<1x1x1x100xi32, #tpu.memory_space<vmem>> -> memref<100xi32, #tpu.memory_space<vmem>>
      %dma_wait3A_456 = arith.constant 0 : i32
      %dma_wait3A_457 = arith.constant 0 : i32
      %dma_wait3A_458 = tpu.memref_slice %arg2[%dma_wait3A_456, %dma_wait3A_457] : memref<10000x128xf32, #tpu.memory_space<hbm>> -> memref<10000x128xf32, #tpu.memory_space<hbm>>
      tpu.wait_indirect_dma semaphore(%arg8 : memref<!tpu.dma_semaphore, #tpu.memory_space<semaphore_mem>>) src(%dma_wait3A_458 : memref<10000x128xf32, #tpu.memory_space<hbm>>) dst(%dma_wait3A_452 : memref<100x128xf32, #tpu.memory_space<vmem>>)
      %dma_start3A_459 = arith.constant 0 : i32
      %dma_start3A_460 = arith.constant 1 : i32
      %dma_start3A_461 = arith.constant 1 : i32
      %dma_start3A_462 = arith.constant 1 : i32
      %dma_start3A_463 = arith.constant 0 : i32
      %dma_start3A_464 = arith.constant 0 : i32
      %dma_start3A_465 = tpu.memref_slice %arg6[%dma_start3A_459, %dma_start3A_463, %dma_start3A_464] : memref<3x100x128xf32, #tpu.memory_space<vmem>> -> memref<1x100x128xf32, #tpu.memory_space<vmem>>
      %dma_start3A_466 = tpu.memref_squeeze %dma_start3A_465 : memref<1x100x128xf32, #tpu.memory_space<vmem>> -> memref<100x128xf32, #tpu.memory_space<vmem>>
      %dma_start3A_467 = arith.constant 0 : i32
      %dma_start3A_468 = tpu.memref_slice %arg5[%dma_start3A_460, %dma_start3A_461, %dma_start3A_462, %dma_start3A_467] : memref<2x2x5x100xi32, #tpu.memory_space<vmem>> -> memref<1x1x1x100xi32, #tpu.memory_space<vmem>>
      %dma_start3A_469 = tpu.memref_squeeze %dma_start3A_468 : memref<1x1x1x100xi32, #tpu.memory_space<vmem>> -> memref<100xi32, #tpu.memory_space<vmem>>
      %dma_start3A_470 = arith.constant 0 : i32
      %dma_start3A_471 = arith.constant 0 : i32
      %dma_start3A_472 = tpu.memref_slice %arg7[%dma_start3A_470, %dma_start3A_471] : memref<10240x128xf32, #tpu.memory_space<vmem_shared>> -> memref<10240x128xf32, #tpu.memory_space<vmem_shared>>
      tpu.enqueue_indirect_dma source(%dma_start3A_466 : memref<100x128xf32, #tpu.memory_space<vmem>>) target(%dma_start3A_472 : memref<10240x128xf32, #tpu.memory_space<vmem_shared>>) offsets(%dma_start3A_469 : memref<100xi32, #tpu.memory_space<vmem>>) semaphore(%arg11 : memref<!tpu.dma_semaphore, #tpu.memory_space<semaphore_mem>>) {add = true}
      %dma_wait3A_473 = arith.constant 1 : i32
      %dma_wait3A_474 = arith.constant 0 : i32
      %dma_wait3A_475 = arith.constant 1 : i32
      %dma_wait3A_476 = arith.constant 4 : i32
      %dma_wait3A_477 = arith.constant 0 : i32
      %dma_wait3A_478 = arith.constant 0 : i32
      %dma_wait3A_479 = tpu.memref_slice %arg6[%dma_wait3A_473, %dma_wait3A_477, %dma_wait3A_478] : memref<3x100x128xf32, #tpu.memory_space<vmem>> -> memref<1x100x128xf32, #tpu.memory_space<vmem>>
      %dma_wait3A_480 = tpu.memref_squeeze %dma_wait3A_479 : memref<1x100x128xf32, #tpu.memory_space<vmem>> -> memref<100x128xf32, #tpu.memory_space<vmem>>
      %dma_wait3A_481 = arith.constant 0 : i32
      %dma_wait3A_482 = tpu.memref_slice %arg5[%dma_wait3A_474, %dma_wait3A_475, %dma_wait3A_476, %dma_wait3A_481] : memref<2x2x5x100xi32, #tpu.memory_space<vmem>> -> memref<1x1x1x100xi32, #tpu.memory_space<vmem>>
      %dma_wait3A_483 = tpu.memref_squeeze %dma_wait3A_482 : memref<1x1x1x100xi32, #tpu.memory_space<vmem>> -> memref<100xi32, #tpu.memory_space<vmem>>
      %dma_wait3A_484 = arith.constant 0 : i32
      %dma_wait3A_485 = arith.constant 0 : i32
      %dma_wait3A_486 = tpu.memref_slice %arg7[%dma_wait3A_484, %dma_wait3A_485] : memref<10240x128xf32, #tpu.memory_space<vmem_shared>> -> memref<10240x128xf32, #tpu.memory_space<vmem_shared>>
      tpu.wait_indirect_dma semaphore(%arg12 : memref<!tpu.dma_semaphore, #tpu.memory_space<semaphore_mem>>) src(%dma_wait3A_480 : memref<100x128xf32, #tpu.memory_space<vmem>>) dst(%dma_wait3A_486 : memref<10240x128xf32, #tpu.memory_space<vmem_shared>>)
      %dma_start3A_487 = arith.constant 1 : i32
      %dma_start3A_488 = arith.constant 0 : i32
      %dma_start3A_489 = arith.constant 2 : i32
      %dma_start3A_490 = arith.constant 1 : i32
      %dma_start3A_491 = arith.constant 0 : i32
      %dma_start3A_492 = arith.constant 0 : i32
      %dma_start3A_493 = tpu.memref_slice %arg6[%dma_start3A_490, %dma_start3A_491, %dma_start3A_492] : memref<3x100x128xf32, #tpu.memory_space<vmem>> -> memref<1x100x128xf32, #tpu.memory_space<vmem>>
      %dma_start3A_494 = tpu.memref_squeeze %dma_start3A_493 : memref<1x100x128xf32, #tpu.memory_space<vmem>> -> memref<100x128xf32, #tpu.memory_space<vmem>>
      %dma_start3A_495 = arith.constant 0 : i32
      %dma_start3A_496 = tpu.memref_slice %arg5[%dma_start3A_487, %dma_start3A_488, %dma_start3A_489, %dma_start3A_495] : memref<2x2x5x100xi32, #tpu.memory_space<vmem>> -> memref<1x1x1x100xi32, #tpu.memory_space<vmem>>
      %dma_start3A_497 = tpu.memref_squeeze %dma_start3A_496 : memref<1x1x1x100xi32, #tpu.memory_space<vmem>> -> memref<100xi32, #tpu.memory_space<vmem>>
      %dma_start3A_498 = arith.constant 0 : i32
      %dma_start3A_499 = arith.constant 0 : i32
      %dma_start3A_500 = tpu.memref_slice %arg2[%dma_start3A_498, %dma_start3A_499] : memref<10000x128xf32, #tpu.memory_space<hbm>> -> memref<10000x128xf32, #tpu.memory_space<hbm>>
      tpu.enqueue_indirect_dma source(%dma_start3A_500 : memref<10000x128xf32, #tpu.memory_space<hbm>>) target(%dma_start3A_494 : memref<100x128xf32, #tpu.memory_space<vmem>>) offsets(%dma_start3A_497 : memref<100xi32, #tpu.memory_space<vmem>>) semaphore(%arg9 : memref<!tpu.dma_semaphore, #tpu.memory_space<semaphore_mem>>)
      %dma_wait3A_501 = arith.constant 1 : i32
      %dma_wait3A_502 = arith.constant 0 : i32
      %dma_wait3A_503 = arith.constant 2 : i32
      %dma_wait3A_504 = arith.constant 1 : i32
      %dma_wait3A_505 = arith.constant 0 : i32
      %dma_wait3A_506 = arith.constant 0 : i32
      %dma_wait3A_507 = tpu.memref_slice %arg6[%dma_wait3A_504, %dma_wait3A_505, %dma_wait3A_506] : memref<3x100x128xf32, #tpu.memory_space<vmem>> -> memref<1x100x128xf32, #tpu.memory_space<vmem>>
      %dma_wait3A_508 = tpu.memref_squeeze %dma_wait3A_507 : memref<1x100x128xf32, #tpu.memory_space<vmem>> -> memref<100x128xf32, #tpu.memory_space<vmem>>
      %dma_wait3A_509 = arith.constant 0 : i32
      %dma_wait3A_510 = tpu.memref_slice %arg5[%dma_wait3A_501, %dma_wait3A_502, %dma_wait3A_503, %dma_wait3A_509] : memref<2x2x5x100xi32, #tpu.memory_space<vmem>> -> memref<1x1x1x100xi32, #tpu.memory_space<vmem>>
      %dma_wait3A_511 = tpu.memref_squeeze %dma_wait3A_510 : memref<1x1x1x100xi32, #tpu.memory_space<vmem>> -> memref<100xi32, #tpu.memory_space<vmem>>
      %dma_wait3A_512 = arith.constant 0 : i32
      %dma_wait3A_513 = arith.constant 0 : i32
      %dma_wait3A_514 = tpu.memref_slice %arg2[%dma_wait3A_512, %dma_wait3A_513] : memref<10000x128xf32, #tpu.memory_space<hbm>> -> memref<10000x128xf32, #tpu.memory_space<hbm>>
      tpu.wait_indirect_dma semaphore(%arg9 : memref<!tpu.dma_semaphore, #tpu.memory_space<semaphore_mem>>) src(%dma_wait3A_514 : memref<10000x128xf32, #tpu.memory_space<hbm>>) dst(%dma_wait3A_508 : memref<100x128xf32, #tpu.memory_space<vmem>>)
      %dma_start3A_515 = arith.constant 1 : i32
      %dma_start3A_516 = arith.constant 1 : i32
      %dma_start3A_517 = arith.constant 1 : i32
      %dma_start3A_518 = arith.constant 2 : i32
      %dma_start3A_519 = arith.constant 0 : i32
      %dma_start3A_520 = arith.constant 0 : i32
      %dma_start3A_521 = tpu.memref_slice %arg6[%dma_start3A_515, %dma_start3A_519, %dma_start3A_520] : memref<3x100x128xf32, #tpu.memory_space<vmem>> -> memref<1x100x128xf32, #tpu.memory_space<vmem>>
      %dma_start3A_522 = tpu.memref_squeeze %dma_start3A_521 : memref<1x100x128xf32, #tpu.memory_space<vmem>> -> memref<100x128xf32, #tpu.memory_space<vmem>>
      %dma_start3A_523 = arith.constant 0 : i32
      %dma_start3A_524 = tpu.memref_slice %arg5[%dma_start3A_516, %dma_start3A_517, %dma_start3A_518, %dma_start3A_523] : memref<2x2x5x100xi32, #tpu.memory_space<vmem>> -> memref<1x1x1x100xi32, #tpu.memory_space<vmem>>
      %dma_start3A_525 = tpu.memref_squeeze %dma_start3A_524 : memref<1x1x1x100xi32, #tpu.memory_space<vmem>> -> memref<100xi32, #tpu.memory_space<vmem>>
      %dma_start3A_526 = arith.constant 0 : i32
      %dma_start3A_527 = arith.constant 0 : i32
      %dma_start3A_528 = tpu.memref_slice %arg7[%dma_start3A_526, %dma_start3A_527] : memref<10240x128xf32, #tpu.memory_space<vmem_shared>> -> memref<10240x128xf32, #tpu.memory_space<vmem_shared>>
      tpu.enqueue_indirect_dma source(%dma_start3A_522 : memref<100x128xf32, #tpu.memory_space<vmem>>) target(%dma_start3A_528 : memref<10240x128xf32, #tpu.memory_space<vmem_shared>>) offsets(%dma_start3A_525 : memref<100xi32, #tpu.memory_space<vmem>>) semaphore(%arg12 : memref<!tpu.dma_semaphore, #tpu.memory_space<semaphore_mem>>) {add = true}
      %dma_wait3A_529 = arith.constant 2 : i32
      %dma_wait3A_530 = arith.constant 1 : i32
      %dma_wait3A_531 = arith.constant 1 : i32
      %dma_wait3A_532 = arith.constant 0 : i32
      %dma_wait3A_533 = arith.constant 0 : i32
      %dma_wait3A_534 = arith.constant 0 : i32
      %dma_wait3A_535 = tpu.memref_slice %arg6[%dma_wait3A_529, %dma_wait3A_533, %dma_wait3A_534] : memref<3x100x128xf32, #tpu.memory_space<vmem>> -> memref<1x100x128xf32, #tpu.memory_space<vmem>>
      %dma_wait3A_536 = tpu.memref_squeeze %dma_wait3A_535 : memref<1x100x128xf32, #tpu.memory_space<vmem>> -> memref<100x128xf32, #tpu.memory_space<vmem>>
      %dma_wait3A_537 = arith.constant 0 : i32
      %dma_wait3A_538 = tpu.memref_slice %arg5[%dma_wait3A_530, %dma_wait3A_531, %dma_wait3A_532, %dma_wait3A_537] : memref<2x2x5x100xi32, #tpu.memory_space<vmem>> -> memref<1x1x1x100xi32, #tpu.memory_space<vmem>>
      %dma_wait3A_539 = tpu.memref_squeeze %dma_wait3A_538 : memref<1x1x1x100xi32, #tpu.memory_space<vmem>> -> memref<100xi32, #tpu.memory_space<vmem>>
      %dma_wait3A_540 = arith.constant 0 : i32
      %dma_wait3A_541 = arith.constant 0 : i32
      %dma_wait3A_542 = tpu.memref_slice %arg7[%dma_wait3A_540, %dma_wait3A_541] : memref<10240x128xf32, #tpu.memory_space<vmem_shared>> -> memref<10240x128xf32, #tpu.memory_space<vmem_shared>>
      tpu.wait_indirect_dma semaphore(%arg13 : memref<!tpu.dma_semaphore, #tpu.memory_space<semaphore_mem>>) src(%dma_wait3A_536 : memref<100x128xf32, #tpu.memory_space<vmem>>) dst(%dma_wait3A_542 : memref<10240x128xf32, #tpu.memory_space<vmem_shared>>)
      %dma_start3A_543 = arith.constant 1 : i32
      %dma_start3A_544 = arith.constant 0 : i32
      %dma_start3A_545 = arith.constant 3 : i32
      %dma_start3A_546 = arith.constant 2 : i32
      %dma_start3A_547 = arith.constant 0 : i32
      %dma_start3A_548 = arith.constant 0 : i32
      %dma_start3A_549 = tpu.memref_slice %arg6[%dma_start3A_546, %dma_start3A_547, %dma_start3A_548] : memref<3x100x128xf32, #tpu.memory_space<vmem>> -> memref<1x100x128xf32, #tpu.memory_space<vmem>>
      %dma_start3A_550 = tpu.memref_squeeze %dma_start3A_549 : memref<1x100x128xf32, #tpu.memory_space<vmem>> -> memref<100x128xf32, #tpu.memory_space<vmem>>
      %dma_start3A_551 = arith.constant 0 : i32
      %dma_start3A_552 = tpu.memref_slice %arg5[%dma_start3A_543, %dma_start3A_544, %dma_start3A_545, %dma_start3A_551] : memref<2x2x5x100xi32, #tpu.memory_space<vmem>> -> memref<1x1x1x100xi32, #tpu.memory_space<vmem>>
      %dma_start3A_553 = tpu.memref_squeeze %dma_start3A_552 : memref<1x1x1x100xi32, #tpu.memory_space<vmem>> -> memref<100xi32, #tpu.memory_space<vmem>>
      %dma_start3A_554 = arith.constant 0 : i32
      %dma_start3A_555 = arith.constant 0 : i32
      %dma_start3A_556 = tpu.memref_slice %arg2[%dma_start3A_554, %dma_start3A_555] : memref<10000x128xf32, #tpu.memory_space<hbm>> -> memref<10000x128xf32, #tpu.memory_space<hbm>>
      tpu.enqueue_indirect_dma source(%dma_start3A_556 : memref<10000x128xf32, #tpu.memory_space<hbm>>) target(%dma_start3A_550 : memref<100x128xf32, #tpu.memory_space<vmem>>) offsets(%dma_start3A_553 : memref<100xi32, #tpu.memory_space<vmem>>) semaphore(%arg10 : memref<!tpu.dma_semaphore, #tpu.memory_space<semaphore_mem>>)
      %dma_wait3A_557 = arith.constant 1 : i32
      %dma_wait3A_558 = arith.constant 0 : i32
      %dma_wait3A_559 = arith.constant 3 : i32
      %dma_wait3A_560 = arith.constant 2 : i32
      %dma_wait3A_561 = arith.constant 0 : i32
      %dma_wait3A_562 = arith.constant 0 : i32
      %dma_wait3A_563 = tpu.memref_slice %arg6[%dma_wait3A_560, %dma_wait3A_561, %dma_wait3A_562] : memref<3x100x128xf32, #tpu.memory_space<vmem>> -> memref<1x100x128xf32, #tpu.memory_space<vmem>>
      %dma_wait3A_564 = tpu.memref_squeeze %dma_wait3A_563 : memref<1x100x128xf32, #tpu.memory_space<vmem>> -> memref<100x128xf32, #tpu.memory_space<vmem>>
      %dma_wait3A_565 = arith.constant 0 : i32
      %dma_wait3A_566 = tpu.memref_slice %arg5[%dma_wait3A_557, %dma_wait3A_558, %dma_wait3A_559, %dma_wait3A_565] : memref<2x2x5x100xi32, #tpu.memory_space<vmem>> -> memref<1x1x1x100xi32, #tpu.memory_space<vmem>>
      %dma_wait3A_567 = tpu.memref_squeeze %dma_wait3A_566 : memref<1x1x1x100xi32, #tpu.memory_space<vmem>> -> memref<100xi32, #tpu.memory_space<vmem>>
      %dma_wait3A_568 = arith.constant 0 : i32
      %dma_wait3A_569 = arith.constant 0 : i32
      %dma_wait3A_570 = tpu.memref_slice %arg2[%dma_wait3A_568, %dma_wait3A_569] : memref<10000x128xf32, #tpu.memory_space<hbm>> -> memref<10000x128xf32, #tpu.memory_space<hbm>>
      tpu.wait_indirect_dma semaphore(%arg10 : memref<!tpu.dma_semaphore, #tpu.memory_space<semaphore_mem>>) src(%dma_wait3A_570 : memref<10000x128xf32, #tpu.memory_space<hbm>>) dst(%dma_wait3A_564 : memref<100x128xf32, #tpu.memory_space<vmem>>)
      %dma_start3A_571 = arith.constant 2 : i32
      %dma_start3A_572 = arith.constant 1 : i32
      %dma_start3A_573 = arith.constant 1 : i32
      %dma_start3A_574 = arith.constant 3 : i32
      %dma_start3A_575 = arith.constant 0 : i32
      %dma_start3A_576 = arith.constant 0 : i32
      %dma_start3A_577 = tpu.memref_slice %arg6[%dma_start3A_571, %dma_start3A_575, %dma_start3A_576] : memref<3x100x128xf32, #tpu.memory_space<vmem>> -> memref<1x100x128xf32, #tpu.memory_space<vmem>>
      %dma_start3A_578 = tpu.memref_squeeze %dma_start3A_577 : memref<1x100x128xf32, #tpu.memory_space<vmem>> -> memref<100x128xf32, #tpu.memory_space<vmem>>
      %dma_start3A_579 = arith.constant 0 : i32
      %dma_start3A_580 = tpu.memref_slice %arg5[%dma_start3A_572, %dma_start3A_573, %dma_start3A_574, %dma_start3A_579] : memref<2x2x5x100xi32, #tpu.memory_space<vmem>> -> memref<1x1x1x100xi32, #tpu.memory_space<vmem>>
      %dma_start3A_581 = tpu.memref_squeeze %dma_start3A_580 : memref<1x1x1x100xi32, #tpu.memory_space<vmem>> -> memref<100xi32, #tpu.memory_space<vmem>>
      %dma_start3A_582 = arith.constant 0 : i32
      %dma_start3A_583 = arith.constant 0 : i32
      %dma_start3A_584 = tpu.memref_slice %arg7[%dma_start3A_582, %dma_start3A_583] : memref<10240x128xf32, #tpu.memory_space<vmem_shared>> -> memref<10240x128xf32, #tpu.memory_space<vmem_shared>>
      tpu.enqueue_indirect_dma source(%dma_start3A_578 : memref<100x128xf32, #tpu.memory_space<vmem>>) target(%dma_start3A_584 : memref<10240x128xf32, #tpu.memory_space<vmem_shared>>) offsets(%dma_start3A_581 : memref<100xi32, #tpu.memory_space<vmem>>) semaphore(%arg13 : memref<!tpu.dma_semaphore, #tpu.memory_space<semaphore_mem>>) {add = true}
      %dma_wait3A_585 = arith.constant 0 : i32
      %dma_wait3A_586 = arith.constant 1 : i32
      %dma_wait3A_587 = arith.constant 1 : i32
      %dma_wait3A_588 = arith.constant 1 : i32
      %dma_wait3A_589 = arith.constant 0 : i32
      %dma_wait3A_590 = arith.constant 0 : i32
      %dma_wait3A_591 = tpu.memref_slice %arg6[%dma_wait3A_585, %dma_wait3A_589, %dma_wait3A_590] : memref<3x100x128xf32, #tpu.memory_space<vmem>> -> memref<1x100x128xf32, #tpu.memory_space<vmem>>
      %dma_wait3A_592 = tpu.memref_squeeze %dma_wait3A_591 : memref<1x100x128xf32, #tpu.memory_space<vmem>> -> memref<100x128xf32, #tpu.memory_space<vmem>>
      %dma_wait3A_593 = arith.constant 0 : i32
      %dma_wait3A_594 = tpu.memref_slice %arg5[%dma_wait3A_586, %dma_wait3A_587, %dma_wait3A_588, %dma_wait3A_593] : memref<2x2x5x100xi32, #tpu.memory_space<vmem>> -> memref<1x1x1x100xi32, #tpu.memory_space<vmem>>
      %dma_wait3A_595 = tpu.memref_squeeze %dma_wait3A_594 : memref<1x1x1x100xi32, #tpu.memory_space<vmem>> -> memref<100xi32, #tpu.memory_space<vmem>>
      %dma_wait3A_596 = arith.constant 0 : i32
      %dma_wait3A_597 = arith.constant 0 : i32
      %dma_wait3A_598 = tpu.memref_slice %arg7[%dma_wait3A_596, %dma_wait3A_597] : memref<10240x128xf32, #tpu.memory_space<vmem_shared>> -> memref<10240x128xf32, #tpu.memory_space<vmem_shared>>
      tpu.wait_indirect_dma semaphore(%arg11 : memref<!tpu.dma_semaphore, #tpu.memory_space<semaphore_mem>>) src(%dma_wait3A_592 : memref<100x128xf32, #tpu.memory_space<vmem>>) dst(%dma_wait3A_598 : memref<10240x128xf32, #tpu.memory_space<vmem_shared>>)
      %dma_start3A_599 = arith.constant 1 : i32
      %dma_start3A_600 = arith.constant 0 : i32
      %dma_start3A_601 = arith.constant 4 : i32
      %dma_start3A_602 = arith.constant 0 : i32
      %dma_start3A_603 = arith.constant 0 : i32
      %dma_start3A_604 = arith.constant 0 : i32
      %dma_start3A_605 = tpu.memref_slice %arg6[%dma_start3A_602, %dma_start3A_603, %dma_start3A_604] : memref<3x100x128xf32, #tpu.memory_space<vmem>> -> memref<1x100x128xf32, #tpu.memory_space<vmem>>
      %dma_start3A_606 = tpu.memref_squeeze %dma_start3A_605 : memref<1x100x128xf32, #tpu.memory_space<vmem>> -> memref<100x128xf32, #tpu.memory_space<vmem>>
      %dma_start3A_607 = arith.constant 0 : i32
      %dma_start3A_608 = tpu.memref_slice %arg5[%dma_start3A_599, %dma_start3A_600, %dma_start3A_601, %dma_start3A_607] : memref<2x2x5x100xi32, #tpu.memory_space<vmem>> -> memref<1x1x1x100xi32, #tpu.memory_space<vmem>>
      %dma_start3A_609 = tpu.memref_squeeze %dma_start3A_608 : memref<1x1x1x100xi32, #tpu.memory_space<vmem>> -> memref<100xi32, #tpu.memory_space<vmem>>
      %dma_start3A_610 = arith.constant 0 : i32
      %dma_start3A_611 = arith.constant 0 : i32
      %dma_start3A_612 = tpu.memref_slice %arg2[%dma_start3A_610, %dma_start3A_611] : memref<10000x128xf32, #tpu.memory_space<hbm>> -> memref<10000x128xf32, #tpu.memory_space<hbm>>
      tpu.enqueue_indirect_dma source(%dma_start3A_612 : memref<10000x128xf32, #tpu.memory_space<hbm>>) target(%dma_start3A_606 : memref<100x128xf32, #tpu.memory_space<vmem>>) offsets(%dma_start3A_609 : memref<100xi32, #tpu.memory_space<vmem>>) semaphore(%arg8 : memref<!tpu.dma_semaphore, #tpu.memory_space<semaphore_mem>>)
      %dma_wait3A_613 = arith.constant 1 : i32
      %dma_wait3A_614 = arith.constant 0 : i32
      %dma_wait3A_615 = arith.constant 4 : i32
      %dma_wait3A_616 = arith.constant 0 : i32
      %dma_wait3A_617 = arith.constant 0 : i32
      %dma_wait3A_618 = arith.constant 0 : i32
      %dma_wait3A_619 = tpu.memref_slice %arg6[%dma_wait3A_616, %dma_wait3A_617, %dma_wait3A_618] : memref<3x100x128xf32, #tpu.memory_space<vmem>> -> memref<1x100x128xf32, #tpu.memory_space<vmem>>
      %dma_wait3A_620 = tpu.memref_squeeze %dma_wait3A_619 : memref<1x100x128xf32, #tpu.memory_space<vmem>> -> memref<100x128xf32, #tpu.memory_space<vmem>>
      %dma_wait3A_621 = arith.constant 0 : i32
      %dma_wait3A_622 = tpu.memref_slice %arg5[%dma_wait3A_613, %dma_wait3A_614, %dma_wait3A_615, %dma_wait3A_621] : memref<2x2x5x100xi32, #tpu.memory_space<vmem>> -> memref<1x1x1x100xi32, #tpu.memory_space<vmem>>
      %dma_wait3A_623 = tpu.memref_squeeze %dma_wait3A_622 : memref<1x1x1x100xi32, #tpu.memory_space<vmem>> -> memref<100xi32, #tpu.memory_space<vmem>>
      %dma_wait3A_624 = arith.constant 0 : i32
      %dma_wait3A_625 = arith.constant 0 : i32
      %dma_wait3A_626 = tpu.memref_slice %arg2[%dma_wait3A_624, %dma_wait3A_625] : memref<10000x128xf32, #tpu.memory_space<hbm>> -> memref<10000x128xf32, #tpu.memory_space<hbm>>
      tpu.wait_indirect_dma semaphore(%arg8 : memref<!tpu.dma_semaphore, #tpu.memory_space<semaphore_mem>>) src(%dma_wait3A_626 : memref<10000x128xf32, #tpu.memory_space<hbm>>) dst(%dma_wait3A_620 : memref<100x128xf32, #tpu.memory_space<vmem>>)
      %dma_start3A_627 = arith.constant 0 : i32
      %dma_start3A_628 = arith.constant 1 : i32
      %dma_start3A_629 = arith.constant 1 : i32
      %dma_start3A_630 = arith.constant 4 : i32
      %dma_start3A_631 = arith.constant 0 : i32
      %dma_start3A_632 = arith.constant 0 : i32
      %dma_start3A_633 = tpu.memref_slice %arg6[%dma_start3A_627, %dma_start3A_631, %dma_start3A_632] : memref<3x100x128xf32, #tpu.memory_space<vmem>> -> memref<1x100x128xf32, #tpu.memory_space<vmem>>
      %dma_start3A_634 = tpu.memref_squeeze %dma_start3A_633 : memref<1x100x128xf32, #tpu.memory_space<vmem>> -> memref<100x128xf32, #tpu.memory_space<vmem>>
      %dma_start3A_635 = arith.constant 0 : i32
      %dma_start3A_636 = tpu.memref_slice %arg5[%dma_start3A_628, %dma_start3A_629, %dma_start3A_630, %dma_start3A_635] : memref<2x2x5x100xi32, #tpu.memory_space<vmem>> -> memref<1x1x1x100xi32, #tpu.memory_space<vmem>>
      %dma_start3A_637 = tpu.memref_squeeze %dma_start3A_636 : memref<1x1x1x100xi32, #tpu.memory_space<vmem>> -> memref<100xi32, #tpu.memory_space<vmem>>
      %dma_start3A_638 = arith.constant 0 : i32
      %dma_start3A_639 = arith.constant 0 : i32
      %dma_start3A_640 = tpu.memref_slice %arg7[%dma_start3A_638, %dma_start3A_639] : memref<10240x128xf32, #tpu.memory_space<vmem_shared>> -> memref<10240x128xf32, #tpu.memory_space<vmem_shared>>
      tpu.enqueue_indirect_dma source(%dma_start3A_634 : memref<100x128xf32, #tpu.memory_space<vmem>>) target(%dma_start3A_640 : memref<10240x128xf32, #tpu.memory_space<vmem_shared>>) offsets(%dma_start3A_637 : memref<100xi32, #tpu.memory_space<vmem>>) semaphore(%arg11 : memref<!tpu.dma_semaphore, #tpu.memory_space<semaphore_mem>>) {add = true}
      %dma_wait3A_641 = arith.constant 1 : i32
      %dma_wait3A_642 = arith.constant 1 : i32
      %dma_wait3A_643 = arith.constant 1 : i32
      %dma_wait3A_644 = arith.constant 2 : i32
      %dma_wait3A_645 = arith.constant 0 : i32
      %dma_wait3A_646 = arith.constant 0 : i32
      %dma_wait3A_647 = tpu.memref_slice %arg6[%dma_wait3A_641, %dma_wait3A_645, %dma_wait3A_646] : memref<3x100x128xf32, #tpu.memory_space<vmem>> -> memref<1x100x128xf32, #tpu.memory_space<vmem>>
      %dma_wait3A_648 = tpu.memref_squeeze %dma_wait3A_647 : memref<1x100x128xf32, #tpu.memory_space<vmem>> -> memref<100x128xf32, #tpu.memory_space<vmem>>
      %dma_wait3A_649 = arith.constant 0 : i32
      %dma_wait3A_650 = tpu.memref_slice %arg5[%dma_wait3A_642, %dma_wait3A_643, %dma_wait3A_644, %dma_wait3A_649] : memref<2x2x5x100xi32, #tpu.memory_space<vmem>> -> memref<1x1x1x100xi32, #tpu.memory_space<vmem>>
      %dma_wait3A_651 = tpu.memref_squeeze %dma_wait3A_650 : memref<1x1x1x100xi32, #tpu.memory_space<vmem>> -> memref<100xi32, #tpu.memory_space<vmem>>
      %dma_wait3A_652 = arith.constant 0 : i32
      %dma_wait3A_653 = arith.constant 0 : i32
      %dma_wait3A_654 = tpu.memref_slice %arg7[%dma_wait3A_652, %dma_wait3A_653] : memref<10240x128xf32, #tpu.memory_space<vmem_shared>> -> memref<10240x128xf32, #tpu.memory_space<vmem_shared>>
      tpu.wait_indirect_dma semaphore(%arg12 : memref<!tpu.dma_semaphore, #tpu.memory_space<semaphore_mem>>) src(%dma_wait3A_648 : memref<100x128xf32, #tpu.memory_space<vmem>>) dst(%dma_wait3A_654 : memref<10240x128xf32, #tpu.memory_space<vmem_shared>>)
      %dma_wait3A_655 = arith.constant 2 : i32
      %dma_wait3A_656 = arith.constant 1 : i32
      %dma_wait3A_657 = arith.constant 1 : i32
      %dma_wait3A_658 = arith.constant 3 : i32
      %dma_wait3A_659 = arith.constant 0 : i32
      %dma_wait3A_660 = arith.constant 0 : i32
      %dma_wait3A_661 = tpu.memref_slice %arg6[%dma_wait3A_655, %dma_wait3A_659, %dma_wait3A_660] : memref<3x100x128xf32, #tpu.memory_space<vmem>> -> memref<1x100x128xf32, #tpu.memory_space<vmem>>
      %dma_wait3A_662 = tpu.memref_squeeze %dma_wait3A_661 : memref<1x100x128xf32, #tpu.memory_space<vmem>> -> memref<100x128xf32, #tpu.memory_space<vmem>>
      %dma_wait3A_663 = arith.constant 0 : i32
      %dma_wait3A_664 = tpu.memref_slice %arg5[%dma_wait3A_656, %dma_wait3A_657, %dma_wait3A_658, %dma_wait3A_663] : memref<2x2x5x100xi32, #tpu.memory_space<vmem>> -> memref<1x1x1x100xi32, #tpu.memory_space<vmem>>
      %dma_wait3A_665 = tpu.memref_squeeze %dma_wait3A_664 : memref<1x1x1x100xi32, #tpu.memory_space<vmem>> -> memref<100xi32, #tpu.memory_space<vmem>>
      %dma_wait3A_666 = arith.constant 0 : i32
      %dma_wait3A_667 = arith.constant 0 : i32
      %dma_wait3A_668 = tpu.memref_slice %arg7[%dma_wait3A_666, %dma_wait3A_667] : memref<10240x128xf32, #tpu.memory_space<vmem_shared>> -> memref<10240x128xf32, #tpu.memory_space<vmem_shared>>
      tpu.wait_indirect_dma semaphore(%arg13 : memref<!tpu.dma_semaphore, #tpu.memory_space<semaphore_mem>>) src(%dma_wait3A_662 : memref<100x128xf32, #tpu.memory_space<vmem>>) dst(%dma_wait3A_668 : memref<10240x128xf32, #tpu.memory_space<vmem_shared>>)
      %dma_wait3A_669 = arith.constant 0 : i32
      %dma_wait3A_670 = arith.constant 1 : i32
      %dma_wait3A_671 = arith.constant 1 : i32
      %dma_wait3A_672 = arith.constant 4 : i32
      %dma_wait3A_673 = arith.constant 0 : i32
      %dma_wait3A_674 = arith.constant 0 : i32
      %dma_wait3A_675 = tpu.memref_slice %arg6[%dma_wait3A_669, %dma_wait3A_673, %dma_wait3A_674] : memref<3x100x128xf32, #tpu.memory_space<vmem>> -> memref<1x100x128xf32, #tpu.memory_space<vmem>>
      %dma_wait3A_676 = tpu.memref_squeeze %dma_wait3A_675 : memref<1x100x128xf32, #tpu.memory_space<vmem>> -> memref<100x128xf32, #tpu.memory_space<vmem>>
      %dma_wait3A_677 = arith.constant 0 : i32
      %dma_wait3A_678 = tpu.memref_slice %arg5[%dma_wait3A_670, %dma_wait3A_671, %dma_wait3A_672, %dma_wait3A_677] : memref<2x2x5x100xi32, #tpu.memory_space<vmem>> -> memref<1x1x1x100xi32, #tpu.memory_space<vmem>>
      %dma_wait3A_679 = tpu.memref_squeeze %dma_wait3A_678 : memref<1x1x1x100xi32, #tpu.memory_space<vmem>> -> memref<100xi32, #tpu.memory_space<vmem>>
      %dma_wait3A_680 = arith.constant 0 : i32
      %dma_wait3A_681 = arith.constant 0 : i32
      %dma_wait3A_682 = tpu.memref_slice %arg7[%dma_wait3A_680, %dma_wait3A_681] : memref<10240x128xf32, #tpu.memory_space<vmem_shared>> -> memref<10240x128xf32, #tpu.memory_space<vmem_shared>>
      tpu.wait_indirect_dma semaphore(%arg11 : memref<!tpu.dma_semaphore, #tpu.memory_space<semaphore_mem>>) src(%dma_wait3A_676 : memref<100x128xf32, #tpu.memory_space<vmem>>) dst(%dma_wait3A_682 : memref<10240x128xf32, #tpu.memory_space<vmem_shared>>)
    }
    %scan3A_19 = arith.constant 10 : i32
    %barrier3A_20 = arith.constant 0 : index
    tpu.barrier barrier_id(%barrier3A_20)
    "tpu.region"() ({
      %run_scoped3A = tpu.sem_alloc : memref<!tpu.dma_semaphore, #tpu.memory_space<semaphore_mem>>
      %dma_start3A = arith.constant 0 : i32
      %dma_start3A_21 = arith.constant 0 : i32
      %dma_start3A_22 = tpu.memref_slice %arg4[%arg0, %dma_start3A, %dma_start3A_21] : memref<2x10240x128xf32, #tpu.memory_space<hbm>> -> memref<1x10240x128xf32, #tpu.memory_space<hbm>>
      %dma_start3A_23 = tpu.memref_squeeze %dma_start3A_22 : memref<1x10240x128xf32, #tpu.memory_space<hbm>> -> memref<10240x128xf32, #tpu.memory_space<hbm>>
      %dma_start3A_24 = arith.constant 0 : i32
      %dma_start3A_25 = tpu.memref_slice %dma_start3A_23[%mul3A_0, %dma_start3A_24] : memref<10240x128xf32, #tpu.memory_space<hbm>> -> memref<640x128xf32, #tpu.memory_space<hbm>>
      %dma_start3A_26 = arith.constant 0 : i32
      %dma_start3A_27 = tpu.memref_slice %arg7[%mul3A_0, %dma_start3A_26] : memref<10240x128xf32, #tpu.memory_space<vmem_shared>> -> memref<640x128xf32, #tpu.memory_space<vmem_shared>>
      tpu.enqueue_dma source(%dma_start3A_27 : memref<640x128xf32, #tpu.memory_space<vmem_shared>>) target(%dma_start3A_25 : memref<640x128xf32, #tpu.memory_space<hbm>>) target_semaphore(%run_scoped3A : memref<!tpu.dma_semaphore, #tpu.memory_space<semaphore_mem>>)
      %dma_wait3A = arith.constant 0 : i32
      %dma_wait3A_28 = arith.constant 0 : i32
      %dma_wait3A_29 = tpu.memref_slice %arg4[%arg0, %dma_wait3A, %dma_wait3A_28] : memref<2x10240x128xf32, #tpu.memory_space<hbm>> -> memref<1x10240x128xf32, #tpu.memory_space<hbm>>
      %dma_wait3A_30 = tpu.memref_squeeze %dma_wait3A_29 : memref<1x10240x128xf32, #tpu.memory_space<hbm>> -> memref<10240x128xf32, #tpu.memory_space<hbm>>
      %dma_wait3A_31 = arith.constant 0 : i32
      %dma_wait3A_32 = tpu.memref_slice %dma_wait3A_30[%mul3A_0, %dma_wait3A_31] : memref<10240x128xf32, #tpu.memory_space<hbm>> -> memref<640x128xf32, #tpu.memory_space<hbm>>
      %dma_wait3A_33 = arith.constant 0 : i32
      %dma_wait3A_34 = tpu.memref_slice %arg7[%mul3A_0, %dma_wait3A_33] : memref<10240x128xf32, #tpu.memory_space<vmem_shared>> -> memref<640x128xf32, #tpu.memory_space<vmem_shared>>
      tpu.wait_dma2 semaphore(%run_scoped3A : memref<!tpu.dma_semaphore, #tpu.memory_space<semaphore_mem>>) src(%dma_wait3A_34 : memref<640x128xf32, #tpu.memory_space<vmem_shared>>) dst(%dma_wait3A_32 : memref<640x128xf32, #tpu.memory_space<hbm>>)
      tpu.yield
    }) : () -> ()
    return
  }
}

module attributes {stable_mosaic.version = 14 : i64} {
  func.func @_pre_body(%arg0: i32, %arg1: memref<2000x128xf32, #tpu.memory_space<vmem>>, %arg2: memref<128x128xf32, #tpu.memory_space<vmem>>, %arg3: memref<1x128xf32, #tpu.memory_space<vmem>>, %arg4: memref<2000x128xf32, #tpu.memory_space<vmem>>) attributes {dimension_semantics = [#tpu.dimension_semantics<arbitrary>], iteration_bounds = array<i64: 5>, scalar_prefetch = 0 : i64, scratch_operands = 0 : i64, tpu.core_type = #tpu.core_type<tc>, window_params = [{transform_indices = @transform_0, window_bounds = array<i64: 2000, 128>}, {pipeline_mode = #tpu.pipeline_mode<synchronous>, transform_indices = @transform_1, window_bounds = array<i64: 128, 128>}, {pipeline_mode = #tpu.pipeline_mode<synchronous>, transform_indices = @transform_2, window_bounds = array<i64: 1, 128>}, {transform_indices = @transform_3, window_bounds = array<i64: 2000, 128>}]} {
    %get3A = arith.constant 0 : index
    %get3A_0 = arith.constant 0 : index
    %get3A_1 = vector.load %arg1[%get3A, %get3A_0] : memref<2000x128xf32, #tpu.memory_space<vmem>>, vector<2000x128xf32>
    %get3A_2 = arith.constant 0 : index
    %get3A_3 = arith.constant 0 : index
    %get3A_4 = vector.load %arg2[%get3A_2, %get3A_3] : memref<128x128xf32, #tpu.memory_space<vmem>>, vector<128x128xf32>
    %dot_general3A = arith.constant dense<0.000000e+00> : vector<2000x128xf32>
    %dot_general3A_5 = tpu.matmul %get3A_1, %get3A_4, %dot_general3A {dimension_numbers = #tpu.dot_dimension_numbers<[1], [0], [0], [1], [0, 0, 1, 1], [], []>, transpose_lhs_hint = false} : vector<2000x128xf32>, vector<128x128xf32>, vector<2000x128xf32> -> vector<2000x128xf32>
    %get3A_6 = arith.constant 0 : index
    %get3A_7 = arith.constant 0 : index
    %get3A_8 = vector.load %arg3[%get3A_6, %get3A_7] : memref<1x128xf32, #tpu.memory_space<vmem>>, vector<1x128xf32>
    %add3A = vector.broadcast %get3A_8 : vector<1x128xf32> to vector<2000x128xf32>
    %add3A_9 = arith.addf %dot_general3A_5, %add3A : vector<2000x128xf32>
    %max3A = arith.constant 0.000000e+00 : f32
    %max3A_10 = vector.broadcast %max3A : f32 to vector<2000x128xf32>
    %max3A_11 = arith.maximumf %add3A_9, %max3A_10 : vector<2000x128xf32>
    %mul3A = arith.mulf %max3A_11, %max3A_11 : vector<2000x128xf32>
    %reduce_sum3A = arith.constant dense<0.000000e+00> : vector<2000xf32>
    %reduce_sum3A_12 = vector.multi_reduction <add>, %mul3A, %reduce_sum3A [1] : vector<2000x128xf32> to vector<2000xf32>
    %broadcast_in_dim3A = vector.shape_cast %reduce_sum3A_12 : vector<2000xf32> to vector<2000x1xf32>
    %sqrt3A = math.sqrt %broadcast_in_dim3A : vector<2000x1xf32>
    %max3A_13 = arith.constant 9.99999996E-13 : f32
    %max3A_14 = vector.broadcast %max3A_13 : f32 to vector<2000x1xf32>
    %max3A_15 = arith.maximumf %sqrt3A, %max3A_14 : vector<2000x1xf32>
    %div3A = vector.broadcast %max3A_15 : vector<2000x1xf32> to vector<2000x128xf32>
    %div3A_16 = arith.divf %max3A_11, %div3A : vector<2000x128xf32>
    %swap3A = arith.constant 0 : index
    %swap3A_17 = arith.constant 0 : index
    %swap3A_18 = vector.load %arg4[%swap3A, %swap3A_17] : memref<2000x128xf32, #tpu.memory_space<vmem>>, vector<2000x128xf32>
    tpu.vector_store %arg4[%swap3A, %swap3A_17], %div3A_16 {strides = array<i32>} : memref<2000x128xf32, #tpu.memory_space<vmem>>, vector<2000x128xf32>,
    return
  }
  func.func @transform_0(%arg0: i32) -> (i32, i32) {
    %c0_i32 = arith.constant 0 : i32
    %c0_i32_0 = arith.constant 0 : i32
    return %arg0, %c0_i32 : i32, i32
  }
  func.func @transform_1(%arg0: i32) -> (i32, i32) {
    %c0_i32 = arith.constant 0 : i32
    %c0_i32_0 = arith.constant 0 : i32
    %c0_i32_1 = arith.constant 0 : i32
    return %c0_i32, %c0_i32_0 : i32, i32
  }
  func.func @transform_2(%arg0: i32) -> (i32, i32) {
    %c0_i32 = arith.constant 0 : i32
    %c0_i32_0 = arith.constant 0 : i32
    %c0_i32_1 = arith.constant 0 : i32
    return %c0_i32, %c0_i32_0 : i32, i32
  }
  func.func @transform_3(%arg0: i32) -> (i32, i32) {
    %c0_i32 = arith.constant 0 : i32
    %c0_i32_0 = arith.constant 0 : i32
    return %arg0, %c0_i32 : i32, i32
  }
}

module attributes {stable_mosaic.version = 14 : i64} {
  func.func @_combine_body(%arg0: i32, %arg1: memref<2x2000x128xf32, #tpu.memory_space<vmem>>, %arg2: memref<2000x128xf32, #tpu.memory_space<vmem>>, %arg3: memref<128x128xf32, #tpu.memory_space<vmem>>, %arg4: memref<128x128xf32, #tpu.memory_space<vmem>>, %arg5: memref<1x128xf32, #tpu.memory_space<vmem>>, %arg6: memref<2000x128xf32, #tpu.memory_space<vmem>>) attributes {dimension_semantics = [#tpu.dimension_semantics<arbitrary>], iteration_bounds = array<i64: 5>, scalar_prefetch = 0 : i64, scratch_operands = 0 : i64, tpu.core_type = #tpu.core_type<tc>, window_params = [{transform_indices = @transform_0, window_bounds = array<i64: 2, 2000, 128>}, {transform_indices = @transform_1, window_bounds = array<i64: 2000, 128>}, {pipeline_mode = #tpu.pipeline_mode<synchronous>, transform_indices = @transform_2, window_bounds = array<i64: 128, 128>}, {pipeline_mode = #tpu.pipeline_mode<synchronous>, transform_indices = @transform_3, window_bounds = array<i64: 128, 128>}, {pipeline_mode = #tpu.pipeline_mode<synchronous>, transform_indices = @transform_4, window_bounds = array<i64: 1, 128>}, {transform_indices = @transform_5, window_bounds = array<i64: 2000, 128>}]} {
    %get3A = arith.constant 0 : index
    %get3A_0 = arith.constant 0 : index
    %get3A_1 = arith.constant 0 : index
    %get3A_2 = vector.load %arg1[%get3A, %get3A_0, %get3A_1] : memref<2x2000x128xf32, #tpu.memory_space<vmem>>, vector<1x2000x128xf32>
    %get3A_3 = vector.shape_cast %get3A_2 : vector<1x2000x128xf32> to vector<2000x128xf32>
    %get3A_4 = arith.constant 1 : index
    %get3A_5 = arith.constant 0 : index
    %get3A_6 = arith.constant 0 : index
    %get3A_7 = vector.load %arg1[%get3A_4, %get3A_5, %get3A_6] : memref<2x2000x128xf32, #tpu.memory_space<vmem>>, vector<1x2000x128xf32>
    %get3A_8 = vector.shape_cast %get3A_7 : vector<1x2000x128xf32> to vector<2000x128xf32>
    %add3A = arith.addf %get3A_3, %get3A_8 : vector<2000x128xf32>
    %get3A_9 = arith.constant 0 : index
    %get3A_10 = arith.constant 0 : index
    %get3A_11 = vector.load %arg3[%get3A_9, %get3A_10] : memref<128x128xf32, #tpu.memory_space<vmem>>, vector<128x128xf32>
    %dot_general3A = arith.constant dense<0.000000e+00> : vector<2000x128xf32>
    %dot_general3A_12 = tpu.matmul %add3A, %get3A_11, %dot_general3A {dimension_numbers = #tpu.dot_dimension_numbers<[1], [0], [0], [1], [0, 0, 1, 1], [], []>, transpose_lhs_hint = false} : vector<2000x128xf32>, vector<128x128xf32>, vector<2000x128xf32> -> vector<2000x128xf32>
    %get3A_13 = arith.constant 0 : index
    %get3A_14 = arith.constant 0 : index
    %get3A_15 = vector.load %arg2[%get3A_13, %get3A_14] : memref<2000x128xf32, #tpu.memory_space<vmem>>, vector<2000x128xf32>
    %get3A_16 = arith.constant 0 : index
    %get3A_17 = arith.constant 0 : index
    %get3A_18 = vector.load %arg4[%get3A_16, %get3A_17] : memref<128x128xf32, #tpu.memory_space<vmem>>, vector<128x128xf32>
    %dot_general3A_19 = arith.constant dense<0.000000e+00> : vector<2000x128xf32>
    %dot_general3A_20 = tpu.matmul %get3A_15, %get3A_18, %dot_general3A_19 {dimension_numbers = #tpu.dot_dimension_numbers<[1], [0], [0], [1], [0, 0, 1, 1], [], []>, transpose_lhs_hint = false} : vector<2000x128xf32>, vector<128x128xf32>, vector<2000x128xf32> -> vector<2000x128xf32>
    %add3A_21 = arith.addf %dot_general3A_12, %dot_general3A_20 : vector<2000x128xf32>
    %get3A_22 = arith.constant 0 : index
    %get3A_23 = arith.constant 0 : index
    %get3A_24 = vector.load %arg5[%get3A_22, %get3A_23] : memref<1x128xf32, #tpu.memory_space<vmem>>, vector<1x128xf32>
    %add3A_25 = vector.broadcast %get3A_24 : vector<1x128xf32> to vector<2000x128xf32>
    %add3A_26 = arith.addf %add3A_21, %add3A_25 : vector<2000x128xf32>
    %mul3A = arith.mulf %add3A_26, %add3A_26 : vector<2000x128xf32>
    %reduce_sum3A = arith.constant dense<0.000000e+00> : vector<2000xf32>
    %reduce_sum3A_27 = vector.multi_reduction <add>, %mul3A, %reduce_sum3A [1] : vector<2000x128xf32> to vector<2000xf32>
    %broadcast_in_dim3A = vector.shape_cast %reduce_sum3A_27 : vector<2000xf32> to vector<2000x1xf32>
    %sqrt3A = math.sqrt %broadcast_in_dim3A : vector<2000x1xf32>
    %max3A = arith.constant 9.99999996E-13 : f32
    %max3A_28 = vector.broadcast %max3A : f32 to vector<2000x1xf32>
    %max3A_29 = arith.maximumf %sqrt3A, %max3A_28 : vector<2000x1xf32>
    %div3A = vector.broadcast %max3A_29 : vector<2000x1xf32> to vector<2000x128xf32>
    %div3A_30 = arith.divf %add3A_26, %div3A : vector<2000x128xf32>
    %max3A_31 = arith.constant 0.000000e+00 : f32
    %max3A_32 = vector.broadcast %max3A_31 : f32 to vector<2000x128xf32>
    %max3A_33 = arith.maximumf %div3A_30, %max3A_32 : vector<2000x128xf32>
    %swap3A = arith.constant 0 : index
    %swap3A_34 = arith.constant 0 : index
    %swap3A_35 = vector.load %arg6[%swap3A, %swap3A_34] : memref<2000x128xf32, #tpu.memory_space<vmem>>, vector<2000x128xf32>
    tpu.vector_store %arg6[%swap3A, %swap3A_34], %max3A_33 {strides = array<i32>} : memref<2000x128xf32, #tpu.memory_space<vmem>>, vector<2000x128xf32>,
    return
  }
  func.func @transform_0(%arg0: i32) -> (i32, i32, i32) {
    %c0_i32 = arith.constant 0 : i32
    %c0_i32_0 = arith.constant 0 : i32
    %c0_i32_1 = arith.constant 0 : i32
    return %c0_i32, %arg0, %c0_i32_0 : i32, i32, i32
  }
  func.func @transform_1(%arg0: i32) -> (i32, i32) {
    %c0_i32 = arith.constant 0 : i32
    %c0_i32_0 = arith.constant 0 : i32
    return %arg0, %c0_i32 : i32, i32
  }
  func.func @transform_2(%arg0: i32) -> (i32, i32) {
    %c0_i32 = arith.constant 0 : i32
    %c0_i32_0 = arith.constant 0 : i32
    %c0_i32_1 = arith.constant 0 : i32
    return %c0_i32, %c0_i32_0 : i32, i32
  }
  func.func @transform_3(%arg0: i32) -> (i32, i32) {
    %c0_i32 = arith.constant 0 : i32
    %c0_i32_0 = arith.constant 0 : i32
    %c0_i32_1 = arith.constant 0 : i32
    return %c0_i32, %c0_i32_0 : i32, i32
  }
  func.func @transform_4(%arg0: i32) -> (i32, i32) {
    %c0_i32 = arith.constant 0 : i32
    %c0_i32_0 = arith.constant 0 : i32
    %c0_i32_1 = arith.constant 0 : i32
    return %c0_i32, %c0_i32_0 : i32, i32
  }
  func.func @transform_5(%arg0: i32) -> (i32, i32) {
    %c0_i32 = arith.constant 0 : i32
    %c0_i32_0 = arith.constant 0 : i32
    return %arg0, %c0_i32 : i32, i32
  }
}

module attributes {stable_mosaic.version = 14 : i64} {
  func.func @_final_body(%arg0: i32, %arg1: memref<2x2000x128xf32, #tpu.memory_space<vmem>>, %arg2: memref<2000x128xf32, #tpu.memory_space<vmem>>, %arg3: memref<128x128xf32, #tpu.memory_space<vmem>>, %arg4: memref<128x128xf32, #tpu.memory_space<vmem>>, %arg5: memref<1x128xf32, #tpu.memory_space<vmem>>, %arg6: memref<128x64xf32, #tpu.memory_space<vmem>>, %arg7: memref<1x64xf32, #tpu.memory_space<vmem>>, %arg8: memref<2000x64xf32, #tpu.memory_space<vmem>>) attributes {dimension_semantics = [#tpu.dimension_semantics<arbitrary>], iteration_bounds = array<i64: 5>, scalar_prefetch = 0 : i64, scratch_operands = 0 : i64, tpu.core_type = #tpu.core_type<tc>, window_params = [{transform_indices = @transform_0, window_bounds = array<i64: 2, 2000, 128>}, {transform_indices = @transform_1, window_bounds = array<i64: 2000, 128>}, {pipeline_mode = #tpu.pipeline_mode<synchronous>, transform_indices = @transform_2, window_bounds = array<i64: 128, 128>}, {pipeline_mode = #tpu.pipeline_mode<synchronous>, transform_indices = @transform_3, window_bounds = array<i64: 128, 128>}, {pipeline_mode = #tpu.pipeline_mode<synchronous>, transform_indices = @transform_4, window_bounds = array<i64: 1, 128>}, {pipeline_mode = #tpu.pipeline_mode<synchronous>, transform_indices = @transform_5, window_bounds = array<i64: 128, 64>}, {pipeline_mode = #tpu.pipeline_mode<synchronous>, transform_indices = @transform_6, window_bounds = array<i64: 1, 64>}, {transform_indices = @transform_7, window_bounds = array<i64: 2000, 64>}]} {
    %get3A = arith.constant 0 : index
    %get3A_0 = arith.constant 0 : index
    %get3A_1 = arith.constant 0 : index
    %get3A_2 = vector.load %arg1[%get3A, %get3A_0, %get3A_1] : memref<2x2000x128xf32, #tpu.memory_space<vmem>>, vector<1x2000x128xf32>
    %get3A_3 = vector.shape_cast %get3A_2 : vector<1x2000x128xf32> to vector<2000x128xf32>
    %get3A_4 = arith.constant 1 : index
    %get3A_5 = arith.constant 0 : index
    %get3A_6 = arith.constant 0 : index
    %get3A_7 = vector.load %arg1[%get3A_4, %get3A_5, %get3A_6] : memref<2x2000x128xf32, #tpu.memory_space<vmem>>, vector<1x2000x128xf32>
    %get3A_8 = vector.shape_cast %get3A_7 : vector<1x2000x128xf32> to vector<2000x128xf32>
    %add3A = arith.addf %get3A_3, %get3A_8 : vector<2000x128xf32>
    %get3A_9 = arith.constant 0 : index
    %get3A_10 = arith.constant 0 : index
    %get3A_11 = vector.load %arg3[%get3A_9, %get3A_10] : memref<128x128xf32, #tpu.memory_space<vmem>>, vector<128x128xf32>
    %dot_general3A = arith.constant dense<0.000000e+00> : vector<2000x128xf32>
    %dot_general3A_12 = tpu.matmul %add3A, %get3A_11, %dot_general3A {dimension_numbers = #tpu.dot_dimension_numbers<[1], [0], [0], [1], [0, 0, 1, 1], [], []>, transpose_lhs_hint = false} : vector<2000x128xf32>, vector<128x128xf32>, vector<2000x128xf32> -> vector<2000x128xf32>
    %get3A_13 = arith.constant 0 : index
    %get3A_14 = arith.constant 0 : index
    %get3A_15 = vector.load %arg2[%get3A_13, %get3A_14] : memref<2000x128xf32, #tpu.memory_space<vmem>>, vector<2000x128xf32>
    %get3A_16 = arith.constant 0 : index
    %get3A_17 = arith.constant 0 : index
    %get3A_18 = vector.load %arg4[%get3A_16, %get3A_17] : memref<128x128xf32, #tpu.memory_space<vmem>>, vector<128x128xf32>
    %dot_general3A_19 = arith.constant dense<0.000000e+00> : vector<2000x128xf32>
    %dot_general3A_20 = tpu.matmul %get3A_15, %get3A_18, %dot_general3A_19 {dimension_numbers = #tpu.dot_dimension_numbers<[1], [0], [0], [1], [0, 0, 1, 1], [], []>, transpose_lhs_hint = false} : vector<2000x128xf32>, vector<128x128xf32>, vector<2000x128xf32> -> vector<2000x128xf32>
    %add3A_21 = arith.addf %dot_general3A_12, %dot_general3A_20 : vector<2000x128xf32>
    %get3A_22 = arith.constant 0 : index
    %get3A_23 = arith.constant 0 : index
    %get3A_24 = vector.load %arg5[%get3A_22, %get3A_23] : memref<1x128xf32, #tpu.memory_space<vmem>>, vector<1x128xf32>
    %add3A_25 = vector.broadcast %get3A_24 : vector<1x128xf32> to vector<2000x128xf32>
    %add3A_26 = arith.addf %add3A_21, %add3A_25 : vector<2000x128xf32>
    %mul3A = arith.mulf %add3A_26, %add3A_26 : vector<2000x128xf32>
    %reduce_sum3A = arith.constant dense<0.000000e+00> : vector<2000xf32>
    %reduce_sum3A_27 = vector.multi_reduction <add>, %mul3A, %reduce_sum3A [1] : vector<2000x128xf32> to vector<2000xf32>
    %broadcast_in_dim3A = vector.shape_cast %reduce_sum3A_27 : vector<2000xf32> to vector<2000x1xf32>
    %sqrt3A = math.sqrt %broadcast_in_dim3A : vector<2000x1xf32>
    %max3A = arith.constant 9.99999996E-13 : f32
    %max3A_28 = vector.broadcast %max3A : f32 to vector<2000x1xf32>
    %max3A_29 = arith.maximumf %sqrt3A, %max3A_28 : vector<2000x1xf32>
    %div3A = vector.broadcast %max3A_29 : vector<2000x1xf32> to vector<2000x128xf32>
    %div3A_30 = arith.divf %add3A_26, %div3A : vector<2000x128xf32>
    %max3A_31 = arith.constant 0.000000e+00 : f32
    %max3A_32 = vector.broadcast %max3A_31 : f32 to vector<2000x128xf32>
    %max3A_33 = arith.maximumf %div3A_30, %max3A_32 : vector<2000x128xf32>
    %get3A_34 = arith.constant 0 : index
    %get3A_35 = arith.constant 0 : index
    %get3A_36 = vector.load %arg6[%get3A_34, %get3A_35] : memref<128x64xf32, #tpu.memory_space<vmem>>, vector<128x64xf32>
    %dot_general3A_37 = arith.constant dense<0.000000e+00> : vector<2000x64xf32>
    %dot_general3A_38 = tpu.matmul %max3A_33, %get3A_36, %dot_general3A_37 {dimension_numbers = #tpu.dot_dimension_numbers<[1], [0], [0], [1], [0, 0, 1, 1], [], []>, transpose_lhs_hint = false} : vector<2000x128xf32>, vector<128x64xf32>, vector<2000x64xf32> -> vector<2000x64xf32>
    %get3A_39 = arith.constant 0 : index
    %get3A_40 = arith.constant 0 : index
    %get3A_41 = vector.load %arg7[%get3A_39, %get3A_40] : memref<1x64xf32, #tpu.memory_space<vmem>>, vector<1x64xf32>
    %add3A_42 = vector.broadcast %get3A_41 : vector<1x64xf32> to vector<2000x64xf32>
    %add3A_43 = arith.addf %dot_general3A_38, %add3A_42 : vector<2000x64xf32>
    %reduce_max3A = arith.constant dense<0xFF800000> : vector<2000xf32>
    %reduce_max3A_44 = vector.multi_reduction <maximumf>, %add3A_43, %reduce_max3A [1] : vector<2000x64xf32> to vector<2000xf32>
    %broadcast_in_dim3A_45 = vector.shape_cast %reduce_max3A_44 : vector<2000xf32> to vector<2000x1xf32>
    %sub3A = vector.broadcast %broadcast_in_dim3A_45 : vector<2000x1xf32> to vector<2000x64xf32>
    %sub3A_46 = arith.subf %add3A_43, %sub3A : vector<2000x64xf32>
    %exp3A = math.exp %sub3A_46 : vector<2000x64xf32>
    %reduce_sum3A_47 = arith.constant dense<0.000000e+00> : vector<2000xf32>
    %reduce_sum3A_48 = vector.multi_reduction <add>, %exp3A, %reduce_sum3A_47 [1] : vector<2000x64xf32> to vector<2000xf32>
    %broadcast_in_dim3A_49 = vector.shape_cast %reduce_sum3A_48 : vector<2000xf32> to vector<2000x1xf32>
    %log3A = math.log %broadcast_in_dim3A_49 : vector<2000x1xf32>
    %add3A_50 = arith.addf %broadcast_in_dim3A_45, %log3A : vector<2000x1xf32>
    %sub3A_51 = vector.broadcast %add3A_50 : vector<2000x1xf32> to vector<2000x64xf32>
    %sub3A_52 = arith.subf %add3A_43, %sub3A_51 : vector<2000x64xf32>
    %swap3A = arith.constant 0 : index
    %swap3A_53 = arith.constant 0 : index
    %swap3A_54 = vector.load %arg8[%swap3A, %swap3A_53] : memref<2000x64xf32, #tpu.memory_space<vmem>>, vector<2000x64xf32>
    tpu.vector_store %arg8[%swap3A, %swap3A_53], %sub3A_52 {strides = array<i32>} : memref<2000x64xf32, #tpu.memory_space<vmem>>, vector<2000x64xf32>,
    return
  }
  func.func @transform_0(%arg0: i32) -> (i32, i32, i32) {
    %c0_i32 = arith.constant 0 : i32
    %c0_i32_0 = arith.constant 0 : i32
    %c0_i32_1 = arith.constant 0 : i32
    return %c0_i32, %arg0, %c0_i32_0 : i32, i32, i32
  }
  func.func @transform_1(%arg0: i32) -> (i32, i32) {
    %c0_i32 = arith.constant 0 : i32
    %c0_i32_0 = arith.constant 0 : i32
    return %arg0, %c0_i32 : i32, i32
  }
  func.func @transform_2(%arg0: i32) -> (i32, i32) {
    %c0_i32 = arith.constant 0 : i32
    %c0_i32_0 = arith.constant 0 : i32
    %c0_i32_1 = arith.constant 0 : i32
    return %c0_i32, %c0_i32_0 : i32, i32
  }
  func.func @transform_3(%arg0: i32) -> (i32, i32) {
    %c0_i32 = arith.constant 0 : i32
    %c0_i32_0 = arith.constant 0 : i32
    %c0_i32_1 = arith.constant 0 : i32
    return %c0_i32, %c0_i32_0 : i32, i32
  }
  func.func @transform_4(%arg0: i32) -> (i32, i32) {
    %c0_i32 = arith.constant 0 : i32
    %c0_i32_0 = arith.constant 0 : i32
    %c0_i32_1 = arith.constant 0 : i32
    return %c0_i32, %c0_i32_0 : i32, i32
  }
  func.func @transform_5(%arg0: i32) -> (i32, i32) {
    %c0_i32 = arith.constant 0 : i32
    %c0_i32_0 = arith.constant 0 : i32
    %c0_i32_1 = arith.constant 0 : i32
    return %c0_i32, %c0_i32_0 : i32, i32
  }
  func.func @transform_6(%arg0: i32) -> (i32, i32) {
    %c0_i32 = arith.constant 0 : i32
    %c0_i32_0 = arith.constant 0 : i32
    %c0_i32_1 = arith.constant 0 : i32
    return %c0_i32, %c0_i32_0 : i32, i32
  }
  func.func @transform_7(%arg0: i32) -> (i32, i32) {
    %c0_i32 = arith.constant 0 : i32
    %c0_i32_0 = arith.constant 0 : i32
    return %arg0, %c0_i32 : i32, i32
  }
}

</mosaic_0001>

<sc_bundles>
// kernel: kernel.10.cloned.1.call-start
scs
__scs_entry_jumppad:
0x0: {  	(pc) =	sbr.rel $0x88, $3  }
0x1: {  	(tag) =	ssettag $0x0;
	lr =	simm.s32 $0x1  }
0x2: {  	[smem:$0x3F95] =	sst lr;
	_ =	strace $0xD0000000  }
0x3: {  	_ = 	snop  }
0x4: {  	_ = 	snop  }
0x5: {  	_ = 	snop  }
0x6: {  	_ = 	snop  }
0x7: {  	_ = 	snop  }
__scs_overlays_trampoline_lowered:
0x8: {  	[smem:$0x3FA4] =	sst s0  }
0x9: {  	[smem:$0x3FA5] =	sst s1  }
0xa: {  	[smem:$0x3FA6] =	sst s2  }
0xb: {  	[smem:$0x3FA7] =	sst s3  }
0xc: {  	[smem:$0x3FA8] =	sst s4  }
0xd: {  	[smem:$0x3FA9] =	sst s5  }
0xe: {  	[smem:$0x3FAA] =	sst s6  }
0xf: {  	[smem:$0x3FAB] =	sst s7  }
0x10: {  	[smem:$0x3FAC] =	sst s8  }
0x11: {  	[smem:$0x3FAD] =	sst s9;
	s0 =	simm.s32 @!p0 $0x0  }
0x12: {  	s1 =	sld [smem:$0x3F93];
	s0 =	simm.s32 @p0 $0x1  }
0x13: {  	[smem:$0x3FAE] =	sst s0;
	s0 =	simm.s32 @!p1 $0x0  }
0x14: {  	s2 =	sld [smem:$0x3F92];
	s0 =	simm.s32 @p1 $0x1  }
0x15: {  	[smem:$0x3FAF] =	sst s0;
	s0 =	simm.s32 @!p2 $0x0  }
0x16: {  	s3 =	sld [smem:$0x3FDB];
	s0 =	simm.s32 @p2 $0x1  }
0x17: {  	s4 =	simm.s32 $0x1BF5;
	[smem:$0x3FB1] =	sst s0  }
0x18: {  	s0 =	sld [smem:$0x3F94];
	_ =	swait.ge [sflag:s4], $0x0  }
0x19: {  	s7 =	sld [smem:$0x3F95]  }
0x1a: {  	s8 =	sadd.s32 $0xFFFFE003, lr  }
0x1b: {  	s9 =	sadd.s32 $0xFFFFFEF7, lr;
	s5 =	simm.s32 $0xFFFFFFFF;
	p2 =	slt.u32 s8, $0xFFFFF086  }
0x1c: {  	p1 =	slt.u32 s9, $0xF7A;
	s5 =	simm.s32 @!p2 $0x0  }
0x1d: {  	s5 =	simm.s32 @p1 $0x1;
	p0 =	seq.s32 s7, s2  }
0x1e: {  	s7 =	smul.u32 @!p0 $0xF7A, s2;
	p2 =	seq.s32 @!p0 s5, $0x0  }
0x1f: {  	s9 =	smul.u32 $0xF7A, s1;
	s8 =	simm.s32 @!p0 $0x1BF5;
	p2 =	por !p2, p0  }
0x20: {  	[sflag:s8] =	ssyncset.s32 @!p0 $0xFFFFF086;
	s6 =	sadd.s32 @!p0 s3, s7;
	s7 =	simm.s32 @!p0 $0x108  }
0x21: {  	s3 =	sadd.s32 s3, s9;
	s6 =	sadd.s32 @!p0 $0x88, s6;
	s7 =	simm.s32 @p2 $0x1082  }
0x22: {  	[simem:s7], [sflag:s8] =	dma.local @!p0 [hbm:s6], $0xF7A  }
0x23: {  	s9 =	sor.u32 $0xD0000000, s2;
	s6 =	simm.s32 $0x108;
	_ =	swait.ge @!p0 [sflag:s8], $0x0  }
0x24: {  	s3 =	sadd.s32 $0x88, s3;
	s6 =	simm.s32 @!p1 $0x1082;
	[sflag:s4] =	ssyncset.s32 $0xFFFFF086  }
0x25: {  	[simem:s6], [sflag:s4] =	dma.local [hbm:s3], $0xF7A  }
0x26: {  	[smem:$0x3F95] =	sst s1;
	(tag) =	ssettag s2;
	_ =	strace s9  }
0x27: {  	s1 =	sld [smem:$0x3FA5]  }
0x28: {  	s2 =	sld [smem:$0x3FA6]  }
0x29: {  	s4 =	sld [smem:$0x3FA8]  }
0x2a: {  	p0 =	seq.s32 s5, $0x0;
	s5 =	sld [smem:$0x3FA9]  }
0x2b: {  	s6 =	sld [smem:$0x3FAA]  }
0x2c: {  	s7 =	sld [smem:$0x3FAB]  }
0x2d: {  	s3 =	simm.s32 $0x108;
	s8 =	sld [smem:$0x3FAC]  }
0x2e: {  	s3 =	simm.s32 @!p0 $0x1082;
	s9 =	sld [smem:$0x3FAD]  }
0x2f: {  	lr =	sadd.s32 s0, s3;
	s0 =	sld [smem:$0x3FA4]  }
0x30: {  	s3 =	sld [smem:$0x3FA7]  }
0x31: {  	[smem:$0x3FB0] =	sst s10  }
0x32: {  	s10 =	sld [smem:$0x3FAE];
	_ =	sdelay $0x3  }
0x33: {  	p0 =	seq.s32 s10, $0x1;
	s10 =	sld [smem:$0x3FB0];
	_ =	sdelay $0x3  }
0x34: {  	[smem:$0x3FB0] =	sst s10  }
0x35: {  	s10 =	sld [smem:$0x3FAF];
	_ =	sdelay $0x3  }
0x36: {  	p1 =	seq.s32 s10, $0x1;
	s10 =	sld [smem:$0x3FB0];
	_ =	sdelay $0x3  }
0x37: {  	[smem:$0x3FB0] =	sst s10  }
0x38: {  	s10 =	sld [smem:$0x3FB1]  }
0x39: {  	_ = 	snop;
	(pc) =	sbr.ind lr, $3  }
0x3a: {  	_ = 	snop  }
0x3b: {  	_ = 	snop  }
0x3c: {  	p2 =	seq.s32 s10, $0x1;
	s10 =	sld [smem:$0x3FB0]  }
0x3d: {  	_ =	shalt  }
0x3e: {  	_ =	shalt  }
0x3f: {  	_ =	shalt  }
0x40: {  	_ =	shalt  }
0x41: {  	_ =	shalt  }
0x42: {  	_ =	shalt  }
0x43: {  	_ =	shalt  }
0x44: {  	_ =	shalt  }
0x45: {  	_ =	shalt  }
0x46: {  	_ =	shalt  }
0x47: {  	_ =	shalt  }
0x48: {  	_ =	shalt  }
0x49: {  	_ =	shalt  }
0x4a: {  	_ =	shalt  }
0x4b: {  	_ =	shalt  }
0x4c: {  	_ =	shalt  }
0x4d: {  	_ =	shalt  }
0x4e: {  	_ =	shalt  }
0x4f: {  	_ =	shalt  }
0x50: {  	_ =	shalt  }
0x51: {  	_ =	shalt  }
0x52: {  	_ =	shalt  }
0x53: {  	_ =	shalt  }
0x54: {  	_ =	shalt  }
0x55: {  	_ =	shalt  }
0x56: {  	_ =	shalt  }
0x57: {  	_ =	shalt  }
0x58: {  	_ =	shalt  }
0x59: {  	_ =	shalt  }
0x5a: {  	_ =	shalt  }
0x5b: {  	_ =	shalt  }
0x5c: {  	_ =	shalt  }
0x5d: {  	_ =	shalt  }
0x5e: {  	_ =	shalt  }
0x5f: {  	_ =	shalt  }
0x60: {  	_ =	shalt  }
0x61: {  	_ =	shalt  }
0x62: {  	_ =	shalt  }
0x63: {  	_ =	shalt  }
0x64: {  	_ =	shalt  }
0x65: {  	_ =	shalt  }
0x66: {  	_ =	shalt  }
0x67: {  	_ =	shalt  }
0x68: {  	_ =	shalt  }
0x69: {  	_ =	shalt  }
0x6a: {  	_ =	shalt  }
0x6b: {  	_ =	shalt  }
0x6c: {  	_ =	shalt  }
0x6d: {  	_ =	shalt  }
0x6e: {  	_ =	shalt  }
0x6f: {  	_ =	shalt  }
0x70: {  	_ =	shalt  }
0x71: {  	_ =	shalt  }
0x72: {  	_ =	shalt  }
0x73: {  	_ =	shalt  }
0x74: {  	_ =	shalt  }
0x75: {  	_ =	shalt  }
0x76: {  	_ =	shalt  }
0x77: {  	_ =	shalt  }
0x78: {  	_ =	shalt  }
0x79: {  	_ =	shalt  }
0x7a: {  	_ =	shalt  }
0x7b: {  	_ =	shalt  }
0x7c: {  	_ =	shalt  }
0x7d: {  	_ =	shalt  }
0x7e: {  	_ =	shalt  }
0x7f: {  	_ =	shalt  }
0x80: {  	_ =	shalt  }
0x81: {  	_ =	shalt  }
0x82: {  	_ =	shalt  }
0x83: {  	_ =	shalt  }
0x84: {  	_ =	shalt  }
0x85: {  	_ =	shalt  }
0x86: {  	_ =	shalt  }
0x87: {  	_ =	shalt  }
.Lfunc_end0:
.L_simem_size_0:
called_computation.1_lowered:
.L_overlay_start_0:
0x88: {  	s2 =	sld [smem:$0x3FD9]  }
0x89: {  	s3 =	sld [smem:$0x3FFE];
	_ =	sdelay $0x1  }
0x8a: {  	s1 =	srdreg.scid  }
0x8b: {  	s0 =	sand.u32 $0x1, s1  }
0x8c: {  	s16 =	sshll.u32 s0, $0xA;
	s2 =	sadd.s32 s3, s2  }
0x8d: {  	s2 =	sadd.s32 s2, s16  }
0x8e: {  	[smem:$0x3FBC] =	sst s2  }
0x8f: {  	_ = 	snop  }
0x90: {  	(tm) =	ssettm $0x1  }
0x91: {  	s17 =	sld [smem:$0x3FFB];
	_ =	sdelay $0x3  }
0x92: {  	_ =	strace s17  }
0x93: {  	s2 =	sld [smem:$0x3FFC];
	_ =	sdelay $0x3  }
0x94: {  	_ =	strace s2  }
0x95: {  	s2 =	sld [smem:$0x3FFD];
	_ =	sdelay $0x3  }
0x96: {  	_ =	strace s2  }
0x97: {  	_ =	strace $0x8FFFFFFF  }
0x98: {  	s18 =	sld [smem:$0x3FDB];
	_ =	sdelay $0x1  }
0x99: {  	s19 =	simm.s32 $_scs_section_size  }
0x9a: {  	s4 =	simm.s32 $_size__tile_overlayer_lowered;
	s5 =	simm.s32 $_tile_overlayer_lowered  }
0x9b: {  	s22 =	simm.s32 $0x1BFF;
	s21 =	sshll.u32 s5, $0x1;
	s2 =	sadd.s32 s19, s18  }
0x9c: {  	s6 =	simm.s32 $0x0;
	s20 =	sshll.u32 s4, $0x1;
	s4 =	sadd.s32 s21, s2  }
0x9d: {  	[timem:s6], [sflag:s22] =	dma.local [hbm:s4], s20  }
0x9e: {  	_ =	swait.ge [sflag:s22], s20  }
0x9f: {  	s3 =	ssub.s32 $0x0, s20;
	[sflag:s22] =	ssyncset.done $0x0  }
0xa0: {  	[sflag:s22] =	ssyncadd.s32 s3;
	_ =	sdelay $0x1  }
0xa1: {  	s23 =	simm.s32 $0x1B8B  }
0xa2: {  	_ =	swait.ge [sflag:s23], $0x1  }
0xa3: {  	[sflag:s23] =	ssyncset.done $0x0  }
0xa4: {  	s25 =	simm.s32 $0x1B8E;
	s24 =	sld [smem:$0x3FFE];
	[sflag:s23] =	ssyncadd.s32 $0xFFFFFFFF  }
0xa5: {  	s26 =	simm.s32 $execute0_lowered;
	[smem:$0x3FD2] =	sst s25  }
0xa6: {  	s4 =	sshll.u32 s26, $0x1;
	_ =	strace $0x80000049;
	[dreg:$0x1] =	wrdreg $0xFFFFFFFF  }
0xa7: {  	s28 =	simm.s32 $_size_execute0_lowered;
	s2 =	sadd.s32 s2, s4;
	[dreg:$0x0] =	wrdreg $0x0  }
0xa8: {  	s4 =	sshll.u32 s28, $0x1;
	[dreg:$0x2] =	wrdreg s2  }
0xa9: {  	[dreg:$0x3] =	wrdreg s4  }
0xaa: {  	[dreg:$0x4] =	wrdreg $0xC0  }
0xab: {  	_ =	task [dreg:s6], $0x5FFFF  }
0xac: {  	[dreg:$0x1] =	wrdreg $0xFFFFFFFF  }
0xad: {  	[dreg:$0x0] =	wrdreg $0x60  }
0xae: {  	[dreg:$0x2] =	wrdreg s24  }
0xaf: {  	[dreg:$0x3] =	wrdreg $0xAC000  }
0xb0: {  	[dreg:$0x4] =	wrdreg $0x9  }
0xb1: {  	_ =	task.clear_ibuf [dreg:s6], $0x5FFFF;
	_ =	strace $0x90000049  }
0xb2: {  	s29 =	simm.s32 $0x9;
	_ =	strace $0x8000004B  }
0xb3: {  	_ =	swait.ge [sflag:s29], $0x1  }
0xb4: {  	[sflag:s29] =	ssyncadd.s32 $0xFFFFFFFF  }
0xb5: {  	_ =	strace $0x9000004B  }
0xb6: {  	_ =	sfence  }
0xb7: {  	s30 =	sld [smem:$0x0];
	_ =	sdelay $0x2  }
0xb8: {  	s31 =	sshll.u32 s1, $0xD;
	s1 =	sshrl.u32 s1, $0x2  }
0xb9: {  	s3 =	sand.u32 $0x4000, s31;
	s1 =	sadd.s32 s1, s30  }
0xba: {  	s0 =	sor.u32 s3, s0;
	s1 =	sshll.u32 s1, $0x11  }
0xbb: {  	s0 =	sor.u32 s1, s0  }
0xbc: {  	s0 =	sadd.s32 $0x8F2B, s0  }
0xbd: {  	[sflag:s0] =	ssyncadd.remote.s32 $0x1  }
0xbe: {  	_ =	sfence.sel $0xFFFF  }
0xbf: {  	[dreg:$0x0] =	wrdreg $0xFFFFFFFF;
	(pc) =	sbr.abs _section_cstart, $3  }
0xc0: {  	[dreg:$0x1] =	wrdreg $0xFFFFFFFF  }
0xc1: {  	_ =	task.clear_ibuf [dreg:s6], $0x2FFFF;
	_ =	strace $0x9FFFFFFF  }
0xc2: {  	(tm) =	ssettm $0x7FFFFFFF  }
0xc3: {  	_ =	shalt  }
tec
execute0_lowered:
.L_overlay_start_1:
0x0: {  	(tag) =	ssettag $0x1  }
0x1: {  	s0 =	rddreg [dreg:$0x0]  }
0x2: {  	s1 =	rddreg [dreg:$0x1];
	s2 =	simm.s32 $0x0;
	s3 =	srdreg.scid  }
0x3: {  	s11 =	stileid.u32;
	s14 =	simm.s32 $0x480;
	s16 =	simm.s32 $0x100  }
0x4: {  	s18 =	simm.s32 $0x500;
	s20 =	simm.s32 $0x180;
	s21 =	simm.s32 $0x580  }
0x5: {  	s22 =	simm.s32 $0x200;
	s28 =	simm.s32 $0x2;
	s29 =	simm.s32 $0x7800  }
0x6: {  	s30 =	simm.s32 $0x3;
	s31 =	simm.s32 $0x4;
	[smem:$0x7FF] =	sst s2  }
0x7: {  	s3 =	sand.u32 $0x1, s3;
	_ =	strace $0x8000004A;
	[dreg:$0x5] =	wrdreg s14  }
0x8: {  	s4 =	sadd.s32 $0x2B000, s0;
	s6 =	smul.u32 $0x50000, s11;
	[dreg:$0x6] =	wrdreg s16  }
0x9: {  	s7 =	sadd.s32 $0x3000, s0;
	s10 =	smul.u32 $0xA000, s11;
	[dreg:$0x7] =	wrdreg s18  }
0xa: {  	s5 =	smul.u32 $0x28000, s3;
	s8 =	ssub.s32 $0x2, s3;
	[dreg:$0x8] =	wrdreg s20  }
0xb: {  	s3 =	smul.u32 $0xA0000, s3;
	s16 =	simm.s32 $0x1000;
	[dreg:$0x9] =	wrdreg s21  }
0xc: {  	s18 =	simm.s32 $0x400;
	s9 =	sshrl.u32 s8, $0x1;
	s6 =	sshrl.u32 s6, $0x2  }
0xd: {  	[dreg:$0xa] =	wrdreg s22;
	s8 =	ssub.s32 s8, s9;
	s24 =	sadd.s32 s6, s1  }
0xe: {  	s20 =	simm.s32 $0xC00;
	s23 =	smax.u32 s8, $0x1;
	[dreg:$0xe] =	wrdreg s24  }
0xf: {  	s21 =	simm.s32 $0x7;
	s25 =	sadd.s32 $0x2000, s24;
	[dreg:$0xf] =	wrdreg s23  }
0x10: {  	s22 =	simm.s32 $0x64;
	s9 =	sadd.s32 $0x4000, s24;
	[dreg:$0x10] =	wrdreg s25  }
0x11: {  	s3 =	sadd.s32 s10, s3;
	s10 =	sadd.s32 $0x6000, s24;
	[dreg:$0x11] =	wrdreg s9  }
0x12: {  	s6 =	smul.u32 $0x2800, s11;
	s11 =	sadd.s32 $0x8000, s24;
	[dreg:$0x12] =	wrdreg s10  }
0x13: {  	s0 =	sadd.s32 s5, s0;
	s12 =	sadd.s32 $0xA000, s24;
	[dreg:$0x13] =	wrdreg s11  }
0x14: {  	s0 =	sadd.s32 $0x52200, s0;
	s13 =	sadd.s32 $0xC000, s24;
	[dreg:$0x14] =	wrdreg s12  }
0x15: {  	s26 =	sor.u32 $0x800, s3;
	s15 =	sadd.s32 $0xE000, s24;
	[dreg:$0x15] =	wrdreg s13  }
0x16: {  	s3 =	sshrl.u32 s3, $0x3;
	s17 =	sadd.s32 $0x10000, s24;
	[dreg:$0x16] =	wrdreg s15  }
0x17: {  	s19 =	sadd.s32 $0x12000, s24;
	s8 =	sshrl.u32 s26, $0x3;
	[dreg:$0x17] =	wrdreg s17  }
0x18: {  	s3 =	sadd.s32 s3, s7;
	[dreg:$0x18] =	wrdreg s19;
	s17 =	simm.s32 $0x6  }
0x19: {  	s23 =	simm.s32 $0x600;
	s19 =	simm.s32 $0x800;
	s25 =	simm.s32 $0x880  }
0x1a: {  	s26 =	simm.s32 $0xC80;
	s0 =	sadd.s32 s6, s0;
	[dreg:$0x4] =	wrdreg s3  }
0x1b: {  	s6 =	simm.s32 $0x900;
	s9 =	simm.s32 $0xD80;
	[dreg:$0xb] =	wrdreg s23  }
0x1c: {  	s10 =	simm.s32 $0xA00;
	s11 =	simm.s32 $0xE00;
	[dreg:$0xc] =	wrdreg s25  }
0x1d: {  	s13 =	simm.s32 $0x0;
	s8 =	sadd.s32 s8, s7;
	[dreg:$0xd] =	wrdreg s26  }
0x1e: {  	s23 =	simm.s32 $0x80;
	[dreg:$0x19] =	wrdreg s0;
	s25 =	simm.s32 $0x4400  }
0x1f: {  	s26 =	simm.s32 $0x1;
	s0 =	simm.s32 $0x5;
	s3 =	simm.s32 $0x8  }
0x20: {  	v0 =	vimm.f32 $0.0e+00;
	s7 =	simm.s32 $0xD00;
	[dreg:$0x3] =	wrdreg s8;
	s8 =	simm.s32 $0x980  }
.LBB2_1:
0x21: {  	s14 =	simm.s32 $0x0;
	s15 =	simm.s32 $0x200  }
.LBB2_2:
0x22: {  	p0 =	sne.s32 s15, $0x7E00;
	[tilespmem:s14+$0x1070] =	vst v0  }
0x23: {  	[tilespmem:s14+$0x1000] =	vst v0  }
0x24: {  	[tilespmem:s14+$0x1010] =	vst v0  }
.Ltmp0:
0x25: {  	[tilespmem:s14+$0x1020] =	vst v0;
	(pc) =	sbr.rel @p0 .LBB2_2-.Ltmp0, $4  }
0x26: {  	[tilespmem:s14+$0x1030] =	vst v0  }
0x27: {  	[tilespmem:s14+$0x1040] =	vst v0  }
0x28: {  	[tilespmem:s14+$0x1050] =	vst v0  }
0x29: {  	[tilespmem:s14+$0x1060] =	vst v0;
	s14 =	sshra.s32 s15, $0x2;
	s15 =	sadd.s32 $0x200, s15  }
0x2a: {  	[tilespmem:s14+$0x1070] =	vst v0  }
0x2b: {  	[tilespmem:s14+$0x1000] =	vst v0  }
0x2c: {  	[tilespmem:s14+$0x1010] =	vst v0  }
0x2d: {  	[tilespmem:s14+$0x1020] =	vst v0  }
0x2e: {  	[tilespmem:s14+$0x1030] =	vst v0  }
0x2f: {  	[tilespmem:s14+$0x1040] =	vst v0  }
0x30: {  	[tilespmem:s14+$0x1050] =	vst v0  }
0x31: {  	[tilespmem:s14+$0x1060] =	vst v0  }
0x32: {  	[spmem:s24] =	stream.linear.scatter [tilespmem:s16], [sflag:$0x6], $0x2000, $0x38;
	[tilespmem:$0x1EC00] =	vst v63  }
0x33: {  	s5 =	rddreg [dreg:$0x10]  }
0x34: {  	[spmem:s5] =	stream.linear.scatter [tilespmem:s16], [sflag:$0x6], $0x2000, $0x38;
	[tilespmem:$0x1EC00] =	vst v63  }
0x35: {  	s12 =	rddreg [dreg:$0x11]  }
0x36: {  	[spmem:s12] =	stream.linear.scatter [tilespmem:s16], [sflag:$0x6], $0x2000, $0x38;
	[tilespmem:$0x1EC00] =	vst v63  }
0x37: {  	s14 =	rddreg [dreg:$0x12]  }
0x38: {  	[spmem:s14] =	stream.linear.scatter [tilespmem:s16], [sflag:$0x6], $0x2000, $0x38;
	[tilespmem:$0x1EC00] =	vst v63  }
0x39: {  	s15 =	rddreg [dreg:$0x13]  }
0x3a: {  	[spmem:s15] =	stream.linear.scatter [tilespmem:s16], [sflag:$0x6], $0x2000, $0x38;
	[tilespmem:$0x1EC00] =	vst v63  }
0x3b: {  	s24 =	rddreg [dreg:$0x14]  }
0x3c: {  	[spmem:s24] =	stream.linear.scatter [tilespmem:s16], [sflag:$0x6], $0x2000, $0x38;
	[tilespmem:$0x1EC00] =	vst v63  }
0x3d: {  	s12 =	rddreg [dreg:$0x15]  }
0x3e: {  	[spmem:s12] =	stream.linear.scatter [tilespmem:s16], [sflag:$0x6], $0x2000, $0x38;
	[tilespmem:$0x1EC00] =	vst v63  }
0x3f: {  	s14 =	rddreg [dreg:$0x16]  }
0x40: {  	[spmem:s14] =	stream.linear.scatter [tilespmem:s16], [sflag:$0x6], $0x2000, $0x38;
	[tilespmem:$0x1EC00] =	vst v63  }
0x41: {  	s15 =	rddreg [dreg:$0x17]  }
0x42: {  	[spmem:s15] =	stream.linear.scatter [tilespmem:s16], [sflag:$0x6], $0x2000, $0x38;
	[tilespmem:$0x1EC00] =	vst v63  }
0x43: {  	s24 =	rddreg [dreg:$0x18]  }
0x44: {  	[spmem:s24] =	stream.linear.scatter [tilespmem:s16], [sflag:$0x6], $0x2000, $0x38;
	[tilespmem:$0x1EC00] =	vst v63  }
0x45: {  	_ =	swait.ge [sflag:s17], $0x400  }
0x46: {  	[sflag:s17] =	ssyncset.done $0x0  }
0x47: {  	[sflag:s17] =	ssyncadd.s32 $0xFFFFFC00  }
0x48: {  	_ =	swait.ge [sflag:s17], $0x400  }
0x49: {  	[sflag:s17] =	ssyncset.done $0x0  }
0x4a: {  	[sflag:s17] =	ssyncadd.s32 $0xFFFFFC00  }
0x4b: {  	_ =	swait.ge [sflag:s17], $0x400  }
0x4c: {  	[sflag:s17] =	ssyncset.done $0x0  }
0x4d: {  	[sflag:s17] =	ssyncadd.s32 $0xFFFFFC00  }
0x4e: {  	_ =	swait.ge [sflag:s17], $0x400  }
0x4f: {  	[sflag:s17] =	ssyncset.done $0x0  }
0x50: {  	[sflag:s17] =	ssyncadd.s32 $0xFFFFFC00  }
0x51: {  	_ =	swait.ge [sflag:s17], $0x400  }
0x52: {  	[sflag:s17] =	ssyncset.done $0x0  }
0x53: {  	[sflag:s17] =	ssyncadd.s32 $0xFFFFFC00  }
0x54: {  	_ =	swait.ge [sflag:s17], $0x400  }
0x55: {  	[sflag:s17] =	ssyncset.done $0x0  }
0x56: {  	[sflag:s17] =	ssyncadd.s32 $0xFFFFFC00  }
0x57: {  	_ =	swait.ge [sflag:s17], $0x400  }
0x58: {  	[sflag:s17] =	ssyncset.done $0x0  }
0x59: {  	[sflag:s17] =	ssyncadd.s32 $0xFFFFFC00  }
0x5a: {  	_ =	swait.ge [sflag:s17], $0x400  }
0x5b: {  	[sflag:s17] =	ssyncset.done $0x0  }
0x5c: {  	[sflag:s17] =	ssyncadd.s32 $0xFFFFFC00  }
0x5d: {  	_ =	swait.ge [sflag:s17], $0x400  }
0x5e: {  	[sflag:s17] =	ssyncset.done $0x0  }
0x5f: {  	[sflag:s17] =	ssyncadd.s32 $0xFFFFFC00  }
0x60: {  	_ =	swait.ge [sflag:s17], $0x400  }
0x61: {  	[sflag:s17] =	ssyncset.done $0x0  }
0x62: {  	[sflag:s17] =	ssyncadd.s32 $0xFFFFFC00  }
0x63: {  	[bflag:$0x0] =	sbarrier.arrive $0xFFFF  }
0x64: {  	s12 =	rddreg [dreg:$0x4]  }
0x65: {  	s14 =	sadd.s32 $0x0, s12  }
0x66: {  	[tilespmem:s2], [sflag:$0x7] =	stream.linear.gather [hbm4b:s14+s2], $0x280, $0x38;
	[tilespmem:$0x1EC00] =	vst v63  }
0x67: {  	s15 =	rddreg [dreg:$0x3];
	s14 =	sadd.s32 $0x80, s14  }
0x68: {  	[tilespmem:s18], [sflag:$0x7] =	stream.linear.gather [hbm4b:s14+s2], $0x280, $0x38;
	[tilespmem:$0x1EC00] =	vst v63  }
0x69: {  	s15 =	sadd.s32 $0x0, s15  }
0x6a: {  	[tilespmem:s19], [sflag:$0x8] =	stream.linear.gather [hbm4b:s15+s2], $0x280, $0x38;
	[tilespmem:$0x1EC00] =	vst v63  }
0x6b: {  	s14 =	sadd.s32 $0x80, s15  }
0x6c: {  	[tilespmem:s20], [sflag:$0x8] =	stream.linear.gather [hbm4b:s14+s2], $0x280, $0x38;
	[tilespmem:$0x1EC00] =	vst v63  }
0x6d: {  	_ =	swait.ge [sflag:s21], $0x500  }
0x6e: {  	[sflag:s21] =	ssyncset.done $0x0  }
0x6f: {  	[sflag:s21] =	ssyncadd.s32 $0xFFFFFB00  }
0x70: {  	[tilespmem:s16], [sflag:$0x1] =	stream.indirect.gather [hbm4b:s4+s22], $0x80, s2, s22, $0xb8;
	[tilespmem:$0x1EC00] =	vst v63  }
0x71: {  	_ = 	snop  }
0x72: {  	[tilespmem:s25], [sflag:$0x2] =	stream.indirect.gather [hbm4b:s4+s22], $0x80, s23, s22, $0xb8;
	[tilespmem:$0x1EC00] =	vst v63  }
0x73: {  	_ =	swait.ge [sflag:s26], $0x3200  }
0x74: {  	[sflag:s26] =	ssyncset.done $0x0  }
0x75: {  	[sflag:s26] =	ssyncadd.s32 $0xFFFFCE00  }
0x76: {  	[spmem:s1] =	stream.indirect.scatter.add.f32 [tilespmem:s16], [sflag:$0x4], $0x80, s18, s22, $0xb8;
	[tilespmem:$0x1EC00] =	vst v63  }
0x77: {  	_ = 	snop  }
0x78: {  	[tilespmem:s25], [sflag:$0x2] =	stream.indirect.gather [hbm4b:s4+s22], $0x80, s23, s22, $0xb8;
	[tilespmem:$0x1EC00] =	vst v63  }
0x79: {  	_ =	swait.ge [sflag:s28], $0x3200  }
0x7a: {  	[sflag:s28] =	ssyncset.done $0x0  }
0x7b: {  	s24 =	rddreg [dreg:$0x5];
	[sflag:s28] =	ssyncadd.s32 $0xFFFFCE00  }
0x7c: {  	[spmem:s1] =	stream.indirect.scatter.add.f32 [tilespmem:s25], [sflag:$0x5], $0x80, s24, s22, $0xb8;
	[tilespmem:$0x1EC00] =	vst v63  }
0x7d: {  	s5 =	rddreg [dreg:$0x6]  }
0x7e: {  	[tilespmem:s29], [sflag:$0x3] =	stream.indirect.gather [hbm4b:s4+s22], $0x80, s5, s22, $0xb8;
	[tilespmem:$0x1EC00] =	vst v63  }
0x7f: {  	_ =	swait.ge [sflag:s30], $0x3200  }
0x80: {  	[sflag:s30] =	ssyncset.done $0x0  }
0x81: {  	s12 =	rddreg [dreg:$0x7];
	[sflag:s30] =	ssyncadd.s32 $0xFFFFCE00  }
0x82: {  	[spmem:s1] =	stream.indirect.scatter.add.f32 [tilespmem:s29], [sflag:$0x6], $0x80, s12, s22, $0xb8;
	[tilespmem:$0x1EC00] =	vst v63  }
0x83: {  	_ =	swait.ge [sflag:s31], $0x3200  }
0x84: {  	[sflag:s31] =	ssyncset.done $0x0  }
0x85: {  	s15 =	rddreg [dreg:$0x8];
	[sflag:s31] =	ssyncadd.s32 $0xFFFFCE00  }
0x86: {  	[tilespmem:s16], [sflag:$0x1] =	stream.indirect.gather [hbm4b:s4+s22], $0x80, s15, s22, $0xb8;
	[tilespmem:$0x1EC00] =	vst v63  }
0x87: {  	_ =	swait.ge [sflag:s26], $0x3200  }
0x88: {  	[sflag:s26] =	ssyncset.done $0x0  }
0x89: {  	s24 =	rddreg [dreg:$0x9];
	[sflag:s26] =	ssyncadd.s32 $0xFFFFCE00  }
0x8a: {  	[spmem:s1] =	stream.indirect.scatter.add.f32 [tilespmem:s16], [sflag:$0x4], $0x80, s24, s22, $0xb8;
	[tilespmem:$0x1EC00] =	vst v63  }
0x8b: {  	_ =	swait.ge [sflag:s0], $0x3200  }
0x8c: {  	[sflag:s0] =	ssyncset.done $0x0  }
0x8d: {  	s5 =	rddreg [dreg:$0xa];
	[sflag:s0] =	ssyncadd.s32 $0xFFFFCE00  }
0x8e: {  	[tilespmem:s25], [sflag:$0x2] =	stream.indirect.gather [hbm4b:s4+s22], $0x80, s5, s22, $0xb8;
	[tilespmem:$0x1EC00] =	vst v63  }
0x8f: {  	_ =	swait.ge [sflag:s28], $0x3200  }
0x90: {  	[sflag:s28] =	ssyncset.done $0x0  }
0x91: {  	s12 =	rddreg [dreg:$0xb];
	[sflag:s28] =	ssyncadd.s32 $0xFFFFCE00  }
0x92: {  	[spmem:s1] =	stream.indirect.scatter.add.f32 [tilespmem:s25], [sflag:$0x5], $0x80, s12, s22, $0xb8;
	[tilespmem:$0x1EC00] =	vst v63  }
0x93: {  	_ =	swait.ge [sflag:s17], $0x3200  }
0x94: {  	[sflag:s17] =	ssyncset.done $0x0  }
0x95: {  	[sflag:s17] =	ssyncadd.s32 $0xFFFFCE00  }
0x96: {  	_ =	swait.ge [sflag:s3], $0x500  }
0x97: {  	[sflag:s3] =	ssyncset.done $0x0  }
0x98: {  	[sflag:s3] =	ssyncadd.s32 $0xFFFFFB00  }
0x99: {  	[tilespmem:s29], [sflag:$0x3] =	stream.indirect.gather [hbm4b:s4+s22], $0x80, s19, s22, $0xb8;
	[tilespmem:$0x1EC00] =	vst v63  }
0x9a: {  	_ =	swait.ge [sflag:s30], $0x3200  }
0x9b: {  	[sflag:s30] =	ssyncset.done $0x0  }
0x9c: {  	[sflag:s30] =	ssyncadd.s32 $0xFFFFCE00  }
0x9d: {  	[spmem:s1] =	stream.indirect.scatter.add.f32 [tilespmem:s29], [sflag:$0x6], $0x80, s20, s22, $0xb8;
	[tilespmem:$0x1EC00] =	vst v63  }
0x9e: {  	_ =	swait.ge [sflag:s31], $0x3200  }
0x9f: {  	[sflag:s31] =	ssyncset.done $0x0  }
0xa0: {  	s15 =	rddreg [dreg:$0xc];
	[sflag:s31] =	ssyncadd.s32 $0xFFFFCE00  }
0xa1: {  	[tilespmem:s16], [sflag:$0x1] =	stream.indirect.gather [hbm4b:s4+s22], $0x80, s15, s22, $0xb8;
	[tilespmem:$0x1EC00] =	vst v63  }
0xa2: {  	_ =	swait.ge [sflag:s26], $0x3200  }
0xa3: {  	[sflag:s26] =	ssyncset.done $0x0  }
0xa4: {  	s24 =	rddreg [dreg:$0xd];
	[sflag:s26] =	ssyncadd.s32 $0xFFFFCE00  }
0xa5: {  	[spmem:s1] =	stream.indirect.scatter.add.f32 [tilespmem:s16], [sflag:$0x4], $0x80, s24, s22, $0xb8;
	[tilespmem:$0x1EC00] =	vst v63  }
0xa6: {  	_ =	swait.ge [sflag:s0], $0x3200  }
0xa7: {  	[sflag:s0] =	ssyncset.done $0x0  }
0xa8: {  	[sflag:s0] =	ssyncadd.s32 $0xFFFFCE00  }
0xa9: {  	[tilespmem:s25], [sflag:$0x2] =	stream.indirect.gather [hbm4b:s4+s22], $0x80, s6, s22, $0xb8;
	[tilespmem:$0x1EC00] =	vst v63  }
0xaa: {  	_ =	swait.ge [sflag:s28], $0x3200  }
0xab: {  	[sflag:s28] =	ssyncset.done $0x0  }
0xac: {  	[sflag:s28] =	ssyncadd.s32 $0xFFFFCE00  }
0xad: {  	[spmem:s1] =	stream.indirect.scatter.add.f32 [tilespmem:s25], [sflag:$0x5], $0x80, s7, s22, $0xb8;
	[tilespmem:$0x1EC00] =	vst v63  }
0xae: {  	_ =	swait.ge [sflag:s17], $0x3200  }
0xaf: {  	[sflag:s17] =	ssyncset.done $0x0  }
0xb0: {  	[sflag:s17] =	ssyncadd.s32 $0xFFFFCE00  }
0xb1: {  	[tilespmem:s29], [sflag:$0x3] =	stream.indirect.gather [hbm4b:s4+s22], $0x80, s8, s22, $0xb8;
	[tilespmem:$0x1EC00] =	vst v63  }
0xb2: {  	_ =	swait.ge [sflag:s30], $0x3200  }
0xb3: {  	[sflag:s30] =	ssyncset.done $0x0  }
0xb4: {  	[sflag:s30] =	ssyncadd.s32 $0xFFFFCE00  }
0xb5: {  	[spmem:s1] =	stream.indirect.scatter.add.f32 [tilespmem:s29], [sflag:$0x6], $0x80, s9, s22, $0xb8;
	[tilespmem:$0x1EC00] =	vst v63  }
0xb6: {  	_ =	swait.ge [sflag:s31], $0x3200  }
0xb7: {  	[sflag:s31] =	ssyncset.done $0x0  }
0xb8: {  	[sflag:s31] =	ssyncadd.s32 $0xFFFFCE00  }
0xb9: {  	[tilespmem:s16], [sflag:$0x1] =	stream.indirect.gather [hbm4b:s4+s22], $0x80, s10, s22, $0xb8;
	[tilespmem:$0x1EC00] =	vst v63  }
0xba: {  	_ =	swait.ge [sflag:s26], $0x3200  }
0xbb: {  	[sflag:s26] =	ssyncset.done $0x0  }
0xbc: {  	[sflag:s26] =	ssyncadd.s32 $0xFFFFCE00  }
0xbd: {  	[spmem:s1] =	stream.indirect.scatter.add.f32 [tilespmem:s16], [sflag:$0x4], $0x80, s11, s22, $0xb8;
	[tilespmem:$0x1EC00] =	vst v63  }
0xbe: {  	_ =	swait.ge [sflag:s0], $0x3200  }
0xbf: {  	[sflag:s0] =	ssyncset.done $0x0  }
0xc0: {  	[sflag:s0] =	ssyncadd.s32 $0xFFFFCE00  }
0xc1: {  	_ =	swait.ge [sflag:s17], $0x3200  }
0xc2: {  	[sflag:s17] =	ssyncset.done $0x0  }
0xc3: {  	[sflag:s17] =	ssyncadd.s32 $0xFFFFCE00  }
0xc4: {  	s14 =	simm.s32 $0x200;
	_ =	swait.ge [sflag:s31], $0x3200  }
0xc5: {  	s15 =	simm.s32 $0x400;
	s24 =	rddreg [dreg:$0x4];
	[sflag:s31] =	ssyncset.done $0x0  }
.LBB2_4:
0xc6: {  	[sflag:s31] =	ssyncadd.s32 $0xFFFFCE00;
	s24 =	sadd.s32 s14, s24  }
0xc7: {  	[tilespmem:s2], [sflag:$0x7] =	stream.linear.gather [hbm4b:s24+s2], $0x280, $0x38;
	[tilespmem:$0x1EC00] =	vst v63  }
0xc8: {  	s5 =	rddreg [dreg:$0x3];
	s24 =	sadd.s32 $0x80, s24  }
0xc9: {  	[tilespmem:s18], [sflag:$0x7] =	stream.linear.gather [hbm4b:s24+s2], $0x280, $0x38;
	[tilespmem:$0x1EC00] =	vst v63  }
0xca: {  	s5 =	sadd.s32 s14, s5  }
0xcb: {  	[tilespmem:s19], [sflag:$0x8] =	stream.linear.gather [hbm4b:s5+s2], $0x280, $0x38;
	[tilespmem:$0x1EC00] =	vst v63  }
0xcc: {  	s5 =	sadd.s32 $0x80, s5  }
0xcd: {  	[tilespmem:s20], [sflag:$0x8] =	stream.linear.gather [hbm4b:s5+s2], $0x280, $0x38;
	[tilespmem:$0x1EC00] =	vst v63  }
0xce: {  	_ =	swait.ge [sflag:s21], $0x500  }
0xcf: {  	[sflag:s21] =	ssyncset.done $0x0  }
0xd0: {  	[sflag:s21] =	ssyncadd.s32 $0xFFFFFB00  }
0xd1: {  	[tilespmem:s16], [sflag:$0x1] =	stream.indirect.gather [hbm4b:s4+s22], $0x80, s2, s22, $0xb8;
	[tilespmem:$0x1EC00] =	vst v63  }
0xd2: {  	_ = 	snop  }
0xd3: {  	[tilespmem:s25], [sflag:$0x2] =	stream.indirect.gather [hbm4b:s4+s22], $0x80, s23, s22, $0xb8;
	[tilespmem:$0x1EC00] =	vst v63  }
0xd4: {  	_ =	swait.ge [sflag:s26], $0x3200  }
0xd5: {  	[sflag:s26] =	ssyncset.done $0x0  }
0xd6: {  	[sflag:s26] =	ssyncadd.s32 $0xFFFFCE00  }
0xd7: {  	[spmem:s1] =	stream.indirect.scatter.add.f32 [tilespmem:s16], [sflag:$0x4], $0x80, s18, s22, $0xb8;
	[tilespmem:$0x1EC00] =	vst v63  }
0xd8: {  	_ = 	snop  }
0xd9: {  	[tilespmem:s25], [sflag:$0x2] =	stream.indirect.gather [hbm4b:s4+s22], $0x80, s23, s22, $0xb8;
	[tilespmem:$0x1EC00] =	vst v63  }
0xda: {  	_ =	swait.ge [sflag:s28], $0x3200  }
0xdb: {  	s12 =	smov.u32 s15;
	[sflag:s28] =	ssyncset.done $0x0  }
0xdc: {  	s14 =	smov.u32 s12;
	s12 =	rddreg [dreg:$0x5];
	[sflag:s28] =	ssyncadd.s32 $0xFFFFCE00  }
0xdd: {  	[spmem:s1] =	stream.indirect.scatter.add.f32 [tilespmem:s25], [sflag:$0x5], $0x80, s12, s22, $0xb8;
	[tilespmem:$0x1EC00] =	vst v63  }
0xde: {  	s24 =	rddreg [dreg:$0x6]  }
0xdf: {  	[tilespmem:s29], [sflag:$0x3] =	stream.indirect.gather [hbm4b:s4+s22], $0x80, s24, s22, $0xb8;
	[tilespmem:$0x1EC00] =	vst v63  }
0xe0: {  	_ =	swait.ge [sflag:s30], $0x3200  }
0xe1: {  	[sflag:s30] =	ssyncset.done $0x0  }
0xe2: {  	s24 =	rddreg [dreg:$0x7];
	[sflag:s30] =	ssyncadd.s32 $0xFFFFCE00  }
0xe3: {  	[spmem:s1] =	stream.indirect.scatter.add.f32 [tilespmem:s29], [sflag:$0x6], $0x80, s24, s22, $0xb8;
	[tilespmem:$0x1EC00] =	vst v63  }
0xe4: {  	_ =	swait.ge [sflag:s31], $0x3200  }
0xe5: {  	[sflag:s31] =	ssyncset.done $0x0  }
0xe6: {  	s12 =	rddreg [dreg:$0x8];
	[sflag:s31] =	ssyncadd.s32 $0xFFFFCE00  }
0xe7: {  	[tilespmem:s16], [sflag:$0x1] =	stream.indirect.gather [hbm4b:s4+s22], $0x80, s12, s22, $0xb8;
	[tilespmem:$0x1EC00] =	vst v63  }
0xe8: {  	_ =	swait.ge [sflag:s26], $0x3200  }
0xe9: {  	[sflag:s26] =	ssyncset.done $0x0  }
0xea: {  	s24 =	rddreg [dreg:$0x9];
	[sflag:s26] =	ssyncadd.s32 $0xFFFFCE00  }
0xeb: {  	[spmem:s1] =	stream.indirect.scatter.add.f32 [tilespmem:s16], [sflag:$0x4], $0x80, s24, s22, $0xb8;
	[tilespmem:$0x1EC00] =	vst v63  }
0xec: {  	_ =	swait.ge [sflag:s0], $0x3200  }
0xed: {  	[sflag:s0] =	ssyncset.done $0x0  }
0xee: {  	s12 =	rddreg [dreg:$0xa];
	[sflag:s0] =	ssyncadd.s32 $0xFFFFCE00  }
0xef: {  	[tilespmem:s25], [sflag:$0x2] =	stream.indirect.gather [hbm4b:s4+s22], $0x80, s12, s22, $0xb8;
	[tilespmem:$0x1EC00] =	vst v63  }
0xf0: {  	_ =	swait.ge [sflag:s28], $0x3200  }
0xf1: {  	[sflag:s28] =	ssyncset.done $0x0  }
0xf2: {  	s24 =	rddreg [dreg:$0xb];
	[sflag:s28] =	ssyncadd.s32 $0xFFFFCE00  }
0xf3: {  	[spmem:s1] =	stream.indirect.scatter.add.f32 [tilespmem:s25], [sflag:$0x5], $0x80, s24, s22, $0xb8;
	[tilespmem:$0x1EC00] =	vst v63  }
0xf4: {  	_ =	swait.ge [sflag:s17], $0x3200  }
0xf5: {  	[sflag:s17] =	ssyncset.done $0x0  }
0xf6: {  	[sflag:s17] =	ssyncadd.s32 $0xFFFFCE00  }
0xf7: {  	_ =	swait.ge [sflag:s3], $0x500  }
0xf8: {  	[sflag:s3] =	ssyncset.done $0x0  }
0xf9: {  	[sflag:s3] =	ssyncadd.s32 $0xFFFFFB00  }
0xfa: {  	[tilespmem:s29], [sflag:$0x3] =	stream.indirect.gather [hbm4b:s4+s22], $0x80, s19, s22, $0xb8;
	[tilespmem:$0x1EC00] =	vst v63  }
0xfb: {  	_ =	swait.ge [sflag:s30], $0x3200  }
0xfc: {  	[sflag:s30] =	ssyncset.done $0x0  }
0xfd: {  	[sflag:s30] =	ssyncadd.s32 $0xFFFFCE00  }
0xfe: {  	[spmem:s1] =	stream.indirect.scatter.add.f32 [tilespmem:s29], [sflag:$0x6], $0x80, s20, s22, $0xb8;
	[tilespmem:$0x1EC00] =	vst v63  }
0xff: {  	_ =	swait.ge [sflag:s31], $0x3200  }
0x100: {  	[sflag:s31] =	ssyncset.done $0x0  }
0x101: {  	s12 =	rddreg [dreg:$0xc];
	[sflag:s31] =	ssyncadd.s32 $0xFFFFCE00  }
0x102: {  	[tilespmem:s16], [sflag:$0x1] =	stream.indirect.gather [hbm4b:s4+s22], $0x80, s12, s22, $0xb8;
	[tilespmem:$0x1EC00] =	vst v63  }
0x103: {  	_ =	swait.ge [sflag:s26], $0x3200  }
0x104: {  	[sflag:s26] =	ssyncset.done $0x0  }
0x105: {  	s24 =	rddreg [dreg:$0xd];
	[sflag:s26] =	ssyncadd.s32 $0xFFFFCE00  }
0x106: {  	[spmem:s1] =	stream.indirect.scatter.add.f32 [tilespmem:s16], [sflag:$0x4], $0x80, s24, s22, $0xb8;
	[tilespmem:$0x1EC00] =	vst v63  }
0x107: {  	_ =	swait.ge [sflag:s0], $0x3200  }
0x108: {  	[sflag:s0] =	ssyncset.done $0x0  }
0x109: {  	[sflag:s0] =	ssyncadd.s32 $0xFFFFCE00  }
0x10a: {  	[tilespmem:s25], [sflag:$0x2] =	stream.indirect.gather [hbm4b:s4+s22], $0x80, s6, s22, $0xb8;
	[tilespmem:$0x1EC00] =	vst v63  }
0x10b: {  	_ =	swait.ge [sflag:s28], $0x3200  }
0x10c: {  	[sflag:s28] =	ssyncset.done $0x0  }
0x10d: {  	[sflag:s28] =	ssyncadd.s32 $0xFFFFCE00  }
0x10e: {  	[spmem:s1] =	stream.indirect.scatter.add.f32 [tilespmem:s25], [sflag:$0x5], $0x80, s7, s22, $0xb8;
	[tilespmem:$0x1EC00] =	vst v63  }
0x10f: {  	_ =	swait.ge [sflag:s17], $0x3200  }
0x110: {  	[sflag:s17] =	ssyncset.done $0x0  }
0x111: {  	[sflag:s17] =	ssyncadd.s32 $0xFFFFCE00  }
0x112: {  	[tilespmem:s29], [sflag:$0x3] =	stream.indirect.gather [hbm4b:s4+s22], $0x80, s8, s22, $0xb8;
	[tilespmem:$0x1EC00] =	vst v63  }
0x113: {  	_ =	swait.ge [sflag:s30], $0x3200  }
0x114: {  	[sflag:s30] =	ssyncset.done $0x0  }
0x115: {  	[sflag:s30] =	ssyncadd.s32 $0xFFFFCE00  }
0x116: {  	[spmem:s1] =	stream.indirect.scatter.add.f32 [tilespmem:s29], [sflag:$0x6], $0x80, s9, s22, $0xb8;
	[tilespmem:$0x1EC00] =	vst v63  }
0x117: {  	_ =	swait.ge [sflag:s31], $0x3200  }
0x118: {  	[sflag:s31] =	ssyncset.done $0x0  }
0x119: {  	[sflag:s31] =	ssyncadd.s32 $0xFFFFCE00  }
0x11a: {  	[tilespmem:s16], [sflag:$0x1] =	stream.indirect.gather [hbm4b:s4+s22], $0x80, s10, s22, $0xb8;
	[tilespmem:$0x1EC00] =	vst v63  }
0x11b: {  	_ =	swait.ge [sflag:s26], $0x3200  }
0x11c: {  	[sflag:s26] =	ssyncset.done $0x0  }
0x11d: {  	[sflag:s26] =	ssyncadd.s32 $0xFFFFCE00  }
0x11e: {  	[spmem:s1] =	stream.indirect.scatter.add.f32 [tilespmem:s16], [sflag:$0x4], $0x80, s11, s22, $0xb8;
	[tilespmem:$0x1EC00] =	vst v63  }
0x11f: {  	_ =	swait.ge [sflag:s0], $0x3200  }
0x120: {  	[sflag:s0] =	ssyncset.done $0x0  }
0x121: {  	p0 =	sne.s32 s15, $0x1200;
	[sflag:s0] =	ssyncadd.s32 $0xFFFFCE00  }
.Ltmp1:
0x122: {  	_ =	swait.ge [sflag:s17], $0x3200;
	(pc) =	sbr.rel @p0 .LBB2_4-.Ltmp1, $4  }
0x123: {  	[sflag:s17] =	ssyncset.done $0x0  }
0x124: {  	[sflag:s17] =	ssyncadd.s32 $0xFFFFCE00  }
0x125: {  	_ =	swait.ge [sflag:s31], $0x3200  }
0x126: {  	s15 =	sadd.s32 $0x200, s15;
	s24 =	rddreg [dreg:$0x4];
	[sflag:s31] =	ssyncset.done $0x0  }
0x127: {  	[sflag:s31] =	ssyncadd.s32 $0xFFFFCE00;
	s5 =	sadd.s32 s14, s24  }
0x128: {  	[tilespmem:s2], [sflag:$0x7] =	stream.linear.gather [hbm4b:s5+s2], $0x280, $0x38;
	[tilespmem:$0x1EC00] =	vst v63  }
0x129: {  	s12 =	rddreg [dreg:$0x3];
	s5 =	sadd.s32 $0x80, s5  }
0x12a: {  	[tilespmem:s18], [sflag:$0x7] =	stream.linear.gather [hbm4b:s5+s2], $0x280, $0x38;
	[tilespmem:$0x1EC00] =	vst v63  }
0x12b: {  	s14 =	sadd.s32 s14, s12  }
0x12c: {  	[tilespmem:s19], [sflag:$0x8] =	stream.linear.gather [hbm4b:s14+s2], $0x280, $0x38;
	[tilespmem:$0x1EC00] =	vst v63  }
0x12d: {  	s5 =	sadd.s32 $0x80, s14  }
0x12e: {  	[tilespmem:s20], [sflag:$0x8] =	stream.linear.gather [hbm4b:s5+s2], $0x280, $0x38;
	[tilespmem:$0x1EC00] =	vst v63  }
0x12f: {  	_ =	swait.ge [sflag:s21], $0x500  }
0x130: {  	[sflag:s21] =	ssyncset.done $0x0  }
0x131: {  	[sflag:s21] =	ssyncadd.s32 $0xFFFFFB00  }
0x132: {  	[tilespmem:s16], [sflag:$0x1] =	stream.indirect.gather [hbm4b:s4+s22], $0x80, s2, s22, $0xb8;
	[tilespmem:$0x1EC00] =	vst v63  }
0x133: {  	_ = 	snop  }
0x134: {  	[tilespmem:s25], [sflag:$0x2] =	stream.indirect.gather [hbm4b:s4+s22], $0x80, s23, s22, $0xb8;
	[tilespmem:$0x1EC00] =	vst v63  }
0x135: {  	_ =	swait.ge [sflag:s26], $0x3200  }
0x136: {  	[sflag:s26] =	ssyncset.done $0x0  }
0x137: {  	[sflag:s26] =	ssyncadd.s32 $0xFFFFCE00  }
0x138: {  	[spmem:s1] =	stream.indirect.scatter.add.f32 [tilespmem:s16], [sflag:$0x4], $0x80, s18, s22, $0xb8;
	[tilespmem:$0x1EC00] =	vst v63  }
0x139: {  	_ = 	snop  }
0x13a: {  	[tilespmem:s25], [sflag:$0x2] =	stream.indirect.gather [hbm4b:s4+s22], $0x80, s23, s22, $0xb8;
	[tilespmem:$0x1EC00] =	vst v63  }
0x13b: {  	_ =	swait.ge [sflag:s28], $0x3200  }
0x13c: {  	[sflag:s28] =	ssyncset.done $0x0  }
0x13d: {  	s15 =	rddreg [dreg:$0x5];
	[sflag:s28] =	ssyncadd.s32 $0xFFFFCE00  }
0x13e: {  	[spmem:s1] =	stream.indirect.scatter.add.f32 [tilespmem:s25], [sflag:$0x5], $0x80, s15, s22, $0xb8;
	[tilespmem:$0x1EC00] =	vst v63  }
0x13f: {  	s24 =	rddreg [dreg:$0x6]  }
0x140: {  	[tilespmem:s29], [sflag:$0x3] =	stream.indirect.gather [hbm4b:s4+s22], $0x80, s24, s22, $0xb8;
	[tilespmem:$0x1EC00] =	vst v63  }
0x141: {  	_ =	swait.ge [sflag:s30], $0x3200  }
0x142: {  	[sflag:s30] =	ssyncset.done $0x0  }
0x143: {  	s14 =	rddreg [dreg:$0x7];
	[sflag:s30] =	ssyncadd.s32 $0xFFFFCE00  }
0x144: {  	[spmem:s1] =	stream.indirect.scatter.add.f32 [tilespmem:s29], [sflag:$0x6], $0x80, s14, s22, $0xb8;
	[tilespmem:$0x1EC00] =	vst v63  }
0x145: {  	_ =	swait.ge [sflag:s31], $0x3200  }
0x146: {  	[sflag:s31] =	ssyncset.done $0x0  }
0x147: {  	s15 =	rddreg [dreg:$0x8];
	[sflag:s31] =	ssyncadd.s32 $0xFFFFCE00  }
0x148: {  	[tilespmem:s16], [sflag:$0x1] =	stream.indirect.gather [hbm4b:s4+s22], $0x80, s15, s22, $0xb8;
	[tilespmem:$0x1EC00] =	vst v63  }
0x149: {  	_ =	swait.ge [sflag:s26], $0x3200  }
0x14a: {  	[sflag:s26] =	ssyncset.done $0x0  }
0x14b: {  	s24 =	rddreg [dreg:$0x9];
	[sflag:s26] =	ssyncadd.s32 $0xFFFFCE00  }
0x14c: {  	[spmem:s1] =	stream.indirect.scatter.add.f32 [tilespmem:s16], [sflag:$0x4], $0x80, s24, s22, $0xb8;
	[tilespmem:$0x1EC00] =	vst v63  }
0x14d: {  	_ =	swait.ge [sflag:s0], $0x3200  }
0x14e: {  	[sflag:s0] =	ssyncset.done $0x0  }
0x14f: {  	s12 =	rddreg [dreg:$0xa];
	[sflag:s0] =	ssyncadd.s32 $0xFFFFCE00  }
0x150: {  	[tilespmem:s25], [sflag:$0x2] =	stream.indirect.gather [hbm4b:s4+s22], $0x80, s12, s22, $0xb8;
	[tilespmem:$0x1EC00] =	vst v63  }
0x151: {  	_ =	swait.ge [sflag:s28], $0x3200  }
0x152: {  	[sflag:s28] =	ssyncset.done $0x0  }
0x153: {  	s14 =	rddreg [dreg:$0xb];
	[sflag:s28] =	ssyncadd.s32 $0xFFFFCE00  }
0x154: {  	[spmem:s1] =	stream.indirect.scatter.add.f32 [tilespmem:s25], [sflag:$0x5], $0x80, s14, s22, $0xb8;
	[tilespmem:$0x1EC00] =	vst v63  }
0x155: {  	_ =	swait.ge [sflag:s17], $0x3200  }
0x156: {  	[sflag:s17] =	ssyncset.done $0x0  }
0x157: {  	[sflag:s17] =	ssyncadd.s32 $0xFFFFCE00  }
0x158: {  	_ =	swait.ge [sflag:s3], $0x500  }
0x159: {  	[sflag:s3] =	ssyncset.done $0x0  }
0x15a: {  	[sflag:s3] =	ssyncadd.s32 $0xFFFFFB00  }
0x15b: {  	[tilespmem:s29], [sflag:$0x3] =	stream.indirect.gather [hbm4b:s4+s22], $0x80, s19, s22, $0xb8;
	[tilespmem:$0x1EC00] =	vst v63  }
0x15c: {  	_ =	swait.ge [sflag:s30], $0x3200  }
0x15d: {  	[sflag:s30] =	ssyncset.done $0x0  }
0x15e: {  	[sflag:s30] =	ssyncadd.s32 $0xFFFFCE00  }
0x15f: {  	[spmem:s1] =	stream.indirect.scatter.add.f32 [tilespmem:s29], [sflag:$0x6], $0x80, s20, s22, $0xb8;
	[tilespmem:$0x1EC00] =	vst v63  }
0x160: {  	_ =	swait.ge [sflag:s31], $0x3200  }
0x161: {  	[sflag:s31] =	ssyncset.done $0x0  }
0x162: {  	s15 =	rddreg [dreg:$0xc];
	[sflag:s31] =	ssyncadd.s32 $0xFFFFCE00  }
0x163: {  	[tilespmem:s16], [sflag:$0x1] =	stream.indirect.gather [hbm4b:s4+s22], $0x80, s15, s22, $0xb8;
	[tilespmem:$0x1EC00] =	vst v63  }
0x164: {  	_ =	swait.ge [sflag:s26], $0x3200  }
0x165: {  	[sflag:s26] =	ssyncset.done $0x0  }
0x166: {  	s24 =	rddreg [dreg:$0xd];
	[sflag:s26] =	ssyncadd.s32 $0xFFFFCE00  }
0x167: {  	[spmem:s1] =	stream.indirect.scatter.add.f32 [tilespmem:s16], [sflag:$0x4], $0x80, s24, s22, $0xb8;
	[tilespmem:$0x1EC00] =	vst v63  }
0x168: {  	_ =	swait.ge [sflag:s0], $0x3200  }
0x169: {  	[sflag:s0] =	ssyncset.done $0x0  }
0x16a: {  	[sflag:s0] =	ssyncadd.s32 $0xFFFFCE00  }
0x16b: {  	[tilespmem:s25], [sflag:$0x2] =	stream.indirect.gather [hbm4b:s4+s22], $0x80, s6, s22, $0xb8;
	[tilespmem:$0x1EC00] =	vst v63  }
0x16c: {  	_ =	swait.ge [sflag:s28], $0x3200  }
0x16d: {  	[sflag:s28] =	ssyncset.done $0x0  }
0x16e: {  	[sflag:s28] =	ssyncadd.s32 $0xFFFFCE00  }
0x16f: {  	[spmem:s1] =	stream.indirect.scatter.add.f32 [tilespmem:s25], [sflag:$0x5], $0x80, s7, s22, $0xb8;
	[tilespmem:$0x1EC00] =	vst v63  }
0x170: {  	_ =	swait.ge [sflag:s17], $0x3200  }
0x171: {  	[sflag:s17] =	ssyncset.done $0x0  }
0x172: {  	[sflag:s17] =	ssyncadd.s32 $0xFFFFCE00  }
0x173: {  	[tilespmem:s29], [sflag:$0x3] =	stream.indirect.gather [hbm4b:s4+s22], $0x80, s8, s22, $0xb8;
	[tilespmem:$0x1EC00] =	vst v63  }
0x174: {  	_ =	swait.ge [sflag:s30], $0x3200  }
0x175: {  	[sflag:s30] =	ssyncset.done $0x0  }
0x176: {  	[sflag:s30] =	ssyncadd.s32 $0xFFFFCE00  }
0x177: {  	[spmem:s1] =	stream.indirect.scatter.add.f32 [tilespmem:s29], [sflag:$0x6], $0x80, s9, s22, $0xb8;
	[tilespmem:$0x1EC00] =	vst v63  }
0x178: {  	_ =	swait.ge [sflag:s31], $0x3200  }
0x179: {  	[sflag:s31] =	ssyncset.done $0x0  }
0x17a: {  	[sflag:s31] =	ssyncadd.s32 $0xFFFFCE00  }
0x17b: {  	[tilespmem:s16], [sflag:$0x1] =	stream.indirect.gather [hbm4b:s4+s22], $0x80, s10, s22, $0xb8;
	[tilespmem:$0x1EC00] =	vst v63  }
0x17c: {  	_ =	swait.ge [sflag:s26], $0x3200  }
0x17d: {  	[sflag:s26] =	ssyncset.done $0x0  }
0x17e: {  	[sflag:s26] =	ssyncadd.s32 $0xFFFFCE00  }
0x17f: {  	[spmem:s1] =	stream.indirect.scatter.add.f32 [tilespmem:s16], [sflag:$0x4], $0x80, s11, s22, $0xb8;
	[tilespmem:$0x1EC00] =	vst v63  }
0x180: {  	_ =	swait.ge [sflag:s0], $0x3200  }
0x181: {  	[sflag:s0] =	ssyncset.done $0x0  }
0x182: {  	[sflag:s0] =	ssyncadd.s32 $0xFFFFCE00  }
0x183: {  	_ =	swait.ge [sflag:s17], $0x3200  }
0x184: {  	[sflag:s17] =	ssyncset.done $0x0  }
0x185: {  	[sflag:s17] =	ssyncadd.s32 $0xFFFFCE00  }
0x186: {  	_ =	swait.ge [sflag:s31], $0x3200  }
0x187: {  	[sflag:s31] =	ssyncset.done $0x0  }
0x188: {  	[sflag:s31] =	ssyncadd.s32 $0xFFFFCE00  }
0x189: {  	s12 =	stileid.u32;
	[bflag:$0x0] =	sbarrier.arrive $0xFFFF  }
0x18a: {  	s5 =	sshll.u32 s12, $0x6;
	s24 =	rddreg [dreg:$0xe]  }
0x18b: {  	s5 =	sor.u32 $0x1C09, s5;
	s15 =	rddreg [dreg:$0x19];
	s14 =	sshrl.u32 s24, $0x3  }
0x18c: {  	[hbm:s15], [sflag:s5] =	dma.local [spmem:s14], $0x2800  }
0x18d: {  	s14 =	simm.s32 $0x9  }
0x18e: {  	_ =	swait.ge [sflag:s14], $0x2800  }
0x18f: {  	s13 =	sadd.s32 $0x1, s13;
	s15 =	rddreg [dreg:$0xf]  }
0x190: {  	p0 =	sne.s32 s13, s15  }
.Ltmp2:
0x191: {  	_ = 	snop;
	(pc) =	sbr.rel @p0 .LBB2_1-.Ltmp2, $3  }
0x192: {  	_ =	sdelay $0x1  }
0x193: {  	[sflag:s14] =	ssyncset.done $0x0  }
0x194: {  	[sflag:s14] =	ssyncadd.s32 $0xFFFFD800  }
0x195: {  	_ =	sfence.sel $0x180000  }
0x196: {  	[bflag:$0x0] =	sbarrier.arrive $0xFFFF  }
0x197: {  	_ =	strace $0x9000004A  }
0x198: {  	s0 =	stileid.u32;
	[bflag:$0x2] =	sbarrier.arrive $0xFFFF  }
0x199: {  	p0 =	sne.s32 s0, $0x0;
	s0 =	rddreg [dreg:$0x2]  }
0x19a: {  	s0 =	sadd.s32 @!p0 $0x100000, s0  }
0x19b: {  	[sflag:s0] =	ssyncadd.tile.s32 @!p0 $0x1;
	_ =	shalt  }
.Lfunc_end2:
_tile_overlayer_lowered:
.L_overlay_start_2:
0x19c: {  	(tag) =	ssettag $0x2  }
0x19d: {  	s0 =	rddreg [dreg:$0x0];
	s2 =	stileid.u32  }
0x19e: {  	s1 =	rddreg [dreg:$0x1];
	p0 =	sne.s32 s2, $0x0  }
0x19f: {  	s3 =	rddreg [dreg:$0x2];
	[bflag:$0x3] =	sbarrier.arrive $0xFFFF;
	s2 =	simm.s32 @!p0 $0x1C09  }
0x1a0: {  	[timem:s3], [sflag:s2] =	dma.local @!p0 [hbm:s0], s1  }
0x1a1: {  	s0 =	simm.s32 @!p0 $0x9  }
0x1a2: {  	_ =	swait.ge @!p0 [sflag:s0], s1  }
0x1a3: {  	s1 =	ssub.s32 @!p0 $0x0, s1;
	[sflag:s0] =	ssyncset.done @!p0 $0x0  }
0x1a4: {  	[sflag:s0] =	ssyncadd.s32 @!p0 s1  }
0x1a5: {  	[bflag:$0x3] =	sbarrier.arrive $0xFFFF  }
0x1a6: {  	_ =	shalt  }

// kernel: kernel.7.cloned.1.call-start
scs
__scs_entry_jumppad:
0x0: {  	(pc) =	sbr.rel $0x88, $3  }
0x1: {  	(tag) =	ssettag $0x0;
	lr =	simm.s32 $0x1  }
0x2: {  	[smem:$0x3F95] =	sst lr;
	_ =	strace $0xD0000000  }
0x3: {  	_ = 	snop  }
0x4: {  	_ = 	snop  }
0x5: {  	_ = 	snop  }
0x6: {  	_ = 	snop  }
0x7: {  	_ = 	snop  }
__scs_overlays_trampoline_lowered:
0x8: {  	[smem:$0x3FA4] =	sst s0  }
0x9: {  	[smem:$0x3FA5] =	sst s1  }
0xa: {  	[smem:$0x3FA6] =	sst s2  }
0xb: {  	[smem:$0x3FA7] =	sst s3  }
0xc: {  	[smem:$0x3FA8] =	sst s4  }
0xd: {  	[smem:$0x3FA9] =	sst s5  }
0xe: {  	[smem:$0x3FAA] =	sst s6  }
0xf: {  	[smem:$0x3FAB] =	sst s7  }
0x10: {  	[smem:$0x3FAC] =	sst s8  }
0x11: {  	[smem:$0x3FAD] =	sst s9;
	s0 =	simm.s32 @!p0 $0x0  }
0x12: {  	s1 =	sld [smem:$0x3F93];
	s0 =	simm.s32 @p0 $0x1  }
0x13: {  	[smem:$0x3FAE] =	sst s0;
	s0 =	simm.s32 @!p1 $0x0  }
0x14: {  	s2 =	sld [smem:$0x3F92];
	s0 =	simm.s32 @p1 $0x1  }
0x15: {  	[smem:$0x3FAF] =	sst s0;
	s0 =	simm.s32 @!p2 $0x0  }
0x16: {  	s3 =	sld [smem:$0x3FDB];
	s0 =	simm.s32 @p2 $0x1  }
0x17: {  	s4 =	simm.s32 $0x1BF5;
	[smem:$0x3FB1] =	sst s0  }
0x18: {  	s0 =	sld [smem:$0x3F94];
	_ =	swait.ge [sflag:s4], $0x0  }
0x19: {  	s7 =	sld [smem:$0x3F95]  }
0x1a: {  	s8 =	sadd.s32 $0xFFFFE003, lr  }
0x1b: {  	s9 =	sadd.s32 $0xFFFFFEF7, lr;
	s5 =	simm.s32 $0xFFFFFFFF;
	p2 =	slt.u32 s8, $0xFFFFF086  }
0x1c: {  	p1 =	slt.u32 s9, $0xF7A;
	s5 =	simm.s32 @!p2 $0x0  }
0x1d: {  	s5 =	simm.s32 @p1 $0x1;
	p0 =	seq.s32 s7, s2  }
0x1e: {  	s7 =	smul.u32 @!p0 $0xF7A, s2;
	p2 =	seq.s32 @!p0 s5, $0x0  }
0x1f: {  	s9 =	smul.u32 $0xF7A, s1;
	s8 =	simm.s32 @!p0 $0x1BF5;
	p2 =	por !p2, p0  }
0x20: {  	[sflag:s8] =	ssyncset.s32 @!p0 $0xFFFFF086;
	s6 =	sadd.s32 @!p0 s3, s7;
	s7 =	simm.s32 @!p0 $0x108  }
0x21: {  	s3 =	sadd.s32 s3, s9;
	s6 =	sadd.s32 @!p0 $0x88, s6;
	s7 =	simm.s32 @p2 $0x1082  }
0x22: {  	[simem:s7], [sflag:s8] =	dma.local @!p0 [hbm:s6], $0xF7A  }
0x23: {  	s9 =	sor.u32 $0xD0000000, s2;
	s6 =	simm.s32 $0x108;
	_ =	swait.ge @!p0 [sflag:s8], $0x0  }
0x24: {  	s3 =	sadd.s32 $0x88, s3;
	s6 =	simm.s32 @!p1 $0x1082;
	[sflag:s4] =	ssyncset.s32 $0xFFFFF086  }
0x25: {  	[simem:s6], [sflag:s4] =	dma.local [hbm:s3], $0xF7A  }
0x26: {  	[smem:$0x3F95] =	sst s1;
	(tag) =	ssettag s2;
	_ =	strace s9  }
0x27: {  	s1 =	sld [smem:$0x3FA5]  }
0x28: {  	s2 =	sld [smem:$0x3FA6]  }
0x29: {  	s4 =	sld [smem:$0x3FA8]  }
0x2a: {  	p0 =	seq.s32 s5, $0x0;
	s5 =	sld [smem:$0x3FA9]  }
0x2b: {  	s6 =	sld [smem:$0x3FAA]  }
0x2c: {  	s7 =	sld [smem:$0x3FAB]  }
0x2d: {  	s3 =	simm.s32 $0x108;
	s8 =	sld [smem:$0x3FAC]  }
0x2e: {  	s3 =	simm.s32 @!p0 $0x1082;
	s9 =	sld [smem:$0x3FAD]  }
0x2f: {  	lr =	sadd.s32 s0, s3;
	s0 =	sld [smem:$0x3FA4]  }
0x30: {  	s3 =	sld [smem:$0x3FA7]  }
0x31: {  	[smem:$0x3FB0] =	sst s10  }
0x32: {  	s10 =	sld [smem:$0x3FAE];
	_ =	sdelay $0x3  }
0x33: {  	p0 =	seq.s32 s10, $0x1;
	s10 =	sld [smem:$0x3FB0];
	_ =	sdelay $0x3  }
0x34: {  	[smem:$0x3FB0] =	sst s10  }
0x35: {  	s10 =	sld [smem:$0x3FAF];
	_ =	sdelay $0x3  }
0x36: {  	p1 =	seq.s32 s10, $0x1;
	s10 =	sld [smem:$0x3FB0];
	_ =	sdelay $0x3  }
0x37: {  	[smem:$0x3FB0] =	sst s10  }
0x38: {  	s10 =	sld [smem:$0x3FB1]  }
0x39: {  	_ = 	snop;
	(pc) =	sbr.ind lr, $3  }
0x3a: {  	_ = 	snop  }
0x3b: {  	_ = 	snop  }
0x3c: {  	p2 =	seq.s32 s10, $0x1;
	s10 =	sld [smem:$0x3FB0]  }
0x3d: {  	_ =	shalt  }
0x3e: {  	_ =	shalt  }
0x3f: {  	_ =	shalt  }
0x40: {  	_ =	shalt  }
0x41: {  	_ =	shalt  }
0x42: {  	_ =	shalt  }
0x43: {  	_ =	shalt  }
0x44: {  	_ =	shalt  }
0x45: {  	_ =	shalt  }
0x46: {  	_ =	shalt  }
0x47: {  	_ =	shalt  }
0x48: {  	_ =	shalt  }
0x49: {  	_ =	shalt  }
0x4a: {  	_ =	shalt  }
0x4b: {  	_ =	shalt  }
0x4c: {  	_ =	shalt  }
0x4d: {  	_ =	shalt  }
0x4e: {  	_ =	shalt  }
0x4f: {  	_ =	shalt  }
0x50: {  	_ =	shalt  }
0x51: {  	_ =	shalt  }
0x52: {  	_ =	shalt  }
0x53: {  	_ =	shalt  }
0x54: {  	_ =	shalt  }
0x55: {  	_ =	shalt  }
0x56: {  	_ =	shalt  }
0x57: {  	_ =	shalt  }
0x58: {  	_ =	shalt  }
0x59: {  	_ =	shalt  }
0x5a: {  	_ =	shalt  }
0x5b: {  	_ =	shalt  }
0x5c: {  	_ =	shalt  }
0x5d: {  	_ =	shalt  }
0x5e: {  	_ =	shalt  }
0x5f: {  	_ =	shalt  }
0x60: {  	_ =	shalt  }
0x61: {  	_ =	shalt  }
0x62: {  	_ =	shalt  }
0x63: {  	_ =	shalt  }
0x64: {  	_ =	shalt  }
0x65: {  	_ =	shalt  }
0x66: {  	_ =	shalt  }
0x67: {  	_ =	shalt  }
0x68: {  	_ =	shalt  }
0x69: {  	_ =	shalt  }
0x6a: {  	_ =	shalt  }
0x6b: {  	_ =	shalt  }
0x6c: {  	_ =	shalt  }
0x6d: {  	_ =	shalt  }
0x6e: {  	_ =	shalt  }
0x6f: {  	_ =	shalt  }
0x70: {  	_ =	shalt  }
0x71: {  	_ =	shalt  }
0x72: {  	_ =	shalt  }
0x73: {  	_ =	shalt  }
0x74: {  	_ =	shalt  }
0x75: {  	_ =	shalt  }
0x76: {  	_ =	shalt  }
0x77: {  	_ =	shalt  }
0x78: {  	_ =	shalt  }
0x79: {  	_ =	shalt  }
0x7a: {  	_ =	shalt  }
0x7b: {  	_ =	shalt  }
0x7c: {  	_ =	shalt  }
0x7d: {  	_ =	shalt  }
0x7e: {  	_ =	shalt  }
0x7f: {  	_ =	shalt  }
0x80: {  	_ =	shalt  }
0x81: {  	_ =	shalt  }
0x82: {  	_ =	shalt  }
0x83: {  	_ =	shalt  }
0x84: {  	_ =	shalt  }
0x85: {  	_ =	shalt  }
0x86: {  	_ =	shalt  }
0x87: {  	_ =	shalt  }
.Lfunc_end0:
.L_simem_size_0:
called_computation_lowered:
.L_overlay_start_0:
0x88: {  	s2 =	sld [smem:$0x3FD9]  }
0x89: {  	s3 =	sld [smem:$0x3FFE];
	_ =	sdelay $0x1  }
0x8a: {  	s1 =	srdreg.scid  }
0x8b: {  	s0 =	sand.u32 $0x1, s1  }
0x8c: {  	s16 =	sshll.u32 s0, $0xA;
	s2 =	sadd.s32 s3, s2  }
0x8d: {  	s2 =	sadd.s32 s2, s16  }
0x8e: {  	[smem:$0x3FBC] =	sst s2  }
0x8f: {  	_ = 	snop  }
0x90: {  	(tm) =	ssettm $0x1  }
0x91: {  	s17 =	sld [smem:$0x3FFB];
	_ =	sdelay $0x3  }
0x92: {  	_ =	strace s17  }
0x93: {  	s2 =	sld [smem:$0x3FFC];
	_ =	sdelay $0x3  }
0x94: {  	_ =	strace s2  }
0x95: {  	s2 =	sld [smem:$0x3FFD];
	_ =	sdelay $0x3  }
0x96: {  	_ =	strace s2  }
0x97: {  	_ =	strace $0x8FFFFFFF  }
0x98: {  	s18 =	sld [smem:$0x3FDB];
	_ =	sdelay $0x1  }
0x99: {  	s19 =	simm.s32 $_scs_section_size  }
0x9a: {  	s4 =	simm.s32 $_size__tile_overlayer_lowered;
	s5 =	simm.s32 $_tile_overlayer_lowered  }
0x9b: {  	s22 =	simm.s32 $0x1BFF;
	s21 =	sshll.u32 s5, $0x1;
	s2 =	sadd.s32 s19, s18  }
0x9c: {  	s6 =	simm.s32 $0x0;
	s20 =	sshll.u32 s4, $0x1;
	s4 =	sadd.s32 s21, s2  }
0x9d: {  	[timem:s6], [sflag:s22] =	dma.local [hbm:s4], s20  }
0x9e: {  	_ =	swait.ge [sflag:s22], s20  }
0x9f: {  	s3 =	ssub.s32 $0x0, s20;
	[sflag:s22] =	ssyncset.done $0x0  }
0xa0: {  	[sflag:s22] =	ssyncadd.s32 s3;
	_ =	sdelay $0x1  }
0xa1: {  	s23 =	simm.s32 $0x1B8B  }
0xa2: {  	_ =	swait.ge [sflag:s23], $0x1  }
0xa3: {  	[sflag:s23] =	ssyncset.done $0x0  }
0xa4: {  	s25 =	simm.s32 $0x1B8E;
	s24 =	sld [smem:$0x3FFE];
	[sflag:s23] =	ssyncadd.s32 $0xFFFFFFFF  }
0xa5: {  	s26 =	simm.s32 $execute0_lowered;
	[smem:$0x3FD2] =	sst s25  }
0xa6: {  	s4 =	sshll.u32 s26, $0x1;
	_ =	strace $0x80000046;
	[dreg:$0x1] =	wrdreg $0xFFFFFFFF  }
0xa7: {  	s28 =	simm.s32 $_size_execute0_lowered;
	s2 =	sadd.s32 s2, s4;
	[dreg:$0x0] =	wrdreg $0x0  }
0xa8: {  	s4 =	sshll.u32 s28, $0x1;
	[dreg:$0x2] =	wrdreg s2  }
0xa9: {  	[dreg:$0x3] =	wrdreg s4  }
0xaa: {  	[dreg:$0x4] =	wrdreg $0xC0  }
0xab: {  	_ =	task [dreg:s6], $0x5FFFF  }
0xac: {  	[dreg:$0x1] =	wrdreg $0xFFFFFFFF  }
0xad: {  	[dreg:$0x0] =	wrdreg $0x60  }
0xae: {  	[dreg:$0x2] =	wrdreg s24  }
0xaf: {  	[dreg:$0x3] =	wrdreg $0xAC000  }
0xb0: {  	[dreg:$0x4] =	wrdreg $0x9  }
0xb1: {  	_ =	task.clear_ibuf [dreg:s6], $0x5FFFF;
	_ =	strace $0x90000046  }
0xb2: {  	s29 =	simm.s32 $0x9;
	_ =	strace $0x80000048  }
0xb3: {  	_ =	swait.ge [sflag:s29], $0x1  }
0xb4: {  	[sflag:s29] =	ssyncadd.s32 $0xFFFFFFFF  }
0xb5: {  	_ =	strace $0x90000048  }
0xb6: {  	_ =	sfence  }
0xb7: {  	s30 =	sld [smem:$0x0];
	_ =	sdelay $0x2  }
0xb8: {  	s31 =	sshll.u32 s1, $0xD;
	s1 =	sshrl.u32 s1, $0x2  }
0xb9: {  	s3 =	sand.u32 $0x4000, s31;
	s1 =	sadd.s32 s1, s30  }
0xba: {  	s0 =	sor.u32 s3, s0;
	s1 =	sshll.u32 s1, $0x11  }
0xbb: {  	s0 =	sor.u32 s1, s0  }
0xbc: {  	s0 =	sadd.s32 $0x8F2B, s0  }
0xbd: {  	[sflag:s0] =	ssyncadd.remote.s32 $0x1  }
0xbe: {  	_ =	sfence.sel $0xFFFF  }
0xbf: {  	[dreg:$0x0] =	wrdreg $0xFFFFFFFF;
	(pc) =	sbr.abs _section_cstart, $3  }
0xc0: {  	[dreg:$0x1] =	wrdreg $0xFFFFFFFF  }
0xc1: {  	_ =	task.clear_ibuf [dreg:s6], $0x2FFFF;
	_ =	strace $0x9FFFFFFF  }
0xc2: {  	(tm) =	ssettm $0x7FFFFFFF  }
0xc3: {  	_ =	shalt  }
tec
execute0_lowered:
.L_overlay_start_1:
0x0: {  	(tag) =	ssettag $0x1  }
0x1: {  	s0 =	rddreg [dreg:$0x0]  }
0x2: {  	s1 =	rddreg [dreg:$0x1];
	s2 =	simm.s32 $0x0;
	s3 =	srdreg.scid  }
0x3: {  	s11 =	stileid.u32;
	s14 =	simm.s32 $0x480;
	s16 =	simm.s32 $0x100  }
0x4: {  	s18 =	simm.s32 $0x500;
	s20 =	simm.s32 $0x180;
	s21 =	simm.s32 $0x580  }
0x5: {  	s22 =	simm.s32 $0x200;
	s28 =	simm.s32 $0x2;
	s29 =	simm.s32 $0x7800  }
0x6: {  	s30 =	simm.s32 $0x3;
	s31 =	simm.s32 $0x4;
	[smem:$0x7FF] =	sst s2  }
0x7: {  	s3 =	sand.u32 $0x1, s3;
	_ =	strace $0x80000047;
	[dreg:$0x5] =	wrdreg s14  }
0x8: {  	s4 =	sadd.s32 $0x2B000, s0;
	s6 =	smul.u32 $0x50000, s11;
	[dreg:$0x6] =	wrdreg s16  }
0x9: {  	s7 =	sadd.s32 $0x3000, s0;
	s10 =	smul.u32 $0xA000, s11;
	[dreg:$0x7] =	wrdreg s18  }
0xa: {  	s5 =	smul.u32 $0x28000, s3;
	s8 =	ssub.s32 $0x2, s3;
	[dreg:$0x8] =	wrdreg s20  }
0xb: {  	s3 =	smul.u32 $0xA0000, s3;
	s16 =	simm.s32 $0x1000;
	[dreg:$0x9] =	wrdreg s21  }
0xc: {  	s18 =	simm.s32 $0x400;
	s9 =	sshrl.u32 s8, $0x1;
	s6 =	sshrl.u32 s6, $0x2  }
0xd: {  	[dreg:$0xa] =	wrdreg s22;
	s8 =	ssub.s32 s8, s9;
	s24 =	sadd.s32 s6, s1  }
0xe: {  	s20 =	simm.s32 $0xC00;
	s23 =	smax.u32 s8, $0x1;
	[dreg:$0xe] =	wrdreg s24  }
0xf: {  	s21 =	simm.s32 $0x7;
	s25 =	sadd.s32 $0x2000, s24;
	[dreg:$0xf] =	wrdreg s23  }
0x10: {  	s22 =	simm.s32 $0x64;
	s9 =	sadd.s32 $0x4000, s24;
	[dreg:$0x10] =	wrdreg s25  }
0x11: {  	s3 =	sadd.s32 s10, s3;
	s10 =	sadd.s32 $0x6000, s24;
	[dreg:$0x11] =	wrdreg s9  }
0x12: {  	s6 =	smul.u32 $0x2800, s11;
	s11 =	sadd.s32 $0x8000, s24;
	[dreg:$0x12] =	wrdreg s10  }
0x13: {  	s0 =	sadd.s32 s5, s0;
	s12 =	sadd.s32 $0xA000, s24;
	[dreg:$0x13] =	wrdreg s11  }
0x14: {  	s0 =	sadd.s32 $0x52200, s0;
	s13 =	sadd.s32 $0xC000, s24;
	[dreg:$0x14] =	wrdreg s12  }
0x15: {  	s26 =	sor.u32 $0x800, s3;
	s15 =	sadd.s32 $0xE000, s24;
	[dreg:$0x15] =	wrdreg s13  }
0x16: {  	s3 =	sshrl.u32 s3, $0x3;
	s17 =	sadd.s32 $0x10000, s24;
	[dreg:$0x16] =	wrdreg s15  }
0x17: {  	s19 =	sadd.s32 $0x12000, s24;
	s8 =	sshrl.u32 s26, $0x3;
	[dreg:$0x17] =	wrdreg s17  }
0x18: {  	s3 =	sadd.s32 s3, s7;
	[dreg:$0x18] =	wrdreg s19;
	s17 =	simm.s32 $0x6  }
0x19: {  	s23 =	simm.s32 $0x600;
	s19 =	simm.s32 $0x800;
	s25 =	simm.s32 $0x880  }
0x1a: {  	s26 =	simm.s32 $0xC80;
	s0 =	sadd.s32 s6, s0;
	[dreg:$0x4] =	wrdreg s3  }
0x1b: {  	s6 =	simm.s32 $0x900;
	s9 =	simm.s32 $0xD80;
	[dreg:$0xb] =	wrdreg s23  }
0x1c: {  	s10 =	simm.s32 $0xA00;
	s11 =	simm.s32 $0xE00;
	[dreg:$0xc] =	wrdreg s25  }
0x1d: {  	s13 =	simm.s32 $0x0;
	s8 =	sadd.s32 s8, s7;
	[dreg:$0xd] =	wrdreg s26  }
0x1e: {  	s23 =	simm.s32 $0x80;
	[dreg:$0x19] =	wrdreg s0;
	s25 =	simm.s32 $0x4400  }
0x1f: {  	s26 =	simm.s32 $0x1;
	s0 =	simm.s32 $0x5;
	s3 =	simm.s32 $0x8  }
0x20: {  	v0 =	vimm.f32 $0.0e+00;
	s7 =	simm.s32 $0xD00;
	[dreg:$0x3] =	wrdreg s8;
	s8 =	simm.s32 $0x980  }
.LBB2_1:
0x21: {  	s14 =	simm.s32 $0x0;
	s15 =	simm.s32 $0x200  }
.LBB2_2:
0x22: {  	p0 =	sne.s32 s15, $0x7E00;
	[tilespmem:s14+$0x1070] =	vst v0  }
0x23: {  	[tilespmem:s14+$0x1000] =	vst v0  }
0x24: {  	[tilespmem:s14+$0x1010] =	vst v0  }
.Ltmp0:
0x25: {  	[tilespmem:s14+$0x1020] =	vst v0;
	(pc) =	sbr.rel @p0 .LBB2_2-.Ltmp0, $4  }
0x26: {  	[tilespmem:s14+$0x1030] =	vst v0  }
0x27: {  	[tilespmem:s14+$0x1040] =	vst v0  }
0x28: {  	[tilespmem:s14+$0x1050] =	vst v0  }
0x29: {  	[tilespmem:s14+$0x1060] =	vst v0;
	s14 =	sshra.s32 s15, $0x2;
	s15 =	sadd.s32 $0x200, s15  }
0x2a: {  	[tilespmem:s14+$0x1070] =	vst v0  }
0x2b: {  	[tilespmem:s14+$0x1000] =	vst v0  }
0x2c: {  	[tilespmem:s14+$0x1010] =	vst v0  }
0x2d: {  	[tilespmem:s14+$0x1020] =	vst v0  }
0x2e: {  	[tilespmem:s14+$0x1030] =	vst v0  }
0x2f: {  	[tilespmem:s14+$0x1040] =	vst v0  }
0x30: {  	[tilespmem:s14+$0x1050] =	vst v0  }
0x31: {  	[tilespmem:s14+$0x1060] =	vst v0  }
0x32: {  	[spmem:s24] =	stream.linear.scatter [tilespmem:s16], [sflag:$0x6], $0x2000, $0x38;
	[tilespmem:$0x1EC00] =	vst v63  }
0x33: {  	s5 =	rddreg [dreg:$0x10]  }
0x34: {  	[spmem:s5] =	stream.linear.scatter [tilespmem:s16], [sflag:$0x6], $0x2000, $0x38;
	[tilespmem:$0x1EC00] =	vst v63  }
0x35: {  	s12 =	rddreg [dreg:$0x11]  }
0x36: {  	[spmem:s12] =	stream.linear.scatter [tilespmem:s16], [sflag:$0x6], $0x2000, $0x38;
	[tilespmem:$0x1EC00] =	vst v63  }
0x37: {  	s14 =	rddreg [dreg:$0x12]  }
0x38: {  	[spmem:s14] =	stream.linear.scatter [tilespmem:s16], [sflag:$0x6], $0x2000, $0x38;
	[tilespmem:$0x1EC00] =	vst v63  }
0x39: {  	s15 =	rddreg [dreg:$0x13]  }
0x3a: {  	[spmem:s15] =	stream.linear.scatter [tilespmem:s16], [sflag:$0x6], $0x2000, $0x38;
	[tilespmem:$0x1EC00] =	vst v63  }
0x3b: {  	s24 =	rddreg [dreg:$0x14]  }
0x3c: {  	[spmem:s24] =	stream.linear.scatter [tilespmem:s16], [sflag:$0x6], $0x2000, $0x38;
	[tilespmem:$0x1EC00] =	vst v63  }
0x3d: {  	s12 =	rddreg [dreg:$0x15]  }
0x3e: {  	[spmem:s12] =	stream.linear.scatter [tilespmem:s16], [sflag:$0x6], $0x2000, $0x38;
	[tilespmem:$0x1EC00] =	vst v63  }
0x3f: {  	s14 =	rddreg [dreg:$0x16]  }
0x40: {  	[spmem:s14] =	stream.linear.scatter [tilespmem:s16], [sflag:$0x6], $0x2000, $0x38;
	[tilespmem:$0x1EC00] =	vst v63  }
0x41: {  	s15 =	rddreg [dreg:$0x17]  }
0x42: {  	[spmem:s15] =	stream.linear.scatter [tilespmem:s16], [sflag:$0x6], $0x2000, $0x38;
	[tilespmem:$0x1EC00] =	vst v63  }
0x43: {  	s24 =	rddreg [dreg:$0x18]  }
0x44: {  	[spmem:s24] =	stream.linear.scatter [tilespmem:s16], [sflag:$0x6], $0x2000, $0x38;
	[tilespmem:$0x1EC00] =	vst v63  }
0x45: {  	_ =	swait.ge [sflag:s17], $0x400  }
0x46: {  	[sflag:s17] =	ssyncset.done $0x0  }
0x47: {  	[sflag:s17] =	ssyncadd.s32 $0xFFFFFC00  }
0x48: {  	_ =	swait.ge [sflag:s17], $0x400  }
0x49: {  	[sflag:s17] =	ssyncset.done $0x0  }
0x4a: {  	[sflag:s17] =	ssyncadd.s32 $0xFFFFFC00  }
0x4b: {  	_ =	swait.ge [sflag:s17], $0x400  }
0x4c: {  	[sflag:s17] =	ssyncset.done $0x0  }
0x4d: {  	[sflag:s17] =	ssyncadd.s32 $0xFFFFFC00  }
0x4e: {  	_ =	swait.ge [sflag:s17], $0x400  }
0x4f: {  	[sflag:s17] =	ssyncset.done $0x0  }
0x50: {  	[sflag:s17] =	ssyncadd.s32 $0xFFFFFC00  }
0x51: {  	_ =	swait.ge [sflag:s17], $0x400  }
0x52: {  	[sflag:s17] =	ssyncset.done $0x0  }
0x53: {  	[sflag:s17] =	ssyncadd.s32 $0xFFFFFC00  }
0x54: {  	_ =	swait.ge [sflag:s17], $0x400  }
0x55: {  	[sflag:s17] =	ssyncset.done $0x0  }
0x56: {  	[sflag:s17] =	ssyncadd.s32 $0xFFFFFC00  }
0x57: {  	_ =	swait.ge [sflag:s17], $0x400  }
0x58: {  	[sflag:s17] =	ssyncset.done $0x0  }
0x59: {  	[sflag:s17] =	ssyncadd.s32 $0xFFFFFC00  }
0x5a: {  	_ =	swait.ge [sflag:s17], $0x400  }
0x5b: {  	[sflag:s17] =	ssyncset.done $0x0  }
0x5c: {  	[sflag:s17] =	ssyncadd.s32 $0xFFFFFC00  }
0x5d: {  	_ =	swait.ge [sflag:s17], $0x400  }
0x5e: {  	[sflag:s17] =	ssyncset.done $0x0  }
0x5f: {  	[sflag:s17] =	ssyncadd.s32 $0xFFFFFC00  }
0x60: {  	_ =	swait.ge [sflag:s17], $0x400  }
0x61: {  	[sflag:s17] =	ssyncset.done $0x0  }
0x62: {  	[sflag:s17] =	ssyncadd.s32 $0xFFFFFC00  }
0x63: {  	[bflag:$0x0] =	sbarrier.arrive $0xFFFF  }
0x64: {  	s12 =	rddreg [dreg:$0x4]  }
0x65: {  	s14 =	sadd.s32 $0x0, s12  }
0x66: {  	[tilespmem:s2], [sflag:$0x7] =	stream.linear.gather [hbm4b:s14+s2], $0x280, $0x38;
	[tilespmem:$0x1EC00] =	vst v63  }
0x67: {  	s15 =	rddreg [dreg:$0x3];
	s14 =	sadd.s32 $0x80, s14  }
0x68: {  	[tilespmem:s18], [sflag:$0x7] =	stream.linear.gather [hbm4b:s14+s2], $0x280, $0x38;
	[tilespmem:$0x1EC00] =	vst v63  }
0x69: {  	s15 =	sadd.s32 $0x0, s15  }
0x6a: {  	[tilespmem:s19], [sflag:$0x8] =	stream.linear.gather [hbm4b:s15+s2], $0x280, $0x38;
	[tilespmem:$0x1EC00] =	vst v63  }
0x6b: {  	s14 =	sadd.s32 $0x80, s15  }
0x6c: {  	[tilespmem:s20], [sflag:$0x8] =	stream.linear.gather [hbm4b:s14+s2], $0x280, $0x38;
	[tilespmem:$0x1EC00] =	vst v63  }
0x6d: {  	_ =	swait.ge [sflag:s21], $0x500  }
0x6e: {  	[sflag:s21] =	ssyncset.done $0x0  }
0x6f: {  	[sflag:s21] =	ssyncadd.s32 $0xFFFFFB00  }
0x70: {  	[tilespmem:s16], [sflag:$0x1] =	stream.indirect.gather [hbm4b:s4+s22], $0x80, s2, s22, $0xb8;
	[tilespmem:$0x1EC00] =	vst v63  }
0x71: {  	_ = 	snop  }
0x72: {  	[tilespmem:s25], [sflag:$0x2] =	stream.indirect.gather [hbm4b:s4+s22], $0x80, s23, s22, $0xb8;
	[tilespmem:$0x1EC00] =	vst v63  }
0x73: {  	_ =	swait.ge [sflag:s26], $0x3200  }
0x74: {  	[sflag:s26] =	ssyncset.done $0x0  }
0x75: {  	[sflag:s26] =	ssyncadd.s32 $0xFFFFCE00  }
0x76: {  	[spmem:s1] =	stream.indirect.scatter.add.f32 [tilespmem:s16], [sflag:$0x4], $0x80, s18, s22, $0xb8;
	[tilespmem:$0x1EC00] =	vst v63  }
0x77: {  	_ = 	snop  }
0x78: {  	[tilespmem:s25], [sflag:$0x2] =	stream.indirect.gather [hbm4b:s4+s22], $0x80, s23, s22, $0xb8;
	[tilespmem:$0x1EC00] =	vst v63  }
0x79: {  	_ =	swait.ge [sflag:s28], $0x3200  }
0x7a: {  	[sflag:s28] =	ssyncset.done $0x0  }
0x7b: {  	s24 =	rddreg [dreg:$0x5];
	[sflag:s28] =	ssyncadd.s32 $0xFFFFCE00  }
0x7c: {  	[spmem:s1] =	stream.indirect.scatter.add.f32 [tilespmem:s25], [sflag:$0x5], $0x80, s24, s22, $0xb8;
	[tilespmem:$0x1EC00] =	vst v63  }
0x7d: {  	s5 =	rddreg [dreg:$0x6]  }
0x7e: {  	[tilespmem:s29], [sflag:$0x3] =	stream.indirect.gather [hbm4b:s4+s22], $0x80, s5, s22, $0xb8;
	[tilespmem:$0x1EC00] =	vst v63  }
0x7f: {  	_ =	swait.ge [sflag:s30], $0x3200  }
0x80: {  	[sflag:s30] =	ssyncset.done $0x0  }
0x81: {  	s12 =	rddreg [dreg:$0x7];
	[sflag:s30] =	ssyncadd.s32 $0xFFFFCE00  }
0x82: {  	[spmem:s1] =	stream.indirect.scatter.add.f32 [tilespmem:s29], [sflag:$0x6], $0x80, s12, s22, $0xb8;
	[tilespmem:$0x1EC00] =	vst v63  }
0x83: {  	_ =	swait.ge [sflag:s31], $0x3200  }
0x84: {  	[sflag:s31] =	ssyncset.done $0x0  }
0x85: {  	s15 =	rddreg [dreg:$0x8];
	[sflag:s31] =	ssyncadd.s32 $0xFFFFCE00  }
0x86: {  	[tilespmem:s16], [sflag:$0x1] =	stream.indirect.gather [hbm4b:s4+s22], $0x80, s15, s22, $0xb8;
	[tilespmem:$0x1EC00] =	vst v63  }
0x87: {  	_ =	swait.ge [sflag:s26], $0x3200  }
0x88: {  	[sflag:s26] =	ssyncset.done $0x0  }
0x89: {  	s24 =	rddreg [dreg:$0x9];
	[sflag:s26] =	ssyncadd.s32 $0xFFFFCE00  }
0x8a: {  	[spmem:s1] =	stream.indirect.scatter.add.f32 [tilespmem:s16], [sflag:$0x4], $0x80, s24, s22, $0xb8;
	[tilespmem:$0x1EC00] =	vst v63  }
0x8b: {  	_ =	swait.ge [sflag:s0], $0x3200  }
0x8c: {  	[sflag:s0] =	ssyncset.done $0x0  }
0x8d: {  	s5 =	rddreg [dreg:$0xa];
	[sflag:s0] =	ssyncadd.s32 $0xFFFFCE00  }
0x8e: {  	[tilespmem:s25], [sflag:$0x2] =	stream.indirect.gather [hbm4b:s4+s22], $0x80, s5, s22, $0xb8;
	[tilespmem:$0x1EC00] =	vst v63  }
0x8f: {  	_ =	swait.ge [sflag:s28], $0x3200  }
0x90: {  	[sflag:s28] =	ssyncset.done $0x0  }
0x91: {  	s12 =	rddreg [dreg:$0xb];
	[sflag:s28] =	ssyncadd.s32 $0xFFFFCE00  }
0x92: {  	[spmem:s1] =	stream.indirect.scatter.add.f32 [tilespmem:s25], [sflag:$0x5], $0x80, s12, s22, $0xb8;
	[tilespmem:$0x1EC00] =	vst v63  }
0x93: {  	_ =	swait.ge [sflag:s17], $0x3200  }
0x94: {  	[sflag:s17] =	ssyncset.done $0x0  }
0x95: {  	[sflag:s17] =	ssyncadd.s32 $0xFFFFCE00  }
0x96: {  	_ =	swait.ge [sflag:s3], $0x500  }
0x97: {  	[sflag:s3] =	ssyncset.done $0x0  }
0x98: {  	[sflag:s3] =	ssyncadd.s32 $0xFFFFFB00  }
0x99: {  	[tilespmem:s29], [sflag:$0x3] =	stream.indirect.gather [hbm4b:s4+s22], $0x80, s19, s22, $0xb8;
	[tilespmem:$0x1EC00] =	vst v63  }
0x9a: {  	_ =	swait.ge [sflag:s30], $0x3200  }
0x9b: {  	[sflag:s30] =	ssyncset.done $0x0  }
0x9c: {  	[sflag:s30] =	ssyncadd.s32 $0xFFFFCE00  }
0x9d: {  	[spmem:s1] =	stream.indirect.scatter.add.f32 [tilespmem:s29], [sflag:$0x6], $0x80, s20, s22, $0xb8;
	[tilespmem:$0x1EC00] =	vst v63  }
0x9e: {  	_ =	swait.ge [sflag:s31], $0x3200  }
0x9f: {  	[sflag:s31] =	ssyncset.done $0x0  }
0xa0: {  	s15 =	rddreg [dreg:$0xc];
	[sflag:s31] =	ssyncadd.s32 $0xFFFFCE00  }
0xa1: {  	[tilespmem:s16], [sflag:$0x1] =	stream.indirect.gather [hbm4b:s4+s22], $0x80, s15, s22, $0xb8;
	[tilespmem:$0x1EC00] =	vst v63  }
0xa2: {  	_ =	swait.ge [sflag:s26], $0x3200  }
0xa3: {  	[sflag:s26] =	ssyncset.done $0x0  }
0xa4: {  	s24 =	rddreg [dreg:$0xd];
	[sflag:s26] =	ssyncadd.s32 $0xFFFFCE00  }
0xa5: {  	[spmem:s1] =	stream.indirect.scatter.add.f32 [tilespmem:s16], [sflag:$0x4], $0x80, s24, s22, $0xb8;
	[tilespmem:$0x1EC00] =	vst v63  }
0xa6: {  	_ =	swait.ge [sflag:s0], $0x3200  }
0xa7: {  	[sflag:s0] =	ssyncset.done $0x0  }
0xa8: {  	[sflag:s0] =	ssyncadd.s32 $0xFFFFCE00  }
0xa9: {  	[tilespmem:s25], [sflag:$0x2] =	stream.indirect.gather [hbm4b:s4+s22], $0x80, s6, s22, $0xb8;
	[tilespmem:$0x1EC00] =	vst v63  }
0xaa: {  	_ =	swait.ge [sflag:s28], $0x3200  }
0xab: {  	[sflag:s28] =	ssyncset.done $0x0  }
0xac: {  	[sflag:s28] =	ssyncadd.s32 $0xFFFFCE00  }
0xad: {  	[spmem:s1] =	stream.indirect.scatter.add.f32 [tilespmem:s25], [sflag:$0x5], $0x80, s7, s22, $0xb8;
	[tilespmem:$0x1EC00] =	vst v63  }
0xae: {  	_ =	swait.ge [sflag:s17], $0x3200  }
0xaf: {  	[sflag:s17] =	ssyncset.done $0x0  }
0xb0: {  	[sflag:s17] =	ssyncadd.s32 $0xFFFFCE00  }
0xb1: {  	[tilespmem:s29], [sflag:$0x3] =	stream.indirect.gather [hbm4b:s4+s22], $0x80, s8, s22, $0xb8;
	[tilespmem:$0x1EC00] =	vst v63  }
0xb2: {  	_ =	swait.ge [sflag:s30], $0x3200  }
0xb3: {  	[sflag:s30] =	ssyncset.done $0x0  }
0xb4: {  	[sflag:s30] =	ssyncadd.s32 $0xFFFFCE00  }
0xb5: {  	[spmem:s1] =	stream.indirect.scatter.add.f32 [tilespmem:s29], [sflag:$0x6], $0x80, s9, s22, $0xb8;
	[tilespmem:$0x1EC00] =	vst v63  }
0xb6: {  	_ =	swait.ge [sflag:s31], $0x3200  }
0xb7: {  	[sflag:s31] =	ssyncset.done $0x0  }
0xb8: {  	[sflag:s31] =	ssyncadd.s32 $0xFFFFCE00  }
0xb9: {  	[tilespmem:s16], [sflag:$0x1] =	stream.indirect.gather [hbm4b:s4+s22], $0x80, s10, s22, $0xb8;
	[tilespmem:$0x1EC00] =	vst v63  }
0xba: {  	_ =	swait.ge [sflag:s26], $0x3200  }
0xbb: {  	[sflag:s26] =	ssyncset.done $0x0  }
0xbc: {  	[sflag:s26] =	ssyncadd.s32 $0xFFFFCE00  }
0xbd: {  	[spmem:s1] =	stream.indirect.scatter.add.f32 [tilespmem:s16], [sflag:$0x4], $0x80, s11, s22, $0xb8;
	[tilespmem:$0x1EC00] =	vst v63  }
0xbe: {  	_ =	swait.ge [sflag:s0], $0x3200  }
0xbf: {  	[sflag:s0] =	ssyncset.done $0x0  }
0xc0: {  	[sflag:s0] =	ssyncadd.s32 $0xFFFFCE00  }
0xc1: {  	_ =	swait.ge [sflag:s17], $0x3200  }
0xc2: {  	[sflag:s17] =	ssyncset.done $0x0  }
0xc3: {  	[sflag:s17] =	ssyncadd.s32 $0xFFFFCE00  }
0xc4: {  	s14 =	simm.s32 $0x200;
	_ =	swait.ge [sflag:s31], $0x3200  }
0xc5: {  	s15 =	simm.s32 $0x400;
	s24 =	rddreg [dreg:$0x4];
	[sflag:s31] =	ssyncset.done $0x0  }
.LBB2_4:
0xc6: {  	[sflag:s31] =	ssyncadd.s32 $0xFFFFCE00;
	s24 =	sadd.s32 s14, s24  }
0xc7: {  	[tilespmem:s2], [sflag:$0x7] =	stream.linear.gather [hbm4b:s24+s2], $0x280, $0x38;
	[tilespmem:$0x1EC00] =	vst v63  }
0xc8: {  	s5 =	rddreg [dreg:$0x3];
	s24 =	sadd.s32 $0x80, s24  }
0xc9: {  	[tilespmem:s18], [sflag:$0x7] =	stream.linear.gather [hbm4b:s24+s2], $0x280, $0x38;
	[tilespmem:$0x1EC00] =	vst v63  }
0xca: {  	s5 =	sadd.s32 s14, s5  }
0xcb: {  	[tilespmem:s19], [sflag:$0x8] =	stream.linear.gather [hbm4b:s5+s2], $0x280, $0x38;
	[tilespmem:$0x1EC00] =	vst v63  }
0xcc: {  	s5 =	sadd.s32 $0x80, s5  }
0xcd: {  	[tilespmem:s20], [sflag:$0x8] =	stream.linear.gather [hbm4b:s5+s2], $0x280, $0x38;
	[tilespmem:$0x1EC00] =	vst v63  }
0xce: {  	_ =	swait.ge [sflag:s21], $0x500  }
0xcf: {  	[sflag:s21] =	ssyncset.done $0x0  }
0xd0: {  	[sflag:s21] =	ssyncadd.s32 $0xFFFFFB00  }
0xd1: {  	[tilespmem:s16], [sflag:$0x1] =	stream.indirect.gather [hbm4b:s4+s22], $0x80, s2, s22, $0xb8;
	[tilespmem:$0x1EC00] =	vst v63  }
0xd2: {  	_ = 	snop  }
0xd3: {  	[tilespmem:s25], [sflag:$0x2] =	stream.indirect.gather [hbm4b:s4+s22], $0x80, s23, s22, $0xb8;
	[tilespmem:$0x1EC00] =	vst v63  }
0xd4: {  	_ =	swait.ge [sflag:s26], $0x3200  }
0xd5: {  	[sflag:s26] =	ssyncset.done $0x0  }
0xd6: {  	[sflag:s26] =	ssyncadd.s32 $0xFFFFCE00  }
0xd7: {  	[spmem:s1] =	stream.indirect.scatter.add.f32 [tilespmem:s16], [sflag:$0x4], $0x80, s18, s22, $0xb8;
	[tilespmem:$0x1EC00] =	vst v63  }
0xd8: {  	_ = 	snop  }
0xd9: {  	[tilespmem:s25], [sflag:$0x2] =	stream.indirect.gather [hbm4b:s4+s22], $0x80, s23, s22, $0xb8;
	[tilespmem:$0x1EC00] =	vst v63  }
0xda: {  	_ =	swait.ge [sflag:s28], $0x3200  }
0xdb: {  	s12 =	smov.u32 s15;
	[sflag:s28] =	ssyncset.done $0x0  }
0xdc: {  	s14 =	smov.u32 s12;
	s12 =	rddreg [dreg:$0x5];
	[sflag:s28] =	ssyncadd.s32 $0xFFFFCE00  }
0xdd: {  	[spmem:s1] =	stream.indirect.scatter.add.f32 [tilespmem:s25], [sflag:$0x5], $0x80, s12, s22, $0xb8;
	[tilespmem:$0x1EC00] =	vst v63  }
0xde: {  	s24 =	rddreg [dreg:$0x6]  }
0xdf: {  	[tilespmem:s29], [sflag:$0x3] =	stream.indirect.gather [hbm4b:s4+s22], $0x80, s24, s22, $0xb8;
	[tilespmem:$0x1EC00] =	vst v63  }
0xe0: {  	_ =	swait.ge [sflag:s30], $0x3200  }
0xe1: {  	[sflag:s30] =	ssyncset.done $0x0  }
0xe2: {  	s24 =	rddreg [dreg:$0x7];
	[sflag:s30] =	ssyncadd.s32 $0xFFFFCE00  }
0xe3: {  	[spmem:s1] =	stream.indirect.scatter.add.f32 [tilespmem:s29], [sflag:$0x6], $0x80, s24, s22, $0xb8;
	[tilespmem:$0x1EC00] =	vst v63  }
0xe4: {  	_ =	swait.ge [sflag:s31], $0x3200  }
0xe5: {  	[sflag:s31] =	ssyncset.done $0x0  }
0xe6: {  	s12 =	rddreg [dreg:$0x8];
	[sflag:s31] =	ssyncadd.s32 $0xFFFFCE00  }
0xe7: {  	[tilespmem:s16], [sflag:$0x1] =	stream.indirect.gather [hbm4b:s4+s22], $0x80, s12, s22, $0xb8;
	[tilespmem:$0x1EC00] =	vst v63  }
0xe8: {  	_ =	swait.ge [sflag:s26], $0x3200  }
0xe9: {  	[sflag:s26] =	ssyncset.done $0x0  }
0xea: {  	s24 =	rddreg [dreg:$0x9];
	[sflag:s26] =	ssyncadd.s32 $0xFFFFCE00  }
0xeb: {  	[spmem:s1] =	stream.indirect.scatter.add.f32 [tilespmem:s16], [sflag:$0x4], $0x80, s24, s22, $0xb8;
	[tilespmem:$0x1EC00] =	vst v63  }
0xec: {  	_ =	swait.ge [sflag:s0], $0x3200  }
0xed: {  	[sflag:s0] =	ssyncset.done $0x0  }
0xee: {  	s12 =	rddreg [dreg:$0xa];
	[sflag:s0] =	ssyncadd.s32 $0xFFFFCE00  }
0xef: {  	[tilespmem:s25], [sflag:$0x2] =	stream.indirect.gather [hbm4b:s4+s22], $0x80, s12, s22, $0xb8;
	[tilespmem:$0x1EC00] =	vst v63  }
0xf0: {  	_ =	swait.ge [sflag:s28], $0x3200  }
0xf1: {  	[sflag:s28] =	ssyncset.done $0x0  }
0xf2: {  	s24 =	rddreg [dreg:$0xb];
	[sflag:s28] =	ssyncadd.s32 $0xFFFFCE00  }
0xf3: {  	[spmem:s1] =	stream.indirect.scatter.add.f32 [tilespmem:s25], [sflag:$0x5], $0x80, s24, s22, $0xb8;
	[tilespmem:$0x1EC00] =	vst v63  }
0xf4: {  	_ =	swait.ge [sflag:s17], $0x3200  }
0xf5: {  	[sflag:s17] =	ssyncset.done $0x0  }
0xf6: {  	[sflag:s17] =	ssyncadd.s32 $0xFFFFCE00  }
0xf7: {  	_ =	swait.ge [sflag:s3], $0x500  }
0xf8: {  	[sflag:s3] =	ssyncset.done $0x0  }
0xf9: {  	[sflag:s3] =	ssyncadd.s32 $0xFFFFFB00  }
0xfa: {  	[tilespmem:s29], [sflag:$0x3] =	stream.indirect.gather [hbm4b:s4+s22], $0x80, s19, s22, $0xb8;
	[tilespmem:$0x1EC00] =	vst v63  }
0xfb: {  	_ =	swait.ge [sflag:s30], $0x3200  }
0xfc: {  	[sflag:s30] =	ssyncset.done $0x0  }
0xfd: {  	[sflag:s30] =	ssyncadd.s32 $0xFFFFCE00  }
0xfe: {  	[spmem:s1] =	stream.indirect.scatter.add.f32 [tilespmem:s29], [sflag:$0x6], $0x80, s20, s22, $0xb8;
	[tilespmem:$0x1EC00] =	vst v63  }
0xff: {  	_ =	swait.ge [sflag:s31], $0x3200  }
0x100: {  	[sflag:s31] =	ssyncset.done $0x0  }
0x101: {  	s12 =	rddreg [dreg:$0xc];
	[sflag:s31] =	ssyncadd.s32 $0xFFFFCE00  }
0x102: {  	[tilespmem:s16], [sflag:$0x1] =	stream.indirect.gather [hbm4b:s4+s22], $0x80, s12, s22, $0xb8;
	[tilespmem:$0x1EC00] =	vst v63  }
0x103: {  	_ =	swait.ge [sflag:s26], $0x3200  }
0x104: {  	[sflag:s26] =	ssyncset.done $0x0  }
0x105: {  	s24 =	rddreg [dreg:$0xd];
	[sflag:s26] =	ssyncadd.s32 $0xFFFFCE00  }
0x106: {  	[spmem:s1] =	stream.indirect.scatter.add.f32 [tilespmem:s16], [sflag:$0x4], $0x80, s24, s22, $0xb8;
	[tilespmem:$0x1EC00] =	vst v63  }
0x107: {  	_ =	swait.ge [sflag:s0], $0x3200  }
0x108: {  	[sflag:s0] =	ssyncset.done $0x0  }
0x109: {  	[sflag:s0] =	ssyncadd.s32 $0xFFFFCE00  }
0x10a: {  	[tilespmem:s25], [sflag:$0x2] =	stream.indirect.gather [hbm4b:s4+s22], $0x80, s6, s22, $0xb8;
	[tilespmem:$0x1EC00] =	vst v63  }
0x10b: {  	_ =	swait.ge [sflag:s28], $0x3200  }
0x10c: {  	[sflag:s28] =	ssyncset.done $0x0  }
0x10d: {  	[sflag:s28] =	ssyncadd.s32 $0xFFFFCE00  }
0x10e: {  	[spmem:s1] =	stream.indirect.scatter.add.f32 [tilespmem:s25], [sflag:$0x5], $0x80, s7, s22, $0xb8;
	[tilespmem:$0x1EC00] =	vst v63  }
0x10f: {  	_ =	swait.ge [sflag:s17], $0x3200  }
0x110: {  	[sflag:s17] =	ssyncset.done $0x0  }
0x111: {  	[sflag:s17] =	ssyncadd.s32 $0xFFFFCE00  }
0x112: {  	[tilespmem:s29], [sflag:$0x3] =	stream.indirect.gather [hbm4b:s4+s22], $0x80, s8, s22, $0xb8;
	[tilespmem:$0x1EC00] =	vst v63  }
0x113: {  	_ =	swait.ge [sflag:s30], $0x3200  }
0x114: {  	[sflag:s30] =	ssyncset.done $0x0  }
0x115: {  	[sflag:s30] =	ssyncadd.s32 $0xFFFFCE00  }
0x116: {  	[spmem:s1] =	stream.indirect.scatter.add.f32 [tilespmem:s29], [sflag:$0x6], $0x80, s9, s22, $0xb8;
	[tilespmem:$0x1EC00] =	vst v63  }
0x117: {  	_ =	swait.ge [sflag:s31], $0x3200  }
0x118: {  	[sflag:s31] =	ssyncset.done $0x0  }
0x119: {  	[sflag:s31] =	ssyncadd.s32 $0xFFFFCE00  }
0x11a: {  	[tilespmem:s16], [sflag:$0x1] =	stream.indirect.gather [hbm4b:s4+s22], $0x80, s10, s22, $0xb8;
	[tilespmem:$0x1EC00] =	vst v63  }
0x11b: {  	_ =	swait.ge [sflag:s26], $0x3200  }
0x11c: {  	[sflag:s26] =	ssyncset.done $0x0  }
0x11d: {  	[sflag:s26] =	ssyncadd.s32 $0xFFFFCE00  }
0x11e: {  	[spmem:s1] =	stream.indirect.scatter.add.f32 [tilespmem:s16], [sflag:$0x4], $0x80, s11, s22, $0xb8;
	[tilespmem:$0x1EC00] =	vst v63  }
0x11f: {  	_ =	swait.ge [sflag:s0], $0x3200  }
0x120: {  	[sflag:s0] =	ssyncset.done $0x0  }
0x121: {  	p0 =	sne.s32 s15, $0x1200;
	[sflag:s0] =	ssyncadd.s32 $0xFFFFCE00  }
.Ltmp1:
0x122: {  	_ =	swait.ge [sflag:s17], $0x3200;
	(pc) =	sbr.rel @p0 .LBB2_4-.Ltmp1, $4  }
0x123: {  	[sflag:s17] =	ssyncset.done $0x0  }
0x124: {  	[sflag:s17] =	ssyncadd.s32 $0xFFFFCE00  }
0x125: {  	_ =	swait.ge [sflag:s31], $0x3200  }
0x126: {  	s15 =	sadd.s32 $0x200, s15;
	s24 =	rddreg [dreg:$0x4];
	[sflag:s31] =	ssyncset.done $0x0  }
0x127: {  	[sflag:s31] =	ssyncadd.s32 $0xFFFFCE00;
	s5 =	sadd.s32 s14, s24  }
0x128: {  	[tilespmem:s2], [sflag:$0x7] =	stream.linear.gather [hbm4b:s5+s2], $0x280, $0x38;
	[tilespmem:$0x1EC00] =	vst v63  }
0x129: {  	s12 =	rddreg [dreg:$0x3];
	s5 =	sadd.s32 $0x80, s5  }
0x12a: {  	[tilespmem:s18], [sflag:$0x7] =	stream.linear.gather [hbm4b:s5+s2], $0x280, $0x38;
	[tilespmem:$0x1EC00] =	vst v63  }
0x12b: {  	s14 =	sadd.s32 s14, s12  }
0x12c: {  	[tilespmem:s19], [sflag:$0x8] =	stream.linear.gather [hbm4b:s14+s2], $0x280, $0x38;
	[tilespmem:$0x1EC00] =	vst v63  }
0x12d: {  	s5 =	sadd.s32 $0x80, s14  }
0x12e: {  	[tilespmem:s20], [sflag:$0x8] =	stream.linear.gather [hbm4b:s5+s2], $0x280, $0x38;
	[tilespmem:$0x1EC00] =	vst v63  }
0x12f: {  	_ =	swait.ge [sflag:s21], $0x500  }
0x130: {  	[sflag:s21] =	ssyncset.done $0x0  }
0x131: {  	[sflag:s21] =	ssyncadd.s32 $0xFFFFFB00  }
0x132: {  	[tilespmem:s16], [sflag:$0x1] =	stream.indirect.gather [hbm4b:s4+s22], $0x80, s2, s22, $0xb8;
	[tilespmem:$0x1EC00] =	vst v63  }
0x133: {  	_ = 	snop  }
0x134: {  	[tilespmem:s25], [sflag:$0x2] =	stream.indirect.gather [hbm4b:s4+s22], $0x80, s23, s22, $0xb8;
	[tilespmem:$0x1EC00] =	vst v63  }
0x135: {  	_ =	swait.ge [sflag:s26], $0x3200  }
0x136: {  	[sflag:s26] =	ssyncset.done $0x0  }
0x137: {  	[sflag:s26] =	ssyncadd.s32 $0xFFFFCE00  }
0x138: {  	[spmem:s1] =	stream.indirect.scatter.add.f32 [tilespmem:s16], [sflag:$0x4], $0x80, s18, s22, $0xb8;
	[tilespmem:$0x1EC00] =	vst v63  }
0x139: {  	_ = 	snop  }
0x13a: {  	[tilespmem:s25], [sflag:$0x2] =	stream.indirect.gather [hbm4b:s4+s22], $0x80, s23, s22, $0xb8;
	[tilespmem:$0x1EC00] =	vst v63  }
0x13b: {  	_ =	swait.ge [sflag:s28], $0x3200  }
0x13c: {  	[sflag:s28] =	ssyncset.done $0x0  }
0x13d: {  	s15 =	rddreg [dreg:$0x5];
	[sflag:s28] =	ssyncadd.s32 $0xFFFFCE00  }
0x13e: {  	[spmem:s1] =	stream.indirect.scatter.add.f32 [tilespmem:s25], [sflag:$0x5], $0x80, s15, s22, $0xb8;
	[tilespmem:$0x1EC00] =	vst v63  }
0x13f: {  	s24 =	rddreg [dreg:$0x6]  }
0x140: {  	[tilespmem:s29], [sflag:$0x3] =	stream.indirect.gather [hbm4b:s4+s22], $0x80, s24, s22, $0xb8;
	[tilespmem:$0x1EC00] =	vst v63  }
0x141: {  	_ =	swait.ge [sflag:s30], $0x3200  }
0x142: {  	[sflag:s30] =	ssyncset.done $0x0  }
0x143: {  	s14 =	rddreg [dreg:$0x7];
	[sflag:s30] =	ssyncadd.s32 $0xFFFFCE00  }
0x144: {  	[spmem:s1] =	stream.indirect.scatter.add.f32 [tilespmem:s29], [sflag:$0x6], $0x80, s14, s22, $0xb8;
	[tilespmem:$0x1EC00] =	vst v63  }
0x145: {  	_ =	swait.ge [sflag:s31], $0x3200  }
0x146: {  	[sflag:s31] =	ssyncset.done $0x0  }
0x147: {  	s15 =	rddreg [dreg:$0x8];
	[sflag:s31] =	ssyncadd.s32 $0xFFFFCE00  }
0x148: {  	[tilespmem:s16], [sflag:$0x1] =	stream.indirect.gather [hbm4b:s4+s22], $0x80, s15, s22, $0xb8;
	[tilespmem:$0x1EC00] =	vst v63  }
0x149: {  	_ =	swait.ge [sflag:s26], $0x3200  }
0x14a: {  	[sflag:s26] =	ssyncset.done $0x0  }
0x14b: {  	s24 =	rddreg [dreg:$0x9];
	[sflag:s26] =	ssyncadd.s32 $0xFFFFCE00  }
0x14c: {  	[spmem:s1] =	stream.indirect.scatter.add.f32 [tilespmem:s16], [sflag:$0x4], $0x80, s24, s22, $0xb8;
	[tilespmem:$0x1EC00] =	vst v63  }
0x14d: {  	_ =	swait.ge [sflag:s0], $0x3200  }
0x14e: {  	[sflag:s0] =	ssyncset.done $0x0  }
0x14f: {  	s12 =	rddreg [dreg:$0xa];
	[sflag:s0] =	ssyncadd.s32 $0xFFFFCE00  }
0x150: {  	[tilespmem:s25], [sflag:$0x2] =	stream.indirect.gather [hbm4b:s4+s22], $0x80, s12, s22, $0xb8;
	[tilespmem:$0x1EC00] =	vst v63  }
0x151: {  	_ =	swait.ge [sflag:s28], $0x3200  }
0x152: {  	[sflag:s28] =	ssyncset.done $0x0  }
0x153: {  	s14 =	rddreg [dreg:$0xb];
	[sflag:s28] =	ssyncadd.s32 $0xFFFFCE00  }
0x154: {  	[spmem:s1] =	stream.indirect.scatter.add.f32 [tilespmem:s25], [sflag:$0x5], $0x80, s14, s22, $0xb8;
	[tilespmem:$0x1EC00] =	vst v63  }
0x155: {  	_ =	swait.ge [sflag:s17], $0x3200  }
0x156: {  	[sflag:s17] =	ssyncset.done $0x0  }
0x157: {  	[sflag:s17] =	ssyncadd.s32 $0xFFFFCE00  }
0x158: {  	_ =	swait.ge [sflag:s3], $0x500  }
0x159: {  	[sflag:s3] =	ssyncset.done $0x0  }
0x15a: {  	[sflag:s3] =	ssyncadd.s32 $0xFFFFFB00  }
0x15b: {  	[tilespmem:s29], [sflag:$0x3] =	stream.indirect.gather [hbm4b:s4+s22], $0x80, s19, s22, $0xb8;
	[tilespmem:$0x1EC00] =	vst v63  }
0x15c: {  	_ =	swait.ge [sflag:s30], $0x3200  }
0x15d: {  	[sflag:s30] =	ssyncset.done $0x0  }
0x15e: {  	[sflag:s30] =	ssyncadd.s32 $0xFFFFCE00  }
0x15f: {  	[spmem:s1] =	stream.indirect.scatter.add.f32 [tilespmem:s29], [sflag:$0x6], $0x80, s20, s22, $0xb8;
	[tilespmem:$0x1EC00] =	vst v63  }
0x160: {  	_ =	swait.ge [sflag:s31], $0x3200  }
0x161: {  	[sflag:s31] =	ssyncset.done $0x0  }
0x162: {  	s15 =	rddreg [dreg:$0xc];
	[sflag:s31] =	ssyncadd.s32 $0xFFFFCE00  }
0x163: {  	[tilespmem:s16], [sflag:$0x1] =	stream.indirect.gather [hbm4b:s4+s22], $0x80, s15, s22, $0xb8;
	[tilespmem:$0x1EC00] =	vst v63  }
0x164: {  	_ =	swait.ge [sflag:s26], $0x3200  }
0x165: {  	[sflag:s26] =	ssyncset.done $0x0  }
0x166: {  	s24 =	rddreg [dreg:$0xd];
	[sflag:s26] =	ssyncadd.s32 $0xFFFFCE00  }
0x167: {  	[spmem:s1] =	stream.indirect.scatter.add.f32 [tilespmem:s16], [sflag:$0x4], $0x80, s24, s22, $0xb8;
	[tilespmem:$0x1EC00] =	vst v63  }
0x168: {  	_ =	swait.ge [sflag:s0], $0x3200  }
0x169: {  	[sflag:s0] =	ssyncset.done $0x0  }
0x16a: {  	[sflag:s0] =	ssyncadd.s32 $0xFFFFCE00  }
0x16b: {  	[tilespmem:s25], [sflag:$0x2] =	stream.indirect.gather [hbm4b:s4+s22], $0x80, s6, s22, $0xb8;
	[tilespmem:$0x1EC00] =	vst v63  }
0x16c: {  	_ =	swait.ge [sflag:s28], $0x3200  }
0x16d: {  	[sflag:s28] =	ssyncset.done $0x0  }
0x16e: {  	[sflag:s28] =	ssyncadd.s32 $0xFFFFCE00  }
0x16f: {  	[spmem:s1] =	stream.indirect.scatter.add.f32 [tilespmem:s25], [sflag:$0x5], $0x80, s7, s22, $0xb8;
	[tilespmem:$0x1EC00] =	vst v63  }
0x170: {  	_ =	swait.ge [sflag:s17], $0x3200  }
0x171: {  	[sflag:s17] =	ssyncset.done $0x0  }
0x172: {  	[sflag:s17] =	ssyncadd.s32 $0xFFFFCE00  }
0x173: {  	[tilespmem:s29], [sflag:$0x3] =	stream.indirect.gather [hbm4b:s4+s22], $0x80, s8, s22, $0xb8;
	[tilespmem:$0x1EC00] =	vst v63  }
0x174: {  	_ =	swait.ge [sflag:s30], $0x3200  }
0x175: {  	[sflag:s30] =	ssyncset.done $0x0  }
0x176: {  	[sflag:s30] =	ssyncadd.s32 $0xFFFFCE00  }
0x177: {  	[spmem:s1] =	stream.indirect.scatter.add.f32 [tilespmem:s29], [sflag:$0x6], $0x80, s9, s22, $0xb8;
	[tilespmem:$0x1EC00] =	vst v63  }
0x178: {  	_ =	swait.ge [sflag:s31], $0x3200  }
0x179: {  	[sflag:s31] =	ssyncset.done $0x0  }
0x17a: {  	[sflag:s31] =	ssyncadd.s32 $0xFFFFCE00  }
0x17b: {  	[tilespmem:s16], [sflag:$0x1] =	stream.indirect.gather [hbm4b:s4+s22], $0x80, s10, s22, $0xb8;
	[tilespmem:$0x1EC00] =	vst v63  }
0x17c: {  	_ =	swait.ge [sflag:s26], $0x3200  }
0x17d: {  	[sflag:s26] =	ssyncset.done $0x0  }
0x17e: {  	[sflag:s26] =	ssyncadd.s32 $0xFFFFCE00  }
0x17f: {  	[spmem:s1] =	stream.indirect.scatter.add.f32 [tilespmem:s16], [sflag:$0x4], $0x80, s11, s22, $0xb8;
	[tilespmem:$0x1EC00] =	vst v63  }
0x180: {  	_ =	swait.ge [sflag:s0], $0x3200  }
0x181: {  	[sflag:s0] =	ssyncset.done $0x0  }
0x182: {  	[sflag:s0] =	ssyncadd.s32 $0xFFFFCE00  }
0x183: {  	_ =	swait.ge [sflag:s17], $0x3200  }
0x184: {  	[sflag:s17] =	ssyncset.done $0x0  }
0x185: {  	[sflag:s17] =	ssyncadd.s32 $0xFFFFCE00  }
0x186: {  	_ =	swait.ge [sflag:s31], $0x3200  }
0x187: {  	[sflag:s31] =	ssyncset.done $0x0  }
0x188: {  	[sflag:s31] =	ssyncadd.s32 $0xFFFFCE00  }
0x189: {  	s12 =	stileid.u32;
	[bflag:$0x0] =	sbarrier.arrive $0xFFFF  }
0x18a: {  	s5 =	sshll.u32 s12, $0x6;
	s24 =	rddreg [dreg:$0xe]  }
0x18b: {  	s5 =	sor.u32 $0x1C09, s5;
	s15 =	rddreg [dreg:$0x19];
	s14 =	sshrl.u32 s24, $0x3  }
0x18c: {  	[hbm:s15], [sflag:s5] =	dma.local [spmem:s14], $0x2800  }
0x18d: {  	s14 =	simm.s32 $0x9  }
0x18e: {  	_ =	swait.ge [sflag:s14], $0x2800  }
0x18f: {  	s13 =	sadd.s32 $0x1, s13;
	s15 =	rddreg [dreg:$0xf]  }
0x190: {  	p0 =	sne.s32 s13, s15  }
.Ltmp2:
0x191: {  	_ = 	snop;
	(pc) =	sbr.rel @p0 .LBB2_1-.Ltmp2, $3  }
0x192: {  	_ =	sdelay $0x1  }
0x193: {  	[sflag:s14] =	ssyncset.done $0x0  }
0x194: {  	[sflag:s14] =	ssyncadd.s32 $0xFFFFD800  }
0x195: {  	_ =	sfence.sel $0x180000  }
0x196: {  	[bflag:$0x0] =	sbarrier.arrive $0xFFFF  }
0x197: {  	_ =	strace $0x90000047  }
0x198: {  	s0 =	stileid.u32;
	[bflag:$0x2] =	sbarrier.arrive $0xFFFF  }
0x199: {  	p0 =	sne.s32 s0, $0x0;
	s0 =	rddreg [dreg:$0x2]  }
0x19a: {  	s0 =	sadd.s32 @!p0 $0x100000, s0  }
0x19b: {  	[sflag:s0] =	ssyncadd.tile.s32 @!p0 $0x1;
	_ =	shalt  }
.Lfunc_end2:
_tile_overlayer_lowered:
.L_overlay_start_2:
0x19c: {  	(tag) =	ssettag $0x2  }
0x19d: {  	s0 =	rddreg [dreg:$0x0];
	s2 =	stileid.u32  }
0x19e: {  	s1 =	rddreg [dreg:$0x1];
	p0 =	sne.s32 s2, $0x0  }
0x19f: {  	s3 =	rddreg [dreg:$0x2];
	[bflag:$0x3] =	sbarrier.arrive $0xFFFF;
	s2 =	simm.s32 @!p0 $0x1C09  }
0x1a0: {  	[timem:s3], [sflag:s2] =	dma.local @!p0 [hbm:s0], s1  }
0x1a1: {  	s0 =	simm.s32 @!p0 $0x9  }
0x1a2: {  	_ =	swait.ge @!p0 [sflag:s0], s1  }
0x1a3: {  	s1 =	ssub.s32 @!p0 $0x0, s1;
	[sflag:s0] =	ssyncset.done @!p0 $0x0  }
0x1a4: {  	[sflag:s0] =	ssyncadd.s32 @!p0 s1  }
0x1a5: {  	[bflag:$0x3] =	sbarrier.arrive $0xFFFF  }
0x1a6: {  	_ =	shalt  }

</sc_bundles>
